<compile_context>
chip_gen: v7x
topology: tpu7x:2x2x1
jax: 0.10.2.dev20260603
libtpu: 0.0.44.dev20260713+nightly
codegen_flags: <defaults>
</compile_context>

<pallas_src>
import functools

import jax
import jax.numpy as jnp
from jax import lax
from jax.experimental import pallas as pl
from jax.experimental.pallas import tpu as pltpu
from jax.experimental.pallas import tpu_sc as plsc

_LANES = 16
_NC = 2
_NS = 16
_NW = _NC * _NS

_LP = 208
_G = 2
_NBUF = 2


def _embbag_sc(idx_pad, table):
    NG_ALL, GLP = idx_pad.shape
    B = NG_ALL * _G
    E = table.shape[1]
    SPT = B // _NW
    NGR = SPT // _G
    NCH = E // _LANES

    mesh = plsc.VectorSubcoreMesh(
        core_axis_name="c", subcore_axis_name="s",
        num_cores=_NC, num_subcores=_NS)

    @functools.partial(
        pl.kernel,
        mesh=mesh,
        out_type=jax.ShapeDtypeStruct((B, E), jnp.float32),
        scratch_types=[
            pltpu.VMEM((NGR, GLP), jnp.int32),
            pltpu.VMEM((_NBUF, GLP, E), jnp.float32),
            pltpu.VMEM((SPT, E), jnp.float32),
        ] + [pltpu.SemaphoreType.DMA] * _NBUF,
        compiler_params=pltpu.CompilerParams(
            use_tc_tiling_on_sc=False, needs_layout_passes=False),
    )
    def body(idx_hbm, table_hbm, pooled_hbm, idx_v, rows_v, pool_v, *sems):
        wid = lax.axis_index("s") * _NC + lax.axis_index("c")
        base = wid * NGR
        pltpu.sync_copy(idx_hbm.at[pl.ds(base, NGR)], idx_v)

        def fire(g, b):
            pltpu.async_copy(
                table_hbm.at[idx_v.at[g]], rows_v.at[b], sems[b])

        def wait(b):
            pltpu.make_async_copy(
                table_hbm.at[pl.ds(0, GLP)], rows_v.at[b], sems[b]).wait()

        for b in range(_NBUF):
            fire(b, b)

        fzero = jnp.zeros((_LANES,), jnp.float32)
        ione = jnp.ones((_LANES,), jnp.int32)
        izero = jnp.zeros((_LANES,), jnp.int32)

        def round_(r, carry):
            for b in range(_NBUF):
                g = r * _NBUF + b
                wait(b)

                for i in range(_G):
                    def jbody(jj, accs):
                        out = list(accs)
                        base = i * _LP + jj * _LANES
                        for j in range(_LANES):
                            p = (j & 1) * NCH
                            for c in range(NCH):
                                out[p + c] = out[p + c] + rows_v[
                                    b, base + j, pl.ds(c * _LANES, _LANES)]
                        return tuple(out)

                    accs = lax.fori_loop(
                        0, _LP // _LANES, jbody, (fzero,) * (2 * NCH))

                    cv = izero
                    for k in range(_LP // _LANES):
                        iv = idx_v[
                            g, pl.ds(i * _LP + k * _LANES, _LANES)]
                        cv = cv + jnp.where(iv != 0, ione, izero)
                    cnt = jnp.maximum(jnp.sum(cv), 1)
                    cntf = jnp.full((_LANES,), cnt.astype(jnp.float32))
                    s = g * _G + i
                    for c in range(NCH):
                        pool_v[s, pl.ds(c * _LANES, _LANES)] = (
                            accs[c] + accs[NCH + c]) / cntf

                ng = g + _NBUF

                @pl.when(ng < NGR)
                def _():
                    fire(ng, b)
            return carry

        lax.fori_loop(0, NGR // _NBUF, round_, 0)
        pltpu.sync_copy(pool_v, pooled_hbm.at[pl.ds(wid * SPT, SPT)])

    return body(idx_pad, table)


def _mlp_tc(pooled, W1, b1, W2, b2):
    B, E = pooled.shape
    H = W1.shape[1]
    C = W2.shape[1]
    BT = 512

    def body(x_ref, w1_ref, b1_ref, w2_ref, b2_ref, o_ref):
        x = x_ref[...]
        h = jnp.dot(x, w1_ref[...], preferred_element_type=jnp.float32)
        h = jnp.maximum(h + b1_ref[...], 0.0)
        logits = jnp.dot(h, w2_ref[...], preferred_element_type=jnp.float32)
        logits = logits + b2_ref[...]
        m = jnp.max(logits, axis=1, keepdims=True)
        e = jnp.exp(logits - m)
        o_ref[...] = e / jnp.sum(e, axis=1, keepdims=True)

    return pl.pallas_call(
        body,
        grid=(B // BT,),
        in_specs=[
            pl.BlockSpec((BT, E), lambda i: (i, 0)),
            pl.BlockSpec((E, H), lambda i: (0, 0)),
            pl.BlockSpec((1, H), lambda i: (0, 0)),
            pl.BlockSpec((H, C), lambda i: (0, 0)),
            pl.BlockSpec((1, C), lambda i: (0, 0)),
        ],
        out_specs=pl.BlockSpec((BT, C), lambda i: (i, 0)),
        out_shape=jax.ShapeDtypeStruct((B, C), jnp.float32),
    )(pooled, W1, b1.reshape(1, H), W2, b2.reshape(1, C))


def kernel(batch_inputs, batch_lengths, emb_table, W1, b1, W2, b2):
    B, L = batch_inputs.shape
    idx_pad = jnp.pad(batch_inputs, ((0, 0), (0, _LP - L)))
    idx_pad = idx_pad.reshape(B // _G, _G * _LP)
    pooled = _embbag_sc(idx_pad, emb_table)
    return _mlp_tc(pooled, W1, b1, W2, b2)

# --- scband reference (transcript-rebuilt; emitter-appended) ---
"""Pipeline reference for scband-feed-forward-neural-net-classifier-87643102642357 (READ-ONLY COPY).

The authoritative reference and input builder live on the scoring server;
editing this copy changes nothing except your own understanding.
"""

import jax, jax.numpy as jnp
import numpy as np

B = 4096
L = 200
VOCAB = 1000000
EMB = 64
HID = 256
NCLS = 2

def setup_inputs(seed: int = 0) -> dict:
    key = jax.random.key(seed)
    k1, k2, k3, k4, k5, k6, k7 = jax.random.split(key, 7)
    batch_inputs = jax.random.randint(k1, (B, L), 0, VOCAB, dtype=jnp.int32)
    batch_lengths = jax.random.randint(k2, (B,), 1, L, dtype=jnp.int32)
    emb_table = jax.random.normal(k3, (VOCAB, EMB), dtype=jnp.float32)
    # padding_idx=0: row 0 is zeros in torch EmbeddingBag
    emb_table = emb_table.at[0].set(0.0)
    lim1 = 1.0 / np.sqrt(EMB)
    W1 = jax.random.uniform(k4, (EMB, HID), dtype=jnp.float32, minval=-lim1, maxval=lim1)
    b1 = jax.random.uniform(k5, (HID,), dtype=jnp.float32, minval=-lim1, maxval=lim1)
    lim2 = 1.0 / np.sqrt(HID)
    W2 = jax.random.uniform(k6, (HID, NCLS), dtype=jnp.float32, minval=-lim2, maxval=lim2)
    b2 = jax.random.uniform(k7, (NCLS,), dtype=jnp.float32, minval=-lim2, maxval=lim2)
    return {"batch_inputs": batch_inputs, "batch_lengths": batch_lengths,
            "emb_table": emb_table, "W1": W1, "b1": b1, "W2": W2, "b2": b2}

def reference(batch_inputs, batch_lengths, emb_table, W1, b1, W2, b2):
    # EmbeddingBag(mode='mean', padding_idx=0): padding entries excluded from mean
    mask = (batch_inputs != 0)
    gathered = jnp.take(emb_table, batch_inputs, axis=0)  # [B, L, EMB]
    gathered = gathered * mask[..., None].astype(gathered.dtype)
    summed = jnp.sum(gathered, axis=1)  # [B, EMB]
    counts = jnp.maximum(jnp.sum(mask, axis=1), 1).astype(summed.dtype)
    pooled = summed / counts[:, None]
    h = jax.nn.relu(pooled @ W1 + b1)
    logits = h @ W2 + b2
    out = jax.nn.softmax(logits, axis=1)
    return out

if __name__ == "__main__":
    import jax
    _d = setup_inputs()
    print(jax.jit(kernel)(*tuple(_d.values())))

</pallas_src>

<mosaic_0001>
#map = affine_map<(d0, d1) -> (0, 0)>
module attributes {stable_mosaic.version = 14 : i64} {
  func.func @body(%arg0: i32, %arg1: i32, %arg2: memref<2048x416xi32, #tpu.memory_space<hbm>>, %arg3: memref<1000000x64xf32, #tpu.memory_space<hbm>>, %arg4: memref<4096x64xf32, #tpu.memory_space<hbm>>, %arg5: memref<64x416xi32, #tpu.memory_space<vmem>>, %arg6: memref<2x416x64xf32, #tpu.memory_space<vmem>>, %arg7: memref<128x64xf32, #tpu.memory_space<vmem>>, %arg8: memref<!tpu.dma_semaphore, #tpu.memory_space<semaphore_mem>>, %arg9: memref<!tpu.dma_semaphore, #tpu.memory_space<semaphore_mem>>) attributes {dimension_semantics = [#tpu.dimension_semantics<core_parallel>, #tpu.dimension_semantics<subcore_parallel>], iteration_bounds = array<i64: 2, 16>, scalar_prefetch = 0 : i64, scratch_operands = 5 : i64, tpu.core_type = #tpu.core_type<sc_vector_subcore>, window_params = [{transform_indices = #map}, {transform_indices = #map}, {transform_indices = #map}]} {
    %mul3A = arith.constant 2 : i32
    %mul3A_0 = arith.muli %arg1, %mul3A : i32
    %add3A = arith.addi %mul3A_0, %arg0 : i32
    %mul3A_1 = arith.constant 64 : i32
    %mul3A_2 = arith.muli %add3A, %mul3A_1 : i32
    "tpu.region"() ({
      %run_scoped3A = tpu.sem_alloc : memref<!tpu.dma_semaphore, #tpu.memory_space<semaphore_mem>>
      %dma_start3A_38 = arith.constant 0 : i32
      %dma_start3A_39 = tpu.memref_slice %arg2[%mul3A_2, %dma_start3A_38] : memref<2048x416xi32, #tpu.memory_space<hbm>> -> memref<64x416xi32, #tpu.memory_space<hbm>>
      %dma_start3A_40 = arith.constant 0 : i32
      %dma_start3A_41 = tpu.memref_slice %arg2[%mul3A_2, %dma_start3A_40] : memref<2048x416xi32, #tpu.memory_space<hbm>> -> memref<64x416xi32, #tpu.memory_space<hbm>>
      tpu.enqueue_dma source(%dma_start3A_41 : memref<64x416xi32, #tpu.memory_space<hbm>>) target(%arg5 : memref<64x416xi32, #tpu.memory_space<vmem>>) target_semaphore(%run_scoped3A : memref<!tpu.dma_semaphore, #tpu.memory_space<semaphore_mem>>)
      %dma_wait3A = arith.constant 0 : i32
      %dma_wait3A_42 = tpu.memref_slice %arg2[%mul3A_2, %dma_wait3A] : memref<2048x416xi32, #tpu.memory_space<hbm>> -> memref<64x416xi32, #tpu.memory_space<hbm>>
      %dma_wait3A_43 = arith.constant 0 : i32
      %dma_wait3A_44 = tpu.memref_slice %arg2[%mul3A_2, %dma_wait3A_43] : memref<2048x416xi32, #tpu.memory_space<hbm>> -> memref<64x416xi32, #tpu.memory_space<hbm>>
      tpu.wait_dma2 semaphore(%run_scoped3A : memref<!tpu.dma_semaphore, #tpu.memory_space<semaphore_mem>>) src(%dma_wait3A_44 : memref<64x416xi32, #tpu.memory_space<hbm>>) dst(%arg5 : memref<64x416xi32, #tpu.memory_space<vmem>>)
      tpu.yield
    }) : () -> ()
    %dma_start3A = arith.constant 0 : i32
    %dma_start3A_3 = arith.constant 0 : i32
    %dma_start3A_4 = arith.constant 0 : i32
    %dma_start3A_5 = arith.constant 0 : i32
    %dma_start3A_6 = tpu.memref_slice %arg6[%dma_start3A_3, %dma_start3A_4, %dma_start3A_5] : memref<2x416x64xf32, #tpu.memory_space<vmem>> -> memref<1x416x64xf32, #tpu.memory_space<vmem>>
    %dma_start3A_7 = tpu.memref_squeeze %dma_start3A_6 : memref<1x416x64xf32, #tpu.memory_space<vmem>> -> memref<416x64xf32, #tpu.memory_space<vmem>>
    %dma_start3A_8 = arith.constant 0 : i32
    %dma_start3A_9 = tpu.memref_slice %arg5[%dma_start3A, %dma_start3A_8] : memref<64x416xi32, #tpu.memory_space<vmem>> -> memref<1x416xi32, #tpu.memory_space<vmem>>
    %dma_start3A_10 = tpu.memref_squeeze %dma_start3A_9 : memref<1x416xi32, #tpu.memory_space<vmem>> -> memref<416xi32, #tpu.memory_space<vmem>>
    %dma_start3A_11 = arith.constant 0 : i32
    %dma_start3A_12 = arith.constant 0 : i32
    %dma_start3A_13 = tpu.memref_slice %arg3[%dma_start3A_11, %dma_start3A_12] : memref<1000000x64xf32, #tpu.memory_space<hbm>> -> memref<1000000x64xf32, #tpu.memory_space<hbm>>
    tpu.enqueue_indirect_dma source(%dma_start3A_13 : memref<1000000x64xf32, #tpu.memory_space<hbm>>) target(%dma_start3A_7 : memref<416x64xf32, #tpu.memory_space<vmem>>) offsets(%dma_start3A_10 : memref<416xi32, #tpu.memory_space<vmem>>) semaphore(%arg8 : memref<!tpu.dma_semaphore, #tpu.memory_space<semaphore_mem>>)
    %dma_start3A_14 = arith.constant 1 : i32
    %dma_start3A_15 = arith.constant 1 : i32
    %dma_start3A_16 = arith.constant 0 : i32
    %dma_start3A_17 = arith.constant 0 : i32
    %dma_start3A_18 = tpu.memref_slice %arg6[%dma_start3A_15, %dma_start3A_16, %dma_start3A_17] : memref<2x416x64xf32, #tpu.memory_space<vmem>> -> memref<1x416x64xf32, #tpu.memory_space<vmem>>
    %dma_start3A_19 = tpu.memref_squeeze %dma_start3A_18 : memref<1x416x64xf32, #tpu.memory_space<vmem>> -> memref<416x64xf32, #tpu.memory_space<vmem>>
    %dma_start3A_20 = arith.constant 0 : i32
    %dma_start3A_21 = tpu.memref_slice %arg5[%dma_start3A_14, %dma_start3A_20] : memref<64x416xi32, #tpu.memory_space<vmem>> -> memref<1x416xi32, #tpu.memory_space<vmem>>
    %dma_start3A_22 = tpu.memref_squeeze %dma_start3A_21 : memref<1x416xi32, #tpu.memory_space<vmem>> -> memref<416xi32, #tpu.memory_space<vmem>>
    %dma_start3A_23 = arith.constant 0 : i32
    %dma_start3A_24 = arith.constant 0 : i32
    %dma_start3A_25 = tpu.memref_slice %arg3[%dma_start3A_23, %dma_start3A_24] : memref<1000000x64xf32, #tpu.memory_space<hbm>> -> memref<1000000x64xf32, #tpu.memory_space<hbm>>
    tpu.enqueue_indirect_dma source(%dma_start3A_25 : memref<1000000x64xf32, #tpu.memory_space<hbm>>) target(%dma_start3A_19 : memref<416x64xf32, #tpu.memory_space<vmem>>) offsets(%dma_start3A_22 : memref<416xi32, #tpu.memory_space<vmem>>) semaphore(%arg9 : memref<!tpu.dma_semaphore, #tpu.memory_space<semaphore_mem>>)
    %broadcast_in_dim3A = arith.constant 0.000000e+00 : f32
    %broadcast_in_dim3A_26 = vector.broadcast %broadcast_in_dim3A : f32 to vector<16xf32>
    %broadcast_in_dim3A_27 = arith.constant 1 : i32
    %broadcast_in_dim3A_28 = vector.broadcast %broadcast_in_dim3A_27 : i32 to vector<16xi32>
    %broadcast_in_dim3A_29 = arith.constant 0 : i32
    %broadcast_in_dim3A_30 = vector.broadcast %broadcast_in_dim3A_29 : i32 to vector<16xi32>
    %scan3A = arith.constant 0 : i32
    %scan3A_31 = arith.constant 0 : i32
    %scan3A_32 = arith.constant 32 : i32
    %scan3A_33 = arith.addi %scan3A_31, %scan3A_32 : i32
    %scan3A_34 = arith.constant 1 : i32
    scf.for %scan3A_38 = %scan3A_31 to %scan3A_33 step %scan3A_34  : i32 {
      %mul3A_39 = arith.constant 2 : i32
      %mul3A_40 = arith.muli %scan3A_38, %mul3A_39 : i32
      %add3A_41 = arith.constant 0 : i32
      %add3A_42 = arith.addi %mul3A_40, %add3A_41 : i32
      %dma_wait3A = arith.constant 0 : i32
      %dma_wait3A_43 = arith.constant 0 : i32
      %dma_wait3A_44 = arith.constant 0 : i32
      %dma_wait3A_45 = tpu.memref_slice %arg6[%dma_wait3A, %dma_wait3A_43, %dma_wait3A_44] : memref<2x416x64xf32, #tpu.memory_space<vmem>> -> memref<1x416x64xf32, #tpu.memory_space<vmem>>
      %dma_wait3A_46 = tpu.memref_squeeze %dma_wait3A_45 : memref<1x416x64xf32, #tpu.memory_space<vmem>> -> memref<416x64xf32, #tpu.memory_space<vmem>>
      %dma_wait3A_47 = arith.constant 0 : i32
      %dma_wait3A_48 = arith.constant 0 : i32
      %dma_wait3A_49 = tpu.memref_slice %arg3[%dma_wait3A_47, %dma_wait3A_48] : memref<1000000x64xf32, #tpu.memory_space<hbm>> -> memref<416x64xf32, #tpu.memory_space<hbm>>
      %dma_wait3A_50 = arith.constant 0 : i32
      %dma_wait3A_51 = arith.constant 0 : i32
      %dma_wait3A_52 = tpu.memref_slice %arg6[%dma_wait3A, %dma_wait3A_50, %dma_wait3A_51] : memref<2x416x64xf32, #tpu.memory_space<vmem>> -> memref<1x416x64xf32, #tpu.memory_space<vmem>>
      %dma_wait3A_53 = tpu.memref_squeeze %dma_wait3A_52 : memref<1x416x64xf32, #tpu.memory_space<vmem>> -> memref<416x64xf32, #tpu.memory_space<vmem>>
      %dma_wait3A_54 = arith.constant 0 : i32
      %dma_wait3A_55 = arith.constant 0 : i32
      %dma_wait3A_56 = tpu.memref_slice %arg3[%dma_wait3A_54, %dma_wait3A_55] : memref<1000000x64xf32, #tpu.memory_space<hbm>> -> memref<416x64xf32, #tpu.memory_space<hbm>>
      tpu.wait_dma2 semaphore(%arg8 : memref<!tpu.dma_semaphore, #tpu.memory_space<semaphore_mem>>) src(%dma_wait3A_56 : memref<416x64xf32, #tpu.memory_space<hbm>>) dst(%dma_wait3A_53 : memref<416x64xf32, #tpu.memory_space<vmem>>)
      %scan3A_57 = arith.constant 0 : i32
      %scan3A_58 = arith.constant 13 : i32
      %scan3A_59 = arith.addi %scan3A_57, %scan3A_58 : i32
      %scan3A_60 = arith.constant 1 : i32
      %scan3A_61:8 = scf.for %scan3A_648 = %scan3A_57 to %scan3A_59 step %scan3A_60 iter_args(%scan3A_649 = %broadcast_in_dim3A_26, %scan3A_650 = %broadcast_in_dim3A_26, %scan3A_651 = %broadcast_in_dim3A_26, %scan3A_652 = %broadcast_in_dim3A_26, %scan3A_653 = %broadcast_in_dim3A_26, %scan3A_654 = %broadcast_in_dim3A_26, %scan3A_655 = %broadcast_in_dim3A_26, %scan3A_656 = %broadcast_in_dim3A_26) -> (vector<16xf32>, vector<16xf32>, vector<16xf32>, vector<16xf32>, vector<16xf32>, vector<16xf32>, vector<16xf32>, vector<16xf32>)  : i32 {
        %mul3A_657 = arith.constant 16 : i32
        %mul3A_658 = arith.muli %scan3A_648, %mul3A_657 : i32
        %add3A_659 = arith.constant 0 : i32
        %add3A_660 = arith.addi %add3A_659, %mul3A_658 : i32
        %add3A_661 = arith.constant 0 : i32
        %add3A_662 = arith.addi %add3A_660, %add3A_661 : i32
        %get3A_663 = arith.constant 0 : i32
        %get3A_664 = arith.index_cast %get3A_663 : i32 to index
        %get3A_665 = arith.index_cast %add3A_662 : i32 to index
        %get3A_666 = arith.constant 0 : index
        %get3A_667 = tpu.vector_load %arg6[%get3A_664, %get3A_665, %get3A_666] {strides = array<i32>} : memref<2x416x64xf32, #tpu.memory_space<vmem>>, vector<16xf32>,
        %add3A_668 = arith.addf %scan3A_649, %get3A_667 : vector<16xf32>
        %add3A_669 = arith.constant 0 : i32
        %add3A_670 = arith.addi %add3A_660, %add3A_669 : i32
        %get3A_671 = arith.constant 0 : i32
        %get3A_672 = arith.index_cast %get3A_671 : i32 to index
        %get3A_673 = arith.index_cast %add3A_670 : i32 to index
        %get3A_674 = arith.constant 16 : index
        %get3A_675 = tpu.vector_load %arg6[%get3A_672, %get3A_673, %get3A_674] {strides = array<i32>} : memref<2x416x64xf32, #tpu.memory_space<vmem>>, vector<16xf32>,
        %add3A_676 = arith.addf %scan3A_650, %get3A_675 : vector<16xf32>
        %add3A_677 = arith.constant 0 : i32
        %add3A_678 = arith.addi %add3A_660, %add3A_677 : i32
        %get3A_679 = arith.constant 0 : i32
        %get3A_680 = arith.index_cast %get3A_679 : i32 to index
        %get3A_681 = arith.index_cast %add3A_678 : i32 to index
        %get3A_682 = arith.constant 32 : index
        %get3A_683 = tpu.vector_load %arg6[%get3A_680, %get3A_681, %get3A_682] {strides = array<i32>} : memref<2x416x64xf32, #tpu.memory_space<vmem>>, vector<16xf32>,
        %add3A_684 = arith.addf %scan3A_651, %get3A_683 : vector<16xf32>
        %add3A_685 = arith.constant 0 : i32
        %add3A_686 = arith.addi %add3A_660, %add3A_685 : i32
        %get3A_687 = arith.constant 0 : i32
        %get3A_688 = arith.index_cast %get3A_687 : i32 to index
        %get3A_689 = arith.index_cast %add3A_686 : i32 to index
        %get3A_690 = arith.constant 48 : index
        %get3A_691 = tpu.vector_load %arg6[%get3A_688, %get3A_689, %get3A_690] {strides = array<i32>} : memref<2x416x64xf32, #tpu.memory_space<vmem>>, vector<16xf32>,
        %add3A_692 = arith.addf %scan3A_652, %get3A_691 : vector<16xf32>
        %add3A_693 = arith.constant 1 : i32
        %add3A_694 = arith.addi %add3A_660, %add3A_693 : i32
        %get3A_695 = arith.constant 0 : i32
        %get3A_696 = arith.index_cast %get3A_695 : i32 to index
        %get3A_697 = arith.index_cast %add3A_694 : i32 to index
        %get3A_698 = arith.constant 0 : index
        %get3A_699 = tpu.vector_load %arg6[%get3A_696, %get3A_697, %get3A_698] {strides = array<i32>} : memref<2x416x64xf32, #tpu.memory_space<vmem>>, vector<16xf32>,
        %add3A_700 = arith.addf %scan3A_653, %get3A_699 : vector<16xf32>
        %add3A_701 = arith.constant 1 : i32
        %add3A_702 = arith.addi %add3A_660, %add3A_701 : i32
        %get3A_703 = arith.constant 0 : i32
        %get3A_704 = arith.index_cast %get3A_703 : i32 to index
        %get3A_705 = arith.index_cast %add3A_702 : i32 to index
        %get3A_706 = arith.constant 16 : index
        %get3A_707 = tpu.vector_load %arg6[%get3A_704, %get3A_705, %get3A_706] {strides = array<i32>} : memref<2x416x64xf32, #tpu.memory_space<vmem>>, vector<16xf32>,
        %add3A_708 = arith.addf %scan3A_654, %get3A_707 : vector<16xf32>
        %add3A_709 = arith.constant 1 : i32
        %add3A_710 = arith.addi %add3A_660, %add3A_709 : i32
        %get3A_711 = arith.constant 0 : i32
        %get3A_712 = arith.index_cast %get3A_711 : i32 to index
        %get3A_713 = arith.index_cast %add3A_710 : i32 to index
        %get3A_714 = arith.constant 32 : index
        %get3A_715 = tpu.vector_load %arg6[%get3A_712, %get3A_713, %get3A_714] {strides = array<i32>} : memref<2x416x64xf32, #tpu.memory_space<vmem>>, vector<16xf32>,
        %add3A_716 = arith.addf %scan3A_655, %get3A_715 : vector<16xf32>
        %add3A_717 = arith.constant 1 : i32
        %add3A_718 = arith.addi %add3A_660, %add3A_717 : i32
        %get3A_719 = arith.constant 0 : i32
        %get3A_720 = arith.index_cast %get3A_719 : i32 to index
        %get3A_721 = arith.index_cast %add3A_718 : i32 to index
        %get3A_722 = arith.constant 48 : index
        %get3A_723 = tpu.vector_load %arg6[%get3A_720, %get3A_721, %get3A_722] {strides = array<i32>} : memref<2x416x64xf32, #tpu.memory_space<vmem>>, vector<16xf32>,
        %add3A_724 = arith.addf %scan3A_656, %get3A_723 : vector<16xf32>
        %add3A_725 = arith.constant 2 : i32
        %add3A_726 = arith.addi %add3A_660, %add3A_725 : i32
        %get3A_727 = arith.constant 0 : i32
        %get3A_728 = arith.index_cast %get3A_727 : i32 to index
        %get3A_729 = arith.index_cast %add3A_726 : i32 to index
        %get3A_730 = arith.constant 0 : index
        %get3A_731 = tpu.vector_load %arg6[%get3A_728, %get3A_729, %get3A_730] {strides = array<i32>} : memref<2x416x64xf32, #tpu.memory_space<vmem>>, vector<16xf32>,
        %add3A_732 = arith.addf %add3A_668, %get3A_731 : vector<16xf32>
        %add3A_733 = arith.constant 2 : i32
        %add3A_734 = arith.addi %add3A_660, %add3A_733 : i32
        %get3A_735 = arith.constant 0 : i32
        %get3A_736 = arith.index_cast %get3A_735 : i32 to index
        %get3A_737 = arith.index_cast %add3A_734 : i32 to index
        %get3A_738 = arith.constant 16 : index
        %get3A_739 = tpu.vector_load %arg6[%get3A_736, %get3A_737, %get3A_738] {strides = array<i32>} : memref<2x416x64xf32, #tpu.memory_space<vmem>>, vector<16xf32>,
        %add3A_740 = arith.addf %add3A_676, %get3A_739 : vector<16xf32>
        %add3A_741 = arith.constant 2 : i32
        %add3A_742 = arith.addi %add3A_660, %add3A_741 : i32
        %get3A_743 = arith.constant 0 : i32
        %get3A_744 = arith.index_cast %get3A_743 : i32 to index
        %get3A_745 = arith.index_cast %add3A_742 : i32 to index
        %get3A_746 = arith.constant 32 : index
        %get3A_747 = tpu.vector_load %arg6[%get3A_744, %get3A_745, %get3A_746] {strides = array<i32>} : memref<2x416x64xf32, #tpu.memory_space<vmem>>, vector<16xf32>,
        %add3A_748 = arith.addf %add3A_684, %get3A_747 : vector<16xf32>
        %add3A_749 = arith.constant 2 : i32
        %add3A_750 = arith.addi %add3A_660, %add3A_749 : i32
        %get3A_751 = arith.constant 0 : i32
        %get3A_752 = arith.index_cast %get3A_751 : i32 to index
        %get3A_753 = arith.index_cast %add3A_750 : i32 to index
        %get3A_754 = arith.constant 48 : index
        %get3A_755 = tpu.vector_load %arg6[%get3A_752, %get3A_753, %get3A_754] {strides = array<i32>} : memref<2x416x64xf32, #tpu.memory_space<vmem>>, vector<16xf32>,
        %add3A_756 = arith.addf %add3A_692, %get3A_755 : vector<16xf32>
        %add3A_757 = arith.constant 3 : i32
        %add3A_758 = arith.addi %add3A_660, %add3A_757 : i32
        %get3A_759 = arith.constant 0 : i32
        %get3A_760 = arith.index_cast %get3A_759 : i32 to index
        %get3A_761 = arith.index_cast %add3A_758 : i32 to index
        %get3A_762 = arith.constant 0 : index
        %get3A_763 = tpu.vector_load %arg6[%get3A_760, %get3A_761, %get3A_762] {strides = array<i32>} : memref<2x416x64xf32, #tpu.memory_space<vmem>>, vector<16xf32>,
        %add3A_764 = arith.addf %add3A_700, %get3A_763 : vector<16xf32>
        %add3A_765 = arith.constant 3 : i32
        %add3A_766 = arith.addi %add3A_660, %add3A_765 : i32
        %get3A_767 = arith.constant 0 : i32
        %get3A_768 = arith.index_cast %get3A_767 : i32 to index
        %get3A_769 = arith.index_cast %add3A_766 : i32 to index
        %get3A_770 = arith.constant 16 : index
        %get3A_771 = tpu.vector_load %arg6[%get3A_768, %get3A_769, %get3A_770] {strides = array<i32>} : memref<2x416x64xf32, #tpu.memory_space<vmem>>, vector<16xf32>,
        %add3A_772 = arith.addf %add3A_708, %get3A_771 : vector<16xf32>
        %add3A_773 = arith.constant 3 : i32
        %add3A_774 = arith.addi %add3A_660, %add3A_773 : i32
        %get3A_775 = arith.constant 0 : i32
        %get3A_776 = arith.index_cast %get3A_775 : i32 to index
        %get3A_777 = arith.index_cast %add3A_774 : i32 to index
        %get3A_778 = arith.constant 32 : index
        %get3A_779 = tpu.vector_load %arg6[%get3A_776, %get3A_777, %get3A_778] {strides = array<i32>} : memref<2x416x64xf32, #tpu.memory_space<vmem>>, vector<16xf32>,
        %add3A_780 = arith.addf %add3A_716, %get3A_779 : vector<16xf32>
        %add3A_781 = arith.constant 3 : i32
        %add3A_782 = arith.addi %add3A_660, %add3A_781 : i32
        %get3A_783 = arith.constant 0 : i32
        %get3A_784 = arith.index_cast %get3A_783 : i32 to index
        %get3A_785 = arith.index_cast %add3A_782 : i32 to index
        %get3A_786 = arith.constant 48 : index
        %get3A_787 = tpu.vector_load %arg6[%get3A_784, %get3A_785, %get3A_786] {strides = array<i32>} : memref<2x416x64xf32, #tpu.memory_space<vmem>>, vector<16xf32>,
        %add3A_788 = arith.addf %add3A_724, %get3A_787 : vector<16xf32>
        %add3A_789 = arith.constant 4 : i32
        %add3A_790 = arith.addi %add3A_660, %add3A_789 : i32
        %get3A_791 = arith.constant 0 : i32
        %get3A_792 = arith.index_cast %get3A_791 : i32 to index
        %get3A_793 = arith.index_cast %add3A_790 : i32 to index
        %get3A_794 = arith.constant 0 : index
        %get3A_795 = tpu.vector_load %arg6[%get3A_792, %get3A_793, %get3A_794] {strides = array<i32>} : memref<2x416x64xf32, #tpu.memory_space<vmem>>, vector<16xf32>,
        %add3A_796 = arith.addf %add3A_732, %get3A_795 : vector<16xf32>
        %add3A_797 = arith.constant 4 : i32
        %add3A_798 = arith.addi %add3A_660, %add3A_797 : i32
        %get3A_799 = arith.constant 0 : i32
        %get3A_800 = arith.index_cast %get3A_799 : i32 to index
        %get3A_801 = arith.index_cast %add3A_798 : i32 to index
        %get3A_802 = arith.constant 16 : index
        %get3A_803 = tpu.vector_load %arg6[%get3A_800, %get3A_801, %get3A_802] {strides = array<i32>} : memref<2x416x64xf32, #tpu.memory_space<vmem>>, vector<16xf32>,
        %add3A_804 = arith.addf %add3A_740, %get3A_803 : vector<16xf32>
        %add3A_805 = arith.constant 4 : i32
        %add3A_806 = arith.addi %add3A_660, %add3A_805 : i32
        %get3A_807 = arith.constant 0 : i32
        %get3A_808 = arith.index_cast %get3A_807 : i32 to index
        %get3A_809 = arith.index_cast %add3A_806 : i32 to index
        %get3A_810 = arith.constant 32 : index
        %get3A_811 = tpu.vector_load %arg6[%get3A_808, %get3A_809, %get3A_810] {strides = array<i32>} : memref<2x416x64xf32, #tpu.memory_space<vmem>>, vector<16xf32>,
        %add3A_812 = arith.addf %add3A_748, %get3A_811 : vector<16xf32>
        %add3A_813 = arith.constant 4 : i32
        %add3A_814 = arith.addi %add3A_660, %add3A_813 : i32
        %get3A_815 = arith.constant 0 : i32
        %get3A_816 = arith.index_cast %get3A_815 : i32 to index
        %get3A_817 = arith.index_cast %add3A_814 : i32 to index
        %get3A_818 = arith.constant 48 : index
        %get3A_819 = tpu.vector_load %arg6[%get3A_816, %get3A_817, %get3A_818] {strides = array<i32>} : memref<2x416x64xf32, #tpu.memory_space<vmem>>, vector<16xf32>,
        %add3A_820 = arith.addf %add3A_756, %get3A_819 : vector<16xf32>
        %add3A_821 = arith.constant 5 : i32
        %add3A_822 = arith.addi %add3A_660, %add3A_821 : i32
        %get3A_823 = arith.constant 0 : i32
        %get3A_824 = arith.index_cast %get3A_823 : i32 to index
        %get3A_825 = arith.index_cast %add3A_822 : i32 to index
        %get3A_826 = arith.constant 0 : index
        %get3A_827 = tpu.vector_load %arg6[%get3A_824, %get3A_825, %get3A_826] {strides = array<i32>} : memref<2x416x64xf32, #tpu.memory_space<vmem>>, vector<16xf32>,
        %add3A_828 = arith.addf %add3A_764, %get3A_827 : vector<16xf32>
        %add3A_829 = arith.constant 5 : i32
        %add3A_830 = arith.addi %add3A_660, %add3A_829 : i32
        %get3A_831 = arith.constant 0 : i32
        %get3A_832 = arith.index_cast %get3A_831 : i32 to index
        %get3A_833 = arith.index_cast %add3A_830 : i32 to index
        %get3A_834 = arith.constant 16 : index
        %get3A_835 = tpu.vector_load %arg6[%get3A_832, %get3A_833, %get3A_834] {strides = array<i32>} : memref<2x416x64xf32, #tpu.memory_space<vmem>>, vector<16xf32>,
        %add3A_836 = arith.addf %add3A_772, %get3A_835 : vector<16xf32>
        %add3A_837 = arith.constant 5 : i32
        %add3A_838 = arith.addi %add3A_660, %add3A_837 : i32
        %get3A_839 = arith.constant 0 : i32
        %get3A_840 = arith.index_cast %get3A_839 : i32 to index
        %get3A_841 = arith.index_cast %add3A_838 : i32 to index
        %get3A_842 = arith.constant 32 : index
        %get3A_843 = tpu.vector_load %arg6[%get3A_840, %get3A_841, %get3A_842] {strides = array<i32>} : memref<2x416x64xf32, #tpu.memory_space<vmem>>, vector<16xf32>,
        %add3A_844 = arith.addf %add3A_780, %get3A_843 : vector<16xf32>
        %add3A_845 = arith.constant 5 : i32
        %add3A_846 = arith.addi %add3A_660, %add3A_845 : i32
        %get3A_847 = arith.constant 0 : i32
        %get3A_848 = arith.index_cast %get3A_847 : i32 to index
        %get3A_849 = arith.index_cast %add3A_846 : i32 to index
        %get3A_850 = arith.constant 48 : index
        %get3A_851 = tpu.vector_load %arg6[%get3A_848, %get3A_849, %get3A_850] {strides = array<i32>} : memref<2x416x64xf32, #tpu.memory_space<vmem>>, vector<16xf32>,
        %add3A_852 = arith.addf %add3A_788, %get3A_851 : vector<16xf32>
        %add3A_853 = arith.constant 6 : i32
        %add3A_854 = arith.addi %add3A_660, %add3A_853 : i32
        %get3A_855 = arith.constant 0 : i32
        %get3A_856 = arith.index_cast %get3A_855 : i32 to index
        %get3A_857 = arith.index_cast %add3A_854 : i32 to index
        %get3A_858 = arith.constant 0 : index
        %get3A_859 = tpu.vector_load %arg6[%get3A_856, %get3A_857, %get3A_858] {strides = array<i32>} : memref<2x416x64xf32, #tpu.memory_space<vmem>>, vector<16xf32>,
        %add3A_860 = arith.addf %add3A_796, %get3A_859 : vector<16xf32>
        %add3A_861 = arith.constant 6 : i32
        %add3A_862 = arith.addi %add3A_660, %add3A_861 : i32
        %get3A_863 = arith.constant 0 : i32
        %get3A_864 = arith.index_cast %get3A_863 : i32 to index
        %get3A_865 = arith.index_cast %add3A_862 : i32 to index
        %get3A_866 = arith.constant 16 : index
        %get3A_867 = tpu.vector_load %arg6[%get3A_864, %get3A_865, %get3A_866] {strides = array<i32>} : memref<2x416x64xf32, #tpu.memory_space<vmem>>, vector<16xf32>,
        %add3A_868 = arith.addf %add3A_804, %get3A_867 : vector<16xf32>
        %add3A_869 = arith.constant 6 : i32
        %add3A_870 = arith.addi %add3A_660, %add3A_869 : i32
        %get3A_871 = arith.constant 0 : i32
        %get3A_872 = arith.index_cast %get3A_871 : i32 to index
        %get3A_873 = arith.index_cast %add3A_870 : i32 to index
        %get3A_874 = arith.constant 32 : index
        %get3A_875 = tpu.vector_load %arg6[%get3A_872, %get3A_873, %get3A_874] {strides = array<i32>} : memref<2x416x64xf32, #tpu.memory_space<vmem>>, vector<16xf32>,
        %add3A_876 = arith.addf %add3A_812, %get3A_875 : vector<16xf32>
        %add3A_877 = arith.constant 6 : i32
        %add3A_878 = arith.addi %add3A_660, %add3A_877 : i32
        %get3A_879 = arith.constant 0 : i32
        %get3A_880 = arith.index_cast %get3A_879 : i32 to index
        %get3A_881 = arith.index_cast %add3A_878 : i32 to index
        %get3A_882 = arith.constant 48 : index
        %get3A_883 = tpu.vector_load %arg6[%get3A_880, %get3A_881, %get3A_882] {strides = array<i32>} : memref<2x416x64xf32, #tpu.memory_space<vmem>>, vector<16xf32>,
        %add3A_884 = arith.addf %add3A_820, %get3A_883 : vector<16xf32>
        %add3A_885 = arith.constant 7 : i32
        %add3A_886 = arith.addi %add3A_660, %add3A_885 : i32
        %get3A_887 = arith.constant 0 : i32
        %get3A_888 = arith.index_cast %get3A_887 : i32 to index
        %get3A_889 = arith.index_cast %add3A_886 : i32 to index
        %get3A_890 = arith.constant 0 : index
        %get3A_891 = tpu.vector_load %arg6[%get3A_888, %get3A_889, %get3A_890] {strides = array<i32>} : memref<2x416x64xf32, #tpu.memory_space<vmem>>, vector<16xf32>,
        %add3A_892 = arith.addf %add3A_828, %get3A_891 : vector<16xf32>
        %add3A_893 = arith.constant 7 : i32
        %add3A_894 = arith.addi %add3A_660, %add3A_893 : i32
        %get3A_895 = arith.constant 0 : i32
        %get3A_896 = arith.index_cast %get3A_895 : i32 to index
        %get3A_897 = arith.index_cast %add3A_894 : i32 to index
        %get3A_898 = arith.constant 16 : index
        %get3A_899 = tpu.vector_load %arg6[%get3A_896, %get3A_897, %get3A_898] {strides = array<i32>} : memref<2x416x64xf32, #tpu.memory_space<vmem>>, vector<16xf32>,
        %add3A_900 = arith.addf %add3A_836, %get3A_899 : vector<16xf32>
        %add3A_901 = arith.constant 7 : i32
        %add3A_902 = arith.addi %add3A_660, %add3A_901 : i32
        %get3A_903 = arith.constant 0 : i32
        %get3A_904 = arith.index_cast %get3A_903 : i32 to index
        %get3A_905 = arith.index_cast %add3A_902 : i32 to index
        %get3A_906 = arith.constant 32 : index
        %get3A_907 = tpu.vector_load %arg6[%get3A_904, %get3A_905, %get3A_906] {strides = array<i32>} : memref<2x416x64xf32, #tpu.memory_space<vmem>>, vector<16xf32>,
        %add3A_908 = arith.addf %add3A_844, %get3A_907 : vector<16xf32>
        %add3A_909 = arith.constant 7 : i32
        %add3A_910 = arith.addi %add3A_660, %add3A_909 : i32
        %get3A_911 = arith.constant 0 : i32
        %get3A_912 = arith.index_cast %get3A_911 : i32 to index
        %get3A_913 = arith.index_cast %add3A_910 : i32 to index
        %get3A_914 = arith.constant 48 : index
        %get3A_915 = tpu.vector_load %arg6[%get3A_912, %get3A_913, %get3A_914] {strides = array<i32>} : memref<2x416x64xf32, #tpu.memory_space<vmem>>, vector<16xf32>,
        %add3A_916 = arith.addf %add3A_852, %get3A_915 : vector<16xf32>
        %add3A_917 = arith.constant 8 : i32
        %add3A_918 = arith.addi %add3A_660, %add3A_917 : i32
        %get3A_919 = arith.constant 0 : i32
        %get3A_920 = arith.index_cast %get3A_919 : i32 to index
        %get3A_921 = arith.index_cast %add3A_918 : i32 to index
        %get3A_922 = arith.constant 0 : index
        %get3A_923 = tpu.vector_load %arg6[%get3A_920, %get3A_921, %get3A_922] {strides = array<i32>} : memref<2x416x64xf32, #tpu.memory_space<vmem>>, vector<16xf32>,
        %add3A_924 = arith.addf %add3A_860, %get3A_923 : vector<16xf32>
        %add3A_925 = arith.constant 8 : i32
        %add3A_926 = arith.addi %add3A_660, %add3A_925 : i32
        %get3A_927 = arith.constant 0 : i32
        %get3A_928 = arith.index_cast %get3A_927 : i32 to index
        %get3A_929 = arith.index_cast %add3A_926 : i32 to index
        %get3A_930 = arith.constant 16 : index
        %get3A_931 = tpu.vector_load %arg6[%get3A_928, %get3A_929, %get3A_930] {strides = array<i32>} : memref<2x416x64xf32, #tpu.memory_space<vmem>>, vector<16xf32>,
        %add3A_932 = arith.addf %add3A_868, %get3A_931 : vector<16xf32>
        %add3A_933 = arith.constant 8 : i32
        %add3A_934 = arith.addi %add3A_660, %add3A_933 : i32
        %get3A_935 = arith.constant 0 : i32
        %get3A_936 = arith.index_cast %get3A_935 : i32 to index
        %get3A_937 = arith.index_cast %add3A_934 : i32 to index
        %get3A_938 = arith.constant 32 : index
        %get3A_939 = tpu.vector_load %arg6[%get3A_936, %get3A_937, %get3A_938] {strides = array<i32>} : memref<2x416x64xf32, #tpu.memory_space<vmem>>, vector<16xf32>,
        %add3A_940 = arith.addf %add3A_876, %get3A_939 : vector<16xf32>
        %add3A_941 = arith.constant 8 : i32
        %add3A_942 = arith.addi %add3A_660, %add3A_941 : i32
        %get3A_943 = arith.constant 0 : i32
        %get3A_944 = arith.index_cast %get3A_943 : i32 to index
        %get3A_945 = arith.index_cast %add3A_942 : i32 to index
        %get3A_946 = arith.constant 48 : index
        %get3A_947 = tpu.vector_load %arg6[%get3A_944, %get3A_945, %get3A_946] {strides = array<i32>} : memref<2x416x64xf32, #tpu.memory_space<vmem>>, vector<16xf32>,
        %add3A_948 = arith.addf %add3A_884, %get3A_947 : vector<16xf32>
        %add3A_949 = arith.constant 9 : i32
        %add3A_950 = arith.addi %add3A_660, %add3A_949 : i32
        %get3A_951 = arith.constant 0 : i32
        %get3A_952 = arith.index_cast %get3A_951 : i32 to index
        %get3A_953 = arith.index_cast %add3A_950 : i32 to index
        %get3A_954 = arith.constant 0 : index
        %get3A_955 = tpu.vector_load %arg6[%get3A_952, %get3A_953, %get3A_954] {strides = array<i32>} : memref<2x416x64xf32, #tpu.memory_space<vmem>>, vector<16xf32>,
        %add3A_956 = arith.addf %add3A_892, %get3A_955 : vector<16xf32>
        %add3A_957 = arith.constant 9 : i32
        %add3A_958 = arith.addi %add3A_660, %add3A_957 : i32
        %get3A_959 = arith.constant 0 : i32
        %get3A_960 = arith.index_cast %get3A_959 : i32 to index
        %get3A_961 = arith.index_cast %add3A_958 : i32 to index
        %get3A_962 = arith.constant 16 : index
        %get3A_963 = tpu.vector_load %arg6[%get3A_960, %get3A_961, %get3A_962] {strides = array<i32>} : memref<2x416x64xf32, #tpu.memory_space<vmem>>, vector<16xf32>,
        %add3A_964 = arith.addf %add3A_900, %get3A_963 : vector<16xf32>
        %add3A_965 = arith.constant 9 : i32
        %add3A_966 = arith.addi %add3A_660, %add3A_965 : i32
        %get3A_967 = arith.constant 0 : i32
        %get3A_968 = arith.index_cast %get3A_967 : i32 to index
        %get3A_969 = arith.index_cast %add3A_966 : i32 to index
        %get3A_970 = arith.constant 32 : index
        %get3A_971 = tpu.vector_load %arg6[%get3A_968, %get3A_969, %get3A_970] {strides = array<i32>} : memref<2x416x64xf32, #tpu.memory_space<vmem>>, vector<16xf32>,
        %add3A_972 = arith.addf %add3A_908, %get3A_971 : vector<16xf32>
        %add3A_973 = arith.constant 9 : i32
        %add3A_974 = arith.addi %add3A_660, %add3A_973 : i32
        %get3A_975 = arith.constant 0 : i32
        %get3A_976 = arith.index_cast %get3A_975 : i32 to index
        %get3A_977 = arith.index_cast %add3A_974 : i32 to index
        %get3A_978 = arith.constant 48 : index
        %get3A_979 = tpu.vector_load %arg6[%get3A_976, %get3A_977, %get3A_978] {strides = array<i32>} : memref<2x416x64xf32, #tpu.memory_space<vmem>>, vector<16xf32>,
        %add3A_980 = arith.addf %add3A_916, %get3A_979 : vector<16xf32>
        %add3A_981 = arith.constant 10 : i32
        %add3A_982 = arith.addi %add3A_660, %add3A_981 : i32
        %get3A_983 = arith.constant 0 : i32
        %get3A_984 = arith.index_cast %get3A_983 : i32 to index
        %get3A_985 = arith.index_cast %add3A_982 : i32 to index
        %get3A_986 = arith.constant 0 : index
        %get3A_987 = tpu.vector_load %arg6[%get3A_984, %get3A_985, %get3A_986] {strides = array<i32>} : memref<2x416x64xf32, #tpu.memory_space<vmem>>, vector<16xf32>,
        %add3A_988 = arith.addf %add3A_924, %get3A_987 : vector<16xf32>
        %add3A_989 = arith.constant 10 : i32
        %add3A_990 = arith.addi %add3A_660, %add3A_989 : i32
        %get3A_991 = arith.constant 0 : i32
        %get3A_992 = arith.index_cast %get3A_991 : i32 to index
        %get3A_993 = arith.index_cast %add3A_990 : i32 to index
        %get3A_994 = arith.constant 16 : index
        %get3A_995 = tpu.vector_load %arg6[%get3A_992, %get3A_993, %get3A_994] {strides = array<i32>} : memref<2x416x64xf32, #tpu.memory_space<vmem>>, vector<16xf32>,
        %add3A_996 = arith.addf %add3A_932, %get3A_995 : vector<16xf32>
        %add3A_997 = arith.constant 10 : i32
        %add3A_998 = arith.addi %add3A_660, %add3A_997 : i32
        %get3A_999 = arith.constant 0 : i32
        %get3A_1000 = arith.index_cast %get3A_999 : i32 to index
        %get3A_1001 = arith.index_cast %add3A_998 : i32 to index
        %get3A_1002 = arith.constant 32 : index
        %get3A_1003 = tpu.vector_load %arg6[%get3A_1000, %get3A_1001, %get3A_1002] {strides = array<i32>} : memref<2x416x64xf32, #tpu.memory_space<vmem>>, vector<16xf32>,
        %add3A_1004 = arith.addf %add3A_940, %get3A_1003 : vector<16xf32>
        %add3A_1005 = arith.constant 10 : i32
        %add3A_1006 = arith.addi %add3A_660, %add3A_1005 : i32
        %get3A_1007 = arith.constant 0 : i32
        %get3A_1008 = arith.index_cast %get3A_1007 : i32 to index
        %get3A_1009 = arith.index_cast %add3A_1006 : i32 to index
        %get3A_1010 = arith.constant 48 : index
        %get3A_1011 = tpu.vector_load %arg6[%get3A_1008, %get3A_1009, %get3A_1010] {strides = array<i32>} : memref<2x416x64xf32, #tpu.memory_space<vmem>>, vector<16xf32>,
        %add3A_1012 = arith.addf %add3A_948, %get3A_1011 : vector<16xf32>
        %add3A_1013 = arith.constant 11 : i32
        %add3A_1014 = arith.addi %add3A_660, %add3A_1013 : i32
        %get3A_1015 = arith.constant 0 : i32
        %get3A_1016 = arith.index_cast %get3A_1015 : i32 to index
        %get3A_1017 = arith.index_cast %add3A_1014 : i32 to index
        %get3A_1018 = arith.constant 0 : index
        %get3A_1019 = tpu.vector_load %arg6[%get3A_1016, %get3A_1017, %get3A_1018] {strides = array<i32>} : memref<2x416x64xf32, #tpu.memory_space<vmem>>, vector<16xf32>,
        %add3A_1020 = arith.addf %add3A_956, %get3A_1019 : vector<16xf32>
        %add3A_1021 = arith.constant 11 : i32
        %add3A_1022 = arith.addi %add3A_660, %add3A_1021 : i32
        %get3A_1023 = arith.constant 0 : i32
        %get3A_1024 = arith.index_cast %get3A_1023 : i32 to index
        %get3A_1025 = arith.index_cast %add3A_1022 : i32 to index
        %get3A_1026 = arith.constant 16 : index
        %get3A_1027 = tpu.vector_load %arg6[%get3A_1024, %get3A_1025, %get3A_1026] {strides = array<i32>} : memref<2x416x64xf32, #tpu.memory_space<vmem>>, vector<16xf32>,
        %add3A_1028 = arith.addf %add3A_964, %get3A_1027 : vector<16xf32>
        %add3A_1029 = arith.constant 11 : i32
        %add3A_1030 = arith.addi %add3A_660, %add3A_1029 : i32
        %get3A_1031 = arith.constant 0 : i32
        %get3A_1032 = arith.index_cast %get3A_1031 : i32 to index
        %get3A_1033 = arith.index_cast %add3A_1030 : i32 to index
        %get3A_1034 = arith.constant 32 : index
        %get3A_1035 = tpu.vector_load %arg6[%get3A_1032, %get3A_1033, %get3A_1034] {strides = array<i32>} : memref<2x416x64xf32, #tpu.memory_space<vmem>>, vector<16xf32>,
        %add3A_1036 = arith.addf %add3A_972, %get3A_1035 : vector<16xf32>
        %add3A_1037 = arith.constant 11 : i32
        %add3A_1038 = arith.addi %add3A_660, %add3A_1037 : i32
        %get3A_1039 = arith.constant 0 : i32
        %get3A_1040 = arith.index_cast %get3A_1039 : i32 to index
        %get3A_1041 = arith.index_cast %add3A_1038 : i32 to index
        %get3A_1042 = arith.constant 48 : index
        %get3A_1043 = tpu.vector_load %arg6[%get3A_1040, %get3A_1041, %get3A_1042] {strides = array<i32>} : memref<2x416x64xf32, #tpu.memory_space<vmem>>, vector<16xf32>,
        %add3A_1044 = arith.addf %add3A_980, %get3A_1043 : vector<16xf32>
        %add3A_1045 = arith.constant 12 : i32
        %add3A_1046 = arith.addi %add3A_660, %add3A_1045 : i32
        %get3A_1047 = arith.constant 0 : i32
        %get3A_1048 = arith.index_cast %get3A_1047 : i32 to index
        %get3A_1049 = arith.index_cast %add3A_1046 : i32 to index
        %get3A_1050 = arith.constant 0 : index
        %get3A_1051 = tpu.vector_load %arg6[%get3A_1048, %get3A_1049, %get3A_1050] {strides = array<i32>} : memref<2x416x64xf32, #tpu.memory_space<vmem>>, vector<16xf32>,
        %add3A_1052 = arith.addf %add3A_988, %get3A_1051 : vector<16xf32>
        %add3A_1053 = arith.constant 12 : i32
        %add3A_1054 = arith.addi %add3A_660, %add3A_1053 : i32
        %get3A_1055 = arith.constant 0 : i32
        %get3A_1056 = arith.index_cast %get3A_1055 : i32 to index
        %get3A_1057 = arith.index_cast %add3A_1054 : i32 to index
        %get3A_1058 = arith.constant 16 : index
        %get3A_1059 = tpu.vector_load %arg6[%get3A_1056, %get3A_1057, %get3A_1058] {strides = array<i32>} : memref<2x416x64xf32, #tpu.memory_space<vmem>>, vector<16xf32>,
        %add3A_1060 = arith.addf %add3A_996, %get3A_1059 : vector<16xf32>
        %add3A_1061 = arith.constant 12 : i32
        %add3A_1062 = arith.addi %add3A_660, %add3A_1061 : i32
        %get3A_1063 = arith.constant 0 : i32
        %get3A_1064 = arith.index_cast %get3A_1063 : i32 to index
        %get3A_1065 = arith.index_cast %add3A_1062 : i32 to index
        %get3A_1066 = arith.constant 32 : index
        %get3A_1067 = tpu.vector_load %arg6[%get3A_1064, %get3A_1065, %get3A_1066] {strides = array<i32>} : memref<2x416x64xf32, #tpu.memory_space<vmem>>, vector<16xf32>,
        %add3A_1068 = arith.addf %add3A_1004, %get3A_1067 : vector<16xf32>
        %add3A_1069 = arith.constant 12 : i32
        %add3A_1070 = arith.addi %add3A_660, %add3A_1069 : i32
        %get3A_1071 = arith.constant 0 : i32
        %get3A_1072 = arith.index_cast %get3A_1071 : i32 to index
        %get3A_1073 = arith.index_cast %add3A_1070 : i32 to index
        %get3A_1074 = arith.constant 48 : index
        %get3A_1075 = tpu.vector_load %arg6[%get3A_1072, %get3A_1073, %get3A_1074] {strides = array<i32>} : memref<2x416x64xf32, #tpu.memory_space<vmem>>, vector<16xf32>,
        %add3A_1076 = arith.addf %add3A_1012, %get3A_1075 : vector<16xf32>
        %add3A_1077 = arith.constant 13 : i32
        %add3A_1078 = arith.addi %add3A_660, %add3A_1077 : i32
        %get3A_1079 = arith.constant 0 : i32
        %get3A_1080 = arith.index_cast %get3A_1079 : i32 to index
        %get3A_1081 = arith.index_cast %add3A_1078 : i32 to index
        %get3A_1082 = arith.constant 0 : index
        %get3A_1083 = tpu.vector_load %arg6[%get3A_1080, %get3A_1081, %get3A_1082] {strides = array<i32>} : memref<2x416x64xf32, #tpu.memory_space<vmem>>, vector<16xf32>,
        %add3A_1084 = arith.addf %add3A_1020, %get3A_1083 : vector<16xf32>
        %add3A_1085 = arith.constant 13 : i32
        %add3A_1086 = arith.addi %add3A_660, %add3A_1085 : i32
        %get3A_1087 = arith.constant 0 : i32
        %get3A_1088 = arith.index_cast %get3A_1087 : i32 to index
        %get3A_1089 = arith.index_cast %add3A_1086 : i32 to index
        %get3A_1090 = arith.constant 16 : index
        %get3A_1091 = tpu.vector_load %arg6[%get3A_1088, %get3A_1089, %get3A_1090] {strides = array<i32>} : memref<2x416x64xf32, #tpu.memory_space<vmem>>, vector<16xf32>,
        %add3A_1092 = arith.addf %add3A_1028, %get3A_1091 : vector<16xf32>
        %add3A_1093 = arith.constant 13 : i32
        %add3A_1094 = arith.addi %add3A_660, %add3A_1093 : i32
        %get3A_1095 = arith.constant 0 : i32
        %get3A_1096 = arith.index_cast %get3A_1095 : i32 to index
        %get3A_1097 = arith.index_cast %add3A_1094 : i32 to index
        %get3A_1098 = arith.constant 32 : index
        %get3A_1099 = tpu.vector_load %arg6[%get3A_1096, %get3A_1097, %get3A_1098] {strides = array<i32>} : memref<2x416x64xf32, #tpu.memory_space<vmem>>, vector<16xf32>,
        %add3A_1100 = arith.addf %add3A_1036, %get3A_1099 : vector<16xf32>
        %add3A_1101 = arith.constant 13 : i32
        %add3A_1102 = arith.addi %add3A_660, %add3A_1101 : i32
        %get3A_1103 = arith.constant 0 : i32
        %get3A_1104 = arith.index_cast %get3A_1103 : i32 to index
        %get3A_1105 = arith.index_cast %add3A_1102 : i32 to index
        %get3A_1106 = arith.constant 48 : index
        %get3A_1107 = tpu.vector_load %arg6[%get3A_1104, %get3A_1105, %get3A_1106] {strides = array<i32>} : memref<2x416x64xf32, #tpu.memory_space<vmem>>, vector<16xf32>,
        %add3A_1108 = arith.addf %add3A_1044, %get3A_1107 : vector<16xf32>
        %add3A_1109 = arith.constant 14 : i32
        %add3A_1110 = arith.addi %add3A_660, %add3A_1109 : i32
        %get3A_1111 = arith.constant 0 : i32
        %get3A_1112 = arith.index_cast %get3A_1111 : i32 to index
        %get3A_1113 = arith.index_cast %add3A_1110 : i32 to index
        %get3A_1114 = arith.constant 0 : index
        %get3A_1115 = tpu.vector_load %arg6[%get3A_1112, %get3A_1113, %get3A_1114] {strides = array<i32>} : memref<2x416x64xf32, #tpu.memory_space<vmem>>, vector<16xf32>,
        %add3A_1116 = arith.addf %add3A_1052, %get3A_1115 : vector<16xf32>
        %add3A_1117 = arith.constant 14 : i32
        %add3A_1118 = arith.addi %add3A_660, %add3A_1117 : i32
        %get3A_1119 = arith.constant 0 : i32
        %get3A_1120 = arith.index_cast %get3A_1119 : i32 to index
        %get3A_1121 = arith.index_cast %add3A_1118 : i32 to index
        %get3A_1122 = arith.constant 16 : index
        %get3A_1123 = tpu.vector_load %arg6[%get3A_1120, %get3A_1121, %get3A_1122] {strides = array<i32>} : memref<2x416x64xf32, #tpu.memory_space<vmem>>, vector<16xf32>,
        %add3A_1124 = arith.addf %add3A_1060, %get3A_1123 : vector<16xf32>
        %add3A_1125 = arith.constant 14 : i32
        %add3A_1126 = arith.addi %add3A_660, %add3A_1125 : i32
        %get3A_1127 = arith.constant 0 : i32
        %get3A_1128 = arith.index_cast %get3A_1127 : i32 to index
        %get3A_1129 = arith.index_cast %add3A_1126 : i32 to index
        %get3A_1130 = arith.constant 32 : index
        %get3A_1131 = tpu.vector_load %arg6[%get3A_1128, %get3A_1129, %get3A_1130] {strides = array<i32>} : memref<2x416x64xf32, #tpu.memory_space<vmem>>, vector<16xf32>,
        %add3A_1132 = arith.addf %add3A_1068, %get3A_1131 : vector<16xf32>
        %add3A_1133 = arith.constant 14 : i32
        %add3A_1134 = arith.addi %add3A_660, %add3A_1133 : i32
        %get3A_1135 = arith.constant 0 : i32
        %get3A_1136 = arith.index_cast %get3A_1135 : i32 to index
        %get3A_1137 = arith.index_cast %add3A_1134 : i32 to index
        %get3A_1138 = arith.constant 48 : index
        %get3A_1139 = tpu.vector_load %arg6[%get3A_1136, %get3A_1137, %get3A_1138] {strides = array<i32>} : memref<2x416x64xf32, #tpu.memory_space<vmem>>, vector<16xf32>,
        %add3A_1140 = arith.addf %add3A_1076, %get3A_1139 : vector<16xf32>
        %add3A_1141 = arith.constant 15 : i32
        %add3A_1142 = arith.addi %add3A_660, %add3A_1141 : i32
        %get3A_1143 = arith.constant 0 : i32
        %get3A_1144 = arith.index_cast %get3A_1143 : i32 to index
        %get3A_1145 = arith.index_cast %add3A_1142 : i32 to index
        %get3A_1146 = arith.constant 0 : index
        %get3A_1147 = tpu.vector_load %arg6[%get3A_1144, %get3A_1145, %get3A_1146] {strides = array<i32>} : memref<2x416x64xf32, #tpu.memory_space<vmem>>, vector<16xf32>,
        %add3A_1148 = arith.addf %add3A_1084, %get3A_1147 : vector<16xf32>
        %add3A_1149 = arith.constant 15 : i32
        %add3A_1150 = arith.addi %add3A_660, %add3A_1149 : i32
        %get3A_1151 = arith.constant 0 : i32
        %get3A_1152 = arith.index_cast %get3A_1151 : i32 to index
        %get3A_1153 = arith.index_cast %add3A_1150 : i32 to index
        %get3A_1154 = arith.constant 16 : index
        %get3A_1155 = tpu.vector_load %arg6[%get3A_1152, %get3A_1153, %get3A_1154] {strides = array<i32>} : memref<2x416x64xf32, #tpu.memory_space<vmem>>, vector<16xf32>,
        %add3A_1156 = arith.addf %add3A_1092, %get3A_1155 : vector<16xf32>
        %add3A_1157 = arith.constant 15 : i32
        %add3A_1158 = arith.addi %add3A_660, %add3A_1157 : i32
        %get3A_1159 = arith.constant 0 : i32
        %get3A_1160 = arith.index_cast %get3A_1159 : i32 to index
        %get3A_1161 = arith.index_cast %add3A_1158 : i32 to index
        %get3A_1162 = arith.constant 32 : index
        %get3A_1163 = tpu.vector_load %arg6[%get3A_1160, %get3A_1161, %get3A_1162] {strides = array<i32>} : memref<2x416x64xf32, #tpu.memory_space<vmem>>, vector<16xf32>,
        %add3A_1164 = arith.addf %add3A_1100, %get3A_1163 : vector<16xf32>
        %add3A_1165 = arith.constant 15 : i32
        %add3A_1166 = arith.addi %add3A_660, %add3A_1165 : i32
        %get3A_1167 = arith.constant 0 : i32
        %get3A_1168 = arith.index_cast %get3A_1167 : i32 to index
        %get3A_1169 = arith.index_cast %add3A_1166 : i32 to index
        %get3A_1170 = arith.constant 48 : index
        %get3A_1171 = tpu.vector_load %arg6[%get3A_1168, %get3A_1169, %get3A_1170] {strides = array<i32>} : memref<2x416x64xf32, #tpu.memory_space<vmem>>, vector<16xf32>,
        %add3A_1172 = arith.addf %add3A_1108, %get3A_1171 : vector<16xf32>
        scf.yield %add3A_1116, %add3A_1124, %add3A_1132, %add3A_1140, %add3A_1148, %add3A_1156, %add3A_1164, %add3A_1172 : vector<16xf32>, vector<16xf32>, vector<16xf32>, vector<16xf32>, vector<16xf32>, vector<16xf32>, vector<16xf32>, vector<16xf32>
      }
      %scan3A_62 = arith.constant 13 : i32
      %get3A = arith.index_cast %add3A_42 : i32 to index
      %get3A_63 = arith.constant 0 : index
      %get3A_64 = tpu.vector_load %arg5[%get3A, %get3A_63] {strides = array<i32>} : memref<64x416xi32, #tpu.memory_space<vmem>>, vector<16xi32>,
      %ne3A = arith.constant 0 : i32
      %ne3A_65 = vector.broadcast %ne3A : i32 to vector<16xi32>
      %ne3A_66 = arith.cmpi ne, %get3A_64, %ne3A_65 : vector<16xi32>
      %select_n3A = arith.select %ne3A_66, %broadcast_in_dim3A_28, %broadcast_in_dim3A_30 : vector<16xi1>, vector<16xi32>
      %add3A_67 = arith.addi %broadcast_in_dim3A_30, %select_n3A : vector<16xi32>
      %get3A_68 = arith.index_cast %add3A_42 : i32 to index
      %get3A_69 = arith.constant 16 : index
      %get3A_70 = tpu.vector_load %arg5[%get3A_68, %get3A_69] {strides = array<i32>} : memref<64x416xi32, #tpu.memory_space<vmem>>, vector<16xi32>,
      %ne3A_71 = arith.constant 0 : i32
      %ne3A_72 = vector.broadcast %ne3A_71 : i32 to vector<16xi32>
      %ne3A_73 = arith.cmpi ne, %get3A_70, %ne3A_72 : vector<16xi32>
      %select_n3A_74 = arith.select %ne3A_73, %broadcast_in_dim3A_28, %broadcast_in_dim3A_30 : vector<16xi1>, vector<16xi32>
      %add3A_75 = arith.addi %add3A_67, %select_n3A_74 : vector<16xi32>
      %get3A_76 = arith.index_cast %add3A_42 : i32 to index
      %get3A_77 = arith.constant 32 : index
      %get3A_78 = tpu.vector_load %arg5[%get3A_76, %get3A_77] {strides = array<i32>} : memref<64x416xi32, #tpu.memory_space<vmem>>, vector<16xi32>,
      %ne3A_79 = arith.constant 0 : i32
      %ne3A_80 = vector.broadcast %ne3A_79 : i32 to vector<16xi32>
      %ne3A_81 = arith.cmpi ne, %get3A_78, %ne3A_80 : vector<16xi32>
      %select_n3A_82 = arith.select %ne3A_81, %broadcast_in_dim3A_28, %broadcast_in_dim3A_30 : vector<16xi1>, vector<16xi32>
      %add3A_83 = arith.addi %add3A_75, %select_n3A_82 : vector<16xi32>
      %get3A_84 = arith.index_cast %add3A_42 : i32 to index
      %get3A_85 = arith.constant 48 : index
      %get3A_86 = tpu.vector_load %arg5[%get3A_84, %get3A_85] {strides = array<i32>} : memref<64x416xi32, #tpu.memory_space<vmem>>, vector<16xi32>,
      %ne3A_87 = arith.constant 0 : i32
      %ne3A_88 = vector.broadcast %ne3A_87 : i32 to vector<16xi32>
      %ne3A_89 = arith.cmpi ne, %get3A_86, %ne3A_88 : vector<16xi32>
      %select_n3A_90 = arith.select %ne3A_89, %broadcast_in_dim3A_28, %broadcast_in_dim3A_30 : vector<16xi1>, vector<16xi32>
      %add3A_91 = arith.addi %add3A_83, %select_n3A_90 : vector<16xi32>
      %get3A_92 = arith.index_cast %add3A_42 : i32 to index
      %get3A_93 = arith.constant 64 : index
      %get3A_94 = tpu.vector_load %arg5[%get3A_92, %get3A_93] {strides = array<i32>} : memref<64x416xi32, #tpu.memory_space<vmem>>, vector<16xi32>,
      %ne3A_95 = arith.constant 0 : i32
      %ne3A_96 = vector.broadcast %ne3A_95 : i32 to vector<16xi32>
      %ne3A_97 = arith.cmpi ne, %get3A_94, %ne3A_96 : vector<16xi32>
      %select_n3A_98 = arith.select %ne3A_97, %broadcast_in_dim3A_28, %broadcast_in_dim3A_30 : vector<16xi1>, vector<16xi32>
      %add3A_99 = arith.addi %add3A_91, %select_n3A_98 : vector<16xi32>
      %get3A_100 = arith.index_cast %add3A_42 : i32 to index
      %get3A_101 = arith.constant 80 : index
      %get3A_102 = tpu.vector_load %arg5[%get3A_100, %get3A_101] {strides = array<i32>} : memref<64x416xi32, #tpu.memory_space<vmem>>, vector<16xi32>,
      %ne3A_103 = arith.constant 0 : i32
      %ne3A_104 = vector.broadcast %ne3A_103 : i32 to vector<16xi32>
      %ne3A_105 = arith.cmpi ne, %get3A_102, %ne3A_104 : vector<16xi32>
      %select_n3A_106 = arith.select %ne3A_105, %broadcast_in_dim3A_28, %broadcast_in_dim3A_30 : vector<16xi1>, vector<16xi32>
      %add3A_107 = arith.addi %add3A_99, %select_n3A_106 : vector<16xi32>
      %get3A_108 = arith.index_cast %add3A_42 : i32 to index
      %get3A_109 = arith.constant 96 : index
      %get3A_110 = tpu.vector_load %arg5[%get3A_108, %get3A_109] {strides = array<i32>} : memref<64x416xi32, #tpu.memory_space<vmem>>, vector<16xi32>,
      %ne3A_111 = arith.constant 0 : i32
      %ne3A_112 = vector.broadcast %ne3A_111 : i32 to vector<16xi32>
      %ne3A_113 = arith.cmpi ne, %get3A_110, %ne3A_112 : vector<16xi32>
      %select_n3A_114 = arith.select %ne3A_113, %broadcast_in_dim3A_28, %broadcast_in_dim3A_30 : vector<16xi1>, vector<16xi32>
      %add3A_115 = arith.addi %add3A_107, %select_n3A_114 : vector<16xi32>
      %get3A_116 = arith.index_cast %add3A_42 : i32 to index
      %get3A_117 = arith.constant 112 : index
      %get3A_118 = tpu.vector_load %arg5[%get3A_116, %get3A_117] {strides = array<i32>} : memref<64x416xi32, #tpu.memory_space<vmem>>, vector<16xi32>,
      %ne3A_119 = arith.constant 0 : i32
      %ne3A_120 = vector.broadcast %ne3A_119 : i32 to vector<16xi32>
      %ne3A_121 = arith.cmpi ne, %get3A_118, %ne3A_120 : vector<16xi32>
      %select_n3A_122 = arith.select %ne3A_121, %broadcast_in_dim3A_28, %broadcast_in_dim3A_30 : vector<16xi1>, vector<16xi32>
      %add3A_123 = arith.addi %add3A_115, %select_n3A_122 : vector<16xi32>
      %get3A_124 = arith.index_cast %add3A_42 : i32 to index
      %get3A_125 = arith.constant 128 : index
      %get3A_126 = tpu.vector_load %arg5[%get3A_124, %get3A_125] {strides = array<i32>} : memref<64x416xi32, #tpu.memory_space<vmem>>, vector<16xi32>,
      %ne3A_127 = arith.constant 0 : i32
      %ne3A_128 = vector.broadcast %ne3A_127 : i32 to vector<16xi32>
      %ne3A_129 = arith.cmpi ne, %get3A_126, %ne3A_128 : vector<16xi32>
      %select_n3A_130 = arith.select %ne3A_129, %broadcast_in_dim3A_28, %broadcast_in_dim3A_30 : vector<16xi1>, vector<16xi32>
      %add3A_131 = arith.addi %add3A_123, %select_n3A_130 : vector<16xi32>
      %get3A_132 = arith.index_cast %add3A_42 : i32 to index
      %get3A_133 = arith.constant 144 : index
      %get3A_134 = tpu.vector_load %arg5[%get3A_132, %get3A_133] {strides = array<i32>} : memref<64x416xi32, #tpu.memory_space<vmem>>, vector<16xi32>,
      %ne3A_135 = arith.constant 0 : i32
      %ne3A_136 = vector.broadcast %ne3A_135 : i32 to vector<16xi32>
      %ne3A_137 = arith.cmpi ne, %get3A_134, %ne3A_136 : vector<16xi32>
      %select_n3A_138 = arith.select %ne3A_137, %broadcast_in_dim3A_28, %broadcast_in_dim3A_30 : vector<16xi1>, vector<16xi32>
      %add3A_139 = arith.addi %add3A_131, %select_n3A_138 : vector<16xi32>
      %get3A_140 = arith.index_cast %add3A_42 : i32 to index
      %get3A_141 = arith.constant 160 : index
      %get3A_142 = tpu.vector_load %arg5[%get3A_140, %get3A_141] {strides = array<i32>} : memref<64x416xi32, #tpu.memory_space<vmem>>, vector<16xi32>,
      %ne3A_143 = arith.constant 0 : i32
      %ne3A_144 = vector.broadcast %ne3A_143 : i32 to vector<16xi32>
      %ne3A_145 = arith.cmpi ne, %get3A_142, %ne3A_144 : vector<16xi32>
      %select_n3A_146 = arith.select %ne3A_145, %broadcast_in_dim3A_28, %broadcast_in_dim3A_30 : vector<16xi1>, vector<16xi32>
      %add3A_147 = arith.addi %add3A_139, %select_n3A_146 : vector<16xi32>
      %get3A_148 = arith.index_cast %add3A_42 : i32 to index
      %get3A_149 = arith.constant 176 : index
      %get3A_150 = tpu.vector_load %arg5[%get3A_148, %get3A_149] {strides = array<i32>} : memref<64x416xi32, #tpu.memory_space<vmem>>, vector<16xi32>,
      %ne3A_151 = arith.constant 0 : i32
      %ne3A_152 = vector.broadcast %ne3A_151 : i32 to vector<16xi32>
      %ne3A_153 = arith.cmpi ne, %get3A_150, %ne3A_152 : vector<16xi32>
      %select_n3A_154 = arith.select %ne3A_153, %broadcast_in_dim3A_28, %broadcast_in_dim3A_30 : vector<16xi1>, vector<16xi32>
      %add3A_155 = arith.addi %add3A_147, %select_n3A_154 : vector<16xi32>
      %get3A_156 = arith.index_cast %add3A_42 : i32 to index
      %get3A_157 = arith.constant 192 : index
      %get3A_158 = tpu.vector_load %arg5[%get3A_156, %get3A_157] {strides = array<i32>} : memref<64x416xi32, #tpu.memory_space<vmem>>, vector<16xi32>,
      %ne3A_159 = arith.constant 0 : i32
      %ne3A_160 = vector.broadcast %ne3A_159 : i32 to vector<16xi32>
      %ne3A_161 = arith.cmpi ne, %get3A_158, %ne3A_160 : vector<16xi32>
      %select_n3A_162 = arith.select %ne3A_161, %broadcast_in_dim3A_28, %broadcast_in_dim3A_30 : vector<16xi1>, vector<16xi32>
      %add3A_163 = arith.addi %add3A_155, %select_n3A_162 : vector<16xi32>
      %reduce_sum3A = arith.constant true
      %reduce_sum3A_164 = vector.broadcast %reduce_sum3A : i1 to vector<16xi1>
      %reduce_sum3A_165 = tpu.scan <sum>, %add3A_163 masked %reduce_sum3A_164 : vector<16xi32>, vector<16xi1> -> vector<16xi32>
      %reduce_sum3A_166 = vector.extract %reduce_sum3A_165[15] : i32 from vector<16xi32>
      %max3A = arith.constant 1 : i32
      %max3A_167 = arith.maxsi %reduce_sum3A_166, %max3A : i32
      %convert_element_type3A = arith.sitofp %max3A_167 : i32 to f32
      %broadcast_in_dim3A_168 = vector.broadcast %convert_element_type3A : f32 to vector<16xf32>
      %mul3A_169 = arith.constant 2 : i32
      %mul3A_170 = arith.muli %add3A_42, %mul3A_169 : i32
      %add3A_171 = arith.constant 0 : i32
      %add3A_172 = arith.addi %mul3A_170, %add3A_171 : i32
      %add3A_173 = arith.addf %scan3A_61#0, %scan3A_61#4 : vector<16xf32>
      %div3A = arith.divf %add3A_173, %broadcast_in_dim3A_168 : vector<16xf32>
      %swap3A = arith.index_cast %add3A_172 : i32 to index
      %swap3A_174 = arith.constant 0 : index
      %swap3A_175 = tpu.vector_load %arg7[%swap3A, %swap3A_174] {strides = array<i32>} : memref<128x64xf32, #tpu.memory_space<vmem>>, vector<16xf32>,
      tpu.vector_store %arg7[%swap3A, %swap3A_174], %div3A {strides = array<i32>} : memref<128x64xf32, #tpu.memory_space<vmem>>, vector<16xf32>,
      %add3A_176 = arith.addf %scan3A_61#1, %scan3A_61#5 : vector<16xf32>
      %div3A_177 = arith.divf %add3A_176, %broadcast_in_dim3A_168 : vector<16xf32>
      %swap3A_178 = arith.index_cast %add3A_172 : i32 to index
      %swap3A_179 = arith.constant 16 : index
      %swap3A_180 = tpu.vector_load %arg7[%swap3A_178, %swap3A_179] {strides = array<i32>} : memref<128x64xf32, #tpu.memory_space<vmem>>, vector<16xf32>,
      tpu.vector_store %arg7[%swap3A_178, %swap3A_179], %div3A_177 {strides = array<i32>} : memref<128x64xf32, #tpu.memory_space<vmem>>, vector<16xf32>,
      %add3A_181 = arith.addf %scan3A_61#2, %scan3A_61#6 : vector<16xf32>
      %div3A_182 = arith.divf %add3A_181, %broadcast_in_dim3A_168 : vector<16xf32>
      %swap3A_183 = arith.index_cast %add3A_172 : i32 to index
      %swap3A_184 = arith.constant 32 : index
      %swap3A_185 = tpu.vector_load %arg7[%swap3A_183, %swap3A_184] {strides = array<i32>} : memref<128x64xf32, #tpu.memory_space<vmem>>, vector<16xf32>,
      tpu.vector_store %arg7[%swap3A_183, %swap3A_184], %div3A_182 {strides = array<i32>} : memref<128x64xf32, #tpu.memory_space<vmem>>, vector<16xf32>,
      %add3A_186 = arith.addf %scan3A_61#3, %scan3A_61#7 : vector<16xf32>
      %div3A_187 = arith.divf %add3A_186, %broadcast_in_dim3A_168 : vector<16xf32>
      %swap3A_188 = arith.index_cast %add3A_172 : i32 to index
      %swap3A_189 = arith.constant 48 : index
      %swap3A_190 = tpu.vector_load %arg7[%swap3A_188, %swap3A_189] {strides = array<i32>} : memref<128x64xf32, #tpu.memory_space<vmem>>, vector<16xf32>,
      tpu.vector_store %arg7[%swap3A_188, %swap3A_189], %div3A_187 {strides = array<i32>} : memref<128x64xf32, #tpu.memory_space<vmem>>, vector<16xf32>,
      %scan3A_191 = arith.constant 0 : i32
      %scan3A_192 = arith.constant 13 : i32
      %scan3A_193 = arith.addi %scan3A_191, %scan3A_192 : i32
      %scan3A_194 = arith.constant 1 : i32
      %scan3A_195:8 = scf.for %scan3A_648 = %scan3A_191 to %scan3A_193 step %scan3A_194 iter_args(%scan3A_649 = %broadcast_in_dim3A_26, %scan3A_650 = %broadcast_in_dim3A_26, %scan3A_651 = %broadcast_in_dim3A_26, %scan3A_652 = %broadcast_in_dim3A_26, %scan3A_653 = %broadcast_in_dim3A_26, %scan3A_654 = %broadcast_in_dim3A_26, %scan3A_655 = %broadcast_in_dim3A_26, %scan3A_656 = %broadcast_in_dim3A_26) -> (vector<16xf32>, vector<16xf32>, vector<16xf32>, vector<16xf32>, vector<16xf32>, vector<16xf32>, vector<16xf32>, vector<16xf32>)  : i32 {
        %mul3A_657 = arith.constant 16 : i32
        %mul3A_658 = arith.muli %scan3A_648, %mul3A_657 : i32
        %add3A_659 = arith.constant 208 : i32
        %add3A_660 = arith.addi %add3A_659, %mul3A_658 : i32
        %add3A_661 = arith.constant 0 : i32
        %add3A_662 = arith.addi %add3A_660, %add3A_661 : i32
        %get3A_663 = arith.constant 0 : i32
        %get3A_664 = arith.index_cast %get3A_663 : i32 to index
        %get3A_665 = arith.index_cast %add3A_662 : i32 to index
        %get3A_666 = arith.constant 0 : index
        %get3A_667 = tpu.vector_load %arg6[%get3A_664, %get3A_665, %get3A_666] {strides = array<i32>} : memref<2x416x64xf32, #tpu.memory_space<vmem>>, vector<16xf32>,
        %add3A_668 = arith.addf %scan3A_649, %get3A_667 : vector<16xf32>
        %add3A_669 = arith.constant 0 : i32
        %add3A_670 = arith.addi %add3A_660, %add3A_669 : i32
        %get3A_671 = arith.constant 0 : i32
        %get3A_672 = arith.index_cast %get3A_671 : i32 to index
        %get3A_673 = arith.index_cast %add3A_670 : i32 to index
        %get3A_674 = arith.constant 16 : index
        %get3A_675 = tpu.vector_load %arg6[%get3A_672, %get3A_673, %get3A_674] {strides = array<i32>} : memref<2x416x64xf32, #tpu.memory_space<vmem>>, vector<16xf32>,
        %add3A_676 = arith.addf %scan3A_650, %get3A_675 : vector<16xf32>
        %add3A_677 = arith.constant 0 : i32
        %add3A_678 = arith.addi %add3A_660, %add3A_677 : i32
        %get3A_679 = arith.constant 0 : i32
        %get3A_680 = arith.index_cast %get3A_679 : i32 to index
        %get3A_681 = arith.index_cast %add3A_678 : i32 to index
        %get3A_682 = arith.constant 32 : index
        %get3A_683 = tpu.vector_load %arg6[%get3A_680, %get3A_681, %get3A_682] {strides = array<i32>} : memref<2x416x64xf32, #tpu.memory_space<vmem>>, vector<16xf32>,
        %add3A_684 = arith.addf %scan3A_651, %get3A_683 : vector<16xf32>
        %add3A_685 = arith.constant 0 : i32
        %add3A_686 = arith.addi %add3A_660, %add3A_685 : i32
        %get3A_687 = arith.constant 0 : i32
        %get3A_688 = arith.index_cast %get3A_687 : i32 to index
        %get3A_689 = arith.index_cast %add3A_686 : i32 to index
        %get3A_690 = arith.constant 48 : index
        %get3A_691 = tpu.vector_load %arg6[%get3A_688, %get3A_689, %get3A_690] {strides = array<i32>} : memref<2x416x64xf32, #tpu.memory_space<vmem>>, vector<16xf32>,
        %add3A_692 = arith.addf %scan3A_652, %get3A_691 : vector<16xf32>
        %add3A_693 = arith.constant 1 : i32
        %add3A_694 = arith.addi %add3A_660, %add3A_693 : i32
        %get3A_695 = arith.constant 0 : i32
        %get3A_696 = arith.index_cast %get3A_695 : i32 to index
        %get3A_697 = arith.index_cast %add3A_694 : i32 to index
        %get3A_698 = arith.constant 0 : index
        %get3A_699 = tpu.vector_load %arg6[%get3A_696, %get3A_697, %get3A_698] {strides = array<i32>} : memref<2x416x64xf32, #tpu.memory_space<vmem>>, vector<16xf32>,
        %add3A_700 = arith.addf %scan3A_653, %get3A_699 : vector<16xf32>
        %add3A_701 = arith.constant 1 : i32
        %add3A_702 = arith.addi %add3A_660, %add3A_701 : i32
        %get3A_703 = arith.constant 0 : i32
        %get3A_704 = arith.index_cast %get3A_703 : i32 to index
        %get3A_705 = arith.index_cast %add3A_702 : i32 to index
        %get3A_706 = arith.constant 16 : index
        %get3A_707 = tpu.vector_load %arg6[%get3A_704, %get3A_705, %get3A_706] {strides = array<i32>} : memref<2x416x64xf32, #tpu.memory_space<vmem>>, vector<16xf32>,
        %add3A_708 = arith.addf %scan3A_654, %get3A_707 : vector<16xf32>
        %add3A_709 = arith.constant 1 : i32
        %add3A_710 = arith.addi %add3A_660, %add3A_709 : i32
        %get3A_711 = arith.constant 0 : i32
        %get3A_712 = arith.index_cast %get3A_711 : i32 to index
        %get3A_713 = arith.index_cast %add3A_710 : i32 to index
        %get3A_714 = arith.constant 32 : index
        %get3A_715 = tpu.vector_load %arg6[%get3A_712, %get3A_713, %get3A_714] {strides = array<i32>} : memref<2x416x64xf32, #tpu.memory_space<vmem>>, vector<16xf32>,
        %add3A_716 = arith.addf %scan3A_655, %get3A_715 : vector<16xf32>
        %add3A_717 = arith.constant 1 : i32
        %add3A_718 = arith.addi %add3A_660, %add3A_717 : i32
        %get3A_719 = arith.constant 0 : i32
        %get3A_720 = arith.index_cast %get3A_719 : i32 to index
        %get3A_721 = arith.index_cast %add3A_718 : i32 to index
        %get3A_722 = arith.constant 48 : index
        %get3A_723 = tpu.vector_load %arg6[%get3A_720, %get3A_721, %get3A_722] {strides = array<i32>} : memref<2x416x64xf32, #tpu.memory_space<vmem>>, vector<16xf32>,
        %add3A_724 = arith.addf %scan3A_656, %get3A_723 : vector<16xf32>
        %add3A_725 = arith.constant 2 : i32
        %add3A_726 = arith.addi %add3A_660, %add3A_725 : i32
        %get3A_727 = arith.constant 0 : i32
        %get3A_728 = arith.index_cast %get3A_727 : i32 to index
        %get3A_729 = arith.index_cast %add3A_726 : i32 to index
        %get3A_730 = arith.constant 0 : index
        %get3A_731 = tpu.vector_load %arg6[%get3A_728, %get3A_729, %get3A_730] {strides = array<i32>} : memref<2x416x64xf32, #tpu.memory_space<vmem>>, vector<16xf32>,
        %add3A_732 = arith.addf %add3A_668, %get3A_731 : vector<16xf32>
        %add3A_733 = arith.constant 2 : i32
        %add3A_734 = arith.addi %add3A_660, %add3A_733 : i32
        %get3A_735 = arith.constant 0 : i32
        %get3A_736 = arith.index_cast %get3A_735 : i32 to index
        %get3A_737 = arith.index_cast %add3A_734 : i32 to index
        %get3A_738 = arith.constant 16 : index
        %get3A_739 = tpu.vector_load %arg6[%get3A_736, %get3A_737, %get3A_738] {strides = array<i32>} : memref<2x416x64xf32, #tpu.memory_space<vmem>>, vector<16xf32>,
        %add3A_740 = arith.addf %add3A_676, %get3A_739 : vector<16xf32>
        %add3A_741 = arith.constant 2 : i32
        %add3A_742 = arith.addi %add3A_660, %add3A_741 : i32
        %get3A_743 = arith.constant 0 : i32
        %get3A_744 = arith.index_cast %get3A_743 : i32 to index
        %get3A_745 = arith.index_cast %add3A_742 : i32 to index
        %get3A_746 = arith.constant 32 : index
        %get3A_747 = tpu.vector_load %arg6[%get3A_744, %get3A_745, %get3A_746] {strides = array<i32>} : memref<2x416x64xf32, #tpu.memory_space<vmem>>, vector<16xf32>,
        %add3A_748 = arith.addf %add3A_684, %get3A_747 : vector<16xf32>
        %add3A_749 = arith.constant 2 : i32
        %add3A_750 = arith.addi %add3A_660, %add3A_749 : i32
        %get3A_751 = arith.constant 0 : i32
        %get3A_752 = arith.index_cast %get3A_751 : i32 to index
        %get3A_753 = arith.index_cast %add3A_750 : i32 to index
        %get3A_754 = arith.constant 48 : index
        %get3A_755 = tpu.vector_load %arg6[%get3A_752, %get3A_753, %get3A_754] {strides = array<i32>} : memref<2x416x64xf32, #tpu.memory_space<vmem>>, vector<16xf32>,
        %add3A_756 = arith.addf %add3A_692, %get3A_755 : vector<16xf32>
        %add3A_757 = arith.constant 3 : i32
        %add3A_758 = arith.addi %add3A_660, %add3A_757 : i32
        %get3A_759 = arith.constant 0 : i32
        %get3A_760 = arith.index_cast %get3A_759 : i32 to index
        %get3A_761 = arith.index_cast %add3A_758 : i32 to index
        %get3A_762 = arith.constant 0 : index
        %get3A_763 = tpu.vector_load %arg6[%get3A_760, %get3A_761, %get3A_762] {strides = array<i32>} : memref<2x416x64xf32, #tpu.memory_space<vmem>>, vector<16xf32>,
        %add3A_764 = arith.addf %add3A_700, %get3A_763 : vector<16xf32>
        %add3A_765 = arith.constant 3 : i32
        %add3A_766 = arith.addi %add3A_660, %add3A_765 : i32
        %get3A_767 = arith.constant 0 : i32
        %get3A_768 = arith.index_cast %get3A_767 : i32 to index
        %get3A_769 = arith.index_cast %add3A_766 : i32 to index
        %get3A_770 = arith.constant 16 : index
        %get3A_771 = tpu.vector_load %arg6[%get3A_768, %get3A_769, %get3A_770] {strides = array<i32>} : memref<2x416x64xf32, #tpu.memory_space<vmem>>, vector<16xf32>,
        %add3A_772 = arith.addf %add3A_708, %get3A_771 : vector<16xf32>
        %add3A_773 = arith.constant 3 : i32
        %add3A_774 = arith.addi %add3A_660, %add3A_773 : i32
        %get3A_775 = arith.constant 0 : i32
        %get3A_776 = arith.index_cast %get3A_775 : i32 to index
        %get3A_777 = arith.index_cast %add3A_774 : i32 to index
        %get3A_778 = arith.constant 32 : index
        %get3A_779 = tpu.vector_load %arg6[%get3A_776, %get3A_777, %get3A_778] {strides = array<i32>} : memref<2x416x64xf32, #tpu.memory_space<vmem>>, vector<16xf32>,
        %add3A_780 = arith.addf %add3A_716, %get3A_779 : vector<16xf32>
        %add3A_781 = arith.constant 3 : i32
        %add3A_782 = arith.addi %add3A_660, %add3A_781 : i32
        %get3A_783 = arith.constant 0 : i32
        %get3A_784 = arith.index_cast %get3A_783 : i32 to index
        %get3A_785 = arith.index_cast %add3A_782 : i32 to index
        %get3A_786 = arith.constant 48 : index
        %get3A_787 = tpu.vector_load %arg6[%get3A_784, %get3A_785, %get3A_786] {strides = array<i32>} : memref<2x416x64xf32, #tpu.memory_space<vmem>>, vector<16xf32>,
        %add3A_788 = arith.addf %add3A_724, %get3A_787 : vector<16xf32>
        %add3A_789 = arith.constant 4 : i32
        %add3A_790 = arith.addi %add3A_660, %add3A_789 : i32
        %get3A_791 = arith.constant 0 : i32
        %get3A_792 = arith.index_cast %get3A_791 : i32 to index
        %get3A_793 = arith.index_cast %add3A_790 : i32 to index
        %get3A_794 = arith.constant 0 : index
        %get3A_795 = tpu.vector_load %arg6[%get3A_792, %get3A_793, %get3A_794] {strides = array<i32>} : memref<2x416x64xf32, #tpu.memory_space<vmem>>, vector<16xf32>,
        %add3A_796 = arith.addf %add3A_732, %get3A_795 : vector<16xf32>
        %add3A_797 = arith.constant 4 : i32
        %add3A_798 = arith.addi %add3A_660, %add3A_797 : i32
        %get3A_799 = arith.constant 0 : i32
        %get3A_800 = arith.index_cast %get3A_799 : i32 to index
        %get3A_801 = arith.index_cast %add3A_798 : i32 to index
        %get3A_802 = arith.constant 16 : index
        %get3A_803 = tpu.vector_load %arg6[%get3A_800, %get3A_801, %get3A_802] {strides = array<i32>} : memref<2x416x64xf32, #tpu.memory_space<vmem>>, vector<16xf32>,
        %add3A_804 = arith.addf %add3A_740, %get3A_803 : vector<16xf32>
        %add3A_805 = arith.constant 4 : i32
        %add3A_806 = arith.addi %add3A_660, %add3A_805 : i32
        %get3A_807 = arith.constant 0 : i32
        %get3A_808 = arith.index_cast %get3A_807 : i32 to index
        %get3A_809 = arith.index_cast %add3A_806 : i32 to index
        %get3A_810 = arith.constant 32 : index
        %get3A_811 = tpu.vector_load %arg6[%get3A_808, %get3A_809, %get3A_810] {strides = array<i32>} : memref<2x416x64xf32, #tpu.memory_space<vmem>>, vector<16xf32>,
        %add3A_812 = arith.addf %add3A_748, %get3A_811 : vector<16xf32>
        %add3A_813 = arith.constant 4 : i32
        %add3A_814 = arith.addi %add3A_660, %add3A_813 : i32
        %get3A_815 = arith.constant 0 : i32
        %get3A_816 = arith.index_cast %get3A_815 : i32 to index
        %get3A_817 = arith.index_cast %add3A_814 : i32 to index
        %get3A_818 = arith.constant 48 : index
        %get3A_819 = tpu.vector_load %arg6[%get3A_816, %get3A_817, %get3A_818] {strides = array<i32>} : memref<2x416x64xf32, #tpu.memory_space<vmem>>, vector<16xf32>,
        %add3A_820 = arith.addf %add3A_756, %get3A_819 : vector<16xf32>
        %add3A_821 = arith.constant 5 : i32
        %add3A_822 = arith.addi %add3A_660, %add3A_821 : i32
        %get3A_823 = arith.constant 0 : i32
        %get3A_824 = arith.index_cast %get3A_823 : i32 to index
        %get3A_825 = arith.index_cast %add3A_822 : i32 to index
        %get3A_826 = arith.constant 0 : index
        %get3A_827 = tpu.vector_load %arg6[%get3A_824, %get3A_825, %get3A_826] {strides = array<i32>} : memref<2x416x64xf32, #tpu.memory_space<vmem>>, vector<16xf32>,
        %add3A_828 = arith.addf %add3A_764, %get3A_827 : vector<16xf32>
        %add3A_829 = arith.constant 5 : i32
        %add3A_830 = arith.addi %add3A_660, %add3A_829 : i32
        %get3A_831 = arith.constant 0 : i32
        %get3A_832 = arith.index_cast %get3A_831 : i32 to index
        %get3A_833 = arith.index_cast %add3A_830 : i32 to index
        %get3A_834 = arith.constant 16 : index
        %get3A_835 = tpu.vector_load %arg6[%get3A_832, %get3A_833, %get3A_834] {strides = array<i32>} : memref<2x416x64xf32, #tpu.memory_space<vmem>>, vector<16xf32>,
        %add3A_836 = arith.addf %add3A_772, %get3A_835 : vector<16xf32>
        %add3A_837 = arith.constant 5 : i32
        %add3A_838 = arith.addi %add3A_660, %add3A_837 : i32
        %get3A_839 = arith.constant 0 : i32
        %get3A_840 = arith.index_cast %get3A_839 : i32 to index
        %get3A_841 = arith.index_cast %add3A_838 : i32 to index
        %get3A_842 = arith.constant 32 : index
        %get3A_843 = tpu.vector_load %arg6[%get3A_840, %get3A_841, %get3A_842] {strides = array<i32>} : memref<2x416x64xf32, #tpu.memory_space<vmem>>, vector<16xf32>,
        %add3A_844 = arith.addf %add3A_780, %get3A_843 : vector<16xf32>
        %add3A_845 = arith.constant 5 : i32
        %add3A_846 = arith.addi %add3A_660, %add3A_845 : i32
        %get3A_847 = arith.constant 0 : i32
        %get3A_848 = arith.index_cast %get3A_847 : i32 to index
        %get3A_849 = arith.index_cast %add3A_846 : i32 to index
        %get3A_850 = arith.constant 48 : index
        %get3A_851 = tpu.vector_load %arg6[%get3A_848, %get3A_849, %get3A_850] {strides = array<i32>} : memref<2x416x64xf32, #tpu.memory_space<vmem>>, vector<16xf32>,
        %add3A_852 = arith.addf %add3A_788, %get3A_851 : vector<16xf32>
        %add3A_853 = arith.constant 6 : i32
        %add3A_854 = arith.addi %add3A_660, %add3A_853 : i32
        %get3A_855 = arith.constant 0 : i32
        %get3A_856 = arith.index_cast %get3A_855 : i32 to index
        %get3A_857 = arith.index_cast %add3A_854 : i32 to index
        %get3A_858 = arith.constant 0 : index
        %get3A_859 = tpu.vector_load %arg6[%get3A_856, %get3A_857, %get3A_858] {strides = array<i32>} : memref<2x416x64xf32, #tpu.memory_space<vmem>>, vector<16xf32>,
        %add3A_860 = arith.addf %add3A_796, %get3A_859 : vector<16xf32>
        %add3A_861 = arith.constant 6 : i32
        %add3A_862 = arith.addi %add3A_660, %add3A_861 : i32
        %get3A_863 = arith.constant 0 : i32
        %get3A_864 = arith.index_cast %get3A_863 : i32 to index
        %get3A_865 = arith.index_cast %add3A_862 : i32 to index
        %get3A_866 = arith.constant 16 : index
        %get3A_867 = tpu.vector_load %arg6[%get3A_864, %get3A_865, %get3A_866] {strides = array<i32>} : memref<2x416x64xf32, #tpu.memory_space<vmem>>, vector<16xf32>,
        %add3A_868 = arith.addf %add3A_804, %get3A_867 : vector<16xf32>
        %add3A_869 = arith.constant 6 : i32
        %add3A_870 = arith.addi %add3A_660, %add3A_869 : i32
        %get3A_871 = arith.constant 0 : i32
        %get3A_872 = arith.index_cast %get3A_871 : i32 to index
        %get3A_873 = arith.index_cast %add3A_870 : i32 to index
        %get3A_874 = arith.constant 32 : index
        %get3A_875 = tpu.vector_load %arg6[%get3A_872, %get3A_873, %get3A_874] {strides = array<i32>} : memref<2x416x64xf32, #tpu.memory_space<vmem>>, vector<16xf32>,
        %add3A_876 = arith.addf %add3A_812, %get3A_875 : vector<16xf32>
        %add3A_877 = arith.constant 6 : i32
        %add3A_878 = arith.addi %add3A_660, %add3A_877 : i32
        %get3A_879 = arith.constant 0 : i32
        %get3A_880 = arith.index_cast %get3A_879 : i32 to index
        %get3A_881 = arith.index_cast %add3A_878 : i32 to index
        %get3A_882 = arith.constant 48 : index
        %get3A_883 = tpu.vector_load %arg6[%get3A_880, %get3A_881, %get3A_882] {strides = array<i32>} : memref<2x416x64xf32, #tpu.memory_space<vmem>>, vector<16xf32>,
        %add3A_884 = arith.addf %add3A_820, %get3A_883 : vector<16xf32>
        %add3A_885 = arith.constant 7 : i32
        %add3A_886 = arith.addi %add3A_660, %add3A_885 : i32
        %get3A_887 = arith.constant 0 : i32
        %get3A_888 = arith.index_cast %get3A_887 : i32 to index
        %get3A_889 = arith.index_cast %add3A_886 : i32 to index
        %get3A_890 = arith.constant 0 : index
        %get3A_891 = tpu.vector_load %arg6[%get3A_888, %get3A_889, %get3A_890] {strides = array<i32>} : memref<2x416x64xf32, #tpu.memory_space<vmem>>, vector<16xf32>,
        %add3A_892 = arith.addf %add3A_828, %get3A_891 : vector<16xf32>
        %add3A_893 = arith.constant 7 : i32
        %add3A_894 = arith.addi %add3A_660, %add3A_893 : i32
        %get3A_895 = arith.constant 0 : i32
        %get3A_896 = arith.index_cast %get3A_895 : i32 to index
        %get3A_897 = arith.index_cast %add3A_894 : i32 to index
        %get3A_898 = arith.constant 16 : index
        %get3A_899 = tpu.vector_load %arg6[%get3A_896, %get3A_897, %get3A_898] {strides = array<i32>} : memref<2x416x64xf32, #tpu.memory_space<vmem>>, vector<16xf32>,
        %add3A_900 = arith.addf %add3A_836, %get3A_899 : vector<16xf32>
        %add3A_901 = arith.constant 7 : i32
        %add3A_902 = arith.addi %add3A_660, %add3A_901 : i32
        %get3A_903 = arith.constant 0 : i32
        %get3A_904 = arith.index_cast %get3A_903 : i32 to index
        %get3A_905 = arith.index_cast %add3A_902 : i32 to index
        %get3A_906 = arith.constant 32 : index
        %get3A_907 = tpu.vector_load %arg6[%get3A_904, %get3A_905, %get3A_906] {strides = array<i32>} : memref<2x416x64xf32, #tpu.memory_space<vmem>>, vector<16xf32>,
        %add3A_908 = arith.addf %add3A_844, %get3A_907 : vector<16xf32>
        %add3A_909 = arith.constant 7 : i32
        %add3A_910 = arith.addi %add3A_660, %add3A_909 : i32
        %get3A_911 = arith.constant 0 : i32
        %get3A_912 = arith.index_cast %get3A_911 : i32 to index
        %get3A_913 = arith.index_cast %add3A_910 : i32 to index
        %get3A_914 = arith.constant 48 : index
        %get3A_915 = tpu.vector_load %arg6[%get3A_912, %get3A_913, %get3A_914] {strides = array<i32>} : memref<2x416x64xf32, #tpu.memory_space<vmem>>, vector<16xf32>,
        %add3A_916 = arith.addf %add3A_852, %get3A_915 : vector<16xf32>
        %add3A_917 = arith.constant 8 : i32
        %add3A_918 = arith.addi %add3A_660, %add3A_917 : i32
        %get3A_919 = arith.constant 0 : i32
        %get3A_920 = arith.index_cast %get3A_919 : i32 to index
        %get3A_921 = arith.index_cast %add3A_918 : i32 to index
        %get3A_922 = arith.constant 0 : index
        %get3A_923 = tpu.vector_load %arg6[%get3A_920, %get3A_921, %get3A_922] {strides = array<i32>} : memref<2x416x64xf32, #tpu.memory_space<vmem>>, vector<16xf32>,
        %add3A_924 = arith.addf %add3A_860, %get3A_923 : vector<16xf32>
        %add3A_925 = arith.constant 8 : i32
        %add3A_926 = arith.addi %add3A_660, %add3A_925 : i32
        %get3A_927 = arith.constant 0 : i32
        %get3A_928 = arith.index_cast %get3A_927 : i32 to index
        %get3A_929 = arith.index_cast %add3A_926 : i32 to index
        %get3A_930 = arith.constant 16 : index
        %get3A_931 = tpu.vector_load %arg6[%get3A_928, %get3A_929, %get3A_930] {strides = array<i32>} : memref<2x416x64xf32, #tpu.memory_space<vmem>>, vector<16xf32>,
        %add3A_932 = arith.addf %add3A_868, %get3A_931 : vector<16xf32>
        %add3A_933 = arith.constant 8 : i32
        %add3A_934 = arith.addi %add3A_660, %add3A_933 : i32
        %get3A_935 = arith.constant 0 : i32
        %get3A_936 = arith.index_cast %get3A_935 : i32 to index
        %get3A_937 = arith.index_cast %add3A_934 : i32 to index
        %get3A_938 = arith.constant 32 : index
        %get3A_939 = tpu.vector_load %arg6[%get3A_936, %get3A_937, %get3A_938] {strides = array<i32>} : memref<2x416x64xf32, #tpu.memory_space<vmem>>, vector<16xf32>,
        %add3A_940 = arith.addf %add3A_876, %get3A_939 : vector<16xf32>
        %add3A_941 = arith.constant 8 : i32
        %add3A_942 = arith.addi %add3A_660, %add3A_941 : i32
        %get3A_943 = arith.constant 0 : i32
        %get3A_944 = arith.index_cast %get3A_943 : i32 to index
        %get3A_945 = arith.index_cast %add3A_942 : i32 to index
        %get3A_946 = arith.constant 48 : index
        %get3A_947 = tpu.vector_load %arg6[%get3A_944, %get3A_945, %get3A_946] {strides = array<i32>} : memref<2x416x64xf32, #tpu.memory_space<vmem>>, vector<16xf32>,
        %add3A_948 = arith.addf %add3A_884, %get3A_947 : vector<16xf32>
        %add3A_949 = arith.constant 9 : i32
        %add3A_950 = arith.addi %add3A_660, %add3A_949 : i32
        %get3A_951 = arith.constant 0 : i32
        %get3A_952 = arith.index_cast %get3A_951 : i32 to index
        %get3A_953 = arith.index_cast %add3A_950 : i32 to index
        %get3A_954 = arith.constant 0 : index
        %get3A_955 = tpu.vector_load %arg6[%get3A_952, %get3A_953, %get3A_954] {strides = array<i32>} : memref<2x416x64xf32, #tpu.memory_space<vmem>>, vector<16xf32>,
        %add3A_956 = arith.addf %add3A_892, %get3A_955 : vector<16xf32>
        %add3A_957 = arith.constant 9 : i32
        %add3A_958 = arith.addi %add3A_660, %add3A_957 : i32
        %get3A_959 = arith.constant 0 : i32
        %get3A_960 = arith.index_cast %get3A_959 : i32 to index
        %get3A_961 = arith.index_cast %add3A_958 : i32 to index
        %get3A_962 = arith.constant 16 : index
        %get3A_963 = tpu.vector_load %arg6[%get3A_960, %get3A_961, %get3A_962] {strides = array<i32>} : memref<2x416x64xf32, #tpu.memory_space<vmem>>, vector<16xf32>,
        %add3A_964 = arith.addf %add3A_900, %get3A_963 : vector<16xf32>
        %add3A_965 = arith.constant 9 : i32
        %add3A_966 = arith.addi %add3A_660, %add3A_965 : i32
        %get3A_967 = arith.constant 0 : i32
        %get3A_968 = arith.index_cast %get3A_967 : i32 to index
        %get3A_969 = arith.index_cast %add3A_966 : i32 to index
        %get3A_970 = arith.constant 32 : index
        %get3A_971 = tpu.vector_load %arg6[%get3A_968, %get3A_969, %get3A_970] {strides = array<i32>} : memref<2x416x64xf32, #tpu.memory_space<vmem>>, vector<16xf32>,
        %add3A_972 = arith.addf %add3A_908, %get3A_971 : vector<16xf32>
        %add3A_973 = arith.constant 9 : i32
        %add3A_974 = arith.addi %add3A_660, %add3A_973 : i32
        %get3A_975 = arith.constant 0 : i32
        %get3A_976 = arith.index_cast %get3A_975 : i32 to index
        %get3A_977 = arith.index_cast %add3A_974 : i32 to index
        %get3A_978 = arith.constant 48 : index
        %get3A_979 = tpu.vector_load %arg6[%get3A_976, %get3A_977, %get3A_978] {strides = array<i32>} : memref<2x416x64xf32, #tpu.memory_space<vmem>>, vector<16xf32>,
        %add3A_980 = arith.addf %add3A_916, %get3A_979 : vector<16xf32>
        %add3A_981 = arith.constant 10 : i32
        %add3A_982 = arith.addi %add3A_660, %add3A_981 : i32
        %get3A_983 = arith.constant 0 : i32
        %get3A_984 = arith.index_cast %get3A_983 : i32 to index
        %get3A_985 = arith.index_cast %add3A_982 : i32 to index
        %get3A_986 = arith.constant 0 : index
        %get3A_987 = tpu.vector_load %arg6[%get3A_984, %get3A_985, %get3A_986] {strides = array<i32>} : memref<2x416x64xf32, #tpu.memory_space<vmem>>, vector<16xf32>,
        %add3A_988 = arith.addf %add3A_924, %get3A_987 : vector<16xf32>
        %add3A_989 = arith.constant 10 : i32
        %add3A_990 = arith.addi %add3A_660, %add3A_989 : i32
        %get3A_991 = arith.constant 0 : i32
        %get3A_992 = arith.index_cast %get3A_991 : i32 to index
        %get3A_993 = arith.index_cast %add3A_990 : i32 to index
        %get3A_994 = arith.constant 16 : index
        %get3A_995 = tpu.vector_load %arg6[%get3A_992, %get3A_993, %get3A_994] {strides = array<i32>} : memref<2x416x64xf32, #tpu.memory_space<vmem>>, vector<16xf32>,
        %add3A_996 = arith.addf %add3A_932, %get3A_995 : vector<16xf32>
        %add3A_997 = arith.constant 10 : i32
        %add3A_998 = arith.addi %add3A_660, %add3A_997 : i32
        %get3A_999 = arith.constant 0 : i32
        %get3A_1000 = arith.index_cast %get3A_999 : i32 to index
        %get3A_1001 = arith.index_cast %add3A_998 : i32 to index
        %get3A_1002 = arith.constant 32 : index
        %get3A_1003 = tpu.vector_load %arg6[%get3A_1000, %get3A_1001, %get3A_1002] {strides = array<i32>} : memref<2x416x64xf32, #tpu.memory_space<vmem>>, vector<16xf32>,
        %add3A_1004 = arith.addf %add3A_940, %get3A_1003 : vector<16xf32>
        %add3A_1005 = arith.constant 10 : i32
        %add3A_1006 = arith.addi %add3A_660, %add3A_1005 : i32
        %get3A_1007 = arith.constant 0 : i32
        %get3A_1008 = arith.index_cast %get3A_1007 : i32 to index
        %get3A_1009 = arith.index_cast %add3A_1006 : i32 to index
        %get3A_1010 = arith.constant 48 : index
        %get3A_1011 = tpu.vector_load %arg6[%get3A_1008, %get3A_1009, %get3A_1010] {strides = array<i32>} : memref<2x416x64xf32, #tpu.memory_space<vmem>>, vector<16xf32>,
        %add3A_1012 = arith.addf %add3A_948, %get3A_1011 : vector<16xf32>
        %add3A_1013 = arith.constant 11 : i32
        %add3A_1014 = arith.addi %add3A_660, %add3A_1013 : i32
        %get3A_1015 = arith.constant 0 : i32
        %get3A_1016 = arith.index_cast %get3A_1015 : i32 to index
        %get3A_1017 = arith.index_cast %add3A_1014 : i32 to index
        %get3A_1018 = arith.constant 0 : index
        %get3A_1019 = tpu.vector_load %arg6[%get3A_1016, %get3A_1017, %get3A_1018] {strides = array<i32>} : memref<2x416x64xf32, #tpu.memory_space<vmem>>, vector<16xf32>,
        %add3A_1020 = arith.addf %add3A_956, %get3A_1019 : vector<16xf32>
        %add3A_1021 = arith.constant 11 : i32
        %add3A_1022 = arith.addi %add3A_660, %add3A_1021 : i32
        %get3A_1023 = arith.constant 0 : i32
        %get3A_1024 = arith.index_cast %get3A_1023 : i32 to index
        %get3A_1025 = arith.index_cast %add3A_1022 : i32 to index
        %get3A_1026 = arith.constant 16 : index
        %get3A_1027 = tpu.vector_load %arg6[%get3A_1024, %get3A_1025, %get3A_1026] {strides = array<i32>} : memref<2x416x64xf32, #tpu.memory_space<vmem>>, vector<16xf32>,
        %add3A_1028 = arith.addf %add3A_964, %get3A_1027 : vector<16xf32>
        %add3A_1029 = arith.constant 11 : i32
        %add3A_1030 = arith.addi %add3A_660, %add3A_1029 : i32
        %get3A_1031 = arith.constant 0 : i32
        %get3A_1032 = arith.index_cast %get3A_1031 : i32 to index
        %get3A_1033 = arith.index_cast %add3A_1030 : i32 to index
        %get3A_1034 = arith.constant 32 : index
        %get3A_1035 = tpu.vector_load %arg6[%get3A_1032, %get3A_1033, %get3A_1034] {strides = array<i32>} : memref<2x416x64xf32, #tpu.memory_space<vmem>>, vector<16xf32>,
        %add3A_1036 = arith.addf %add3A_972, %get3A_1035 : vector<16xf32>
        %add3A_1037 = arith.constant 11 : i32
        %add3A_1038 = arith.addi %add3A_660, %add3A_1037 : i32
        %get3A_1039 = arith.constant 0 : i32
        %get3A_1040 = arith.index_cast %get3A_1039 : i32 to index
        %get3A_1041 = arith.index_cast %add3A_1038 : i32 to index
        %get3A_1042 = arith.constant 48 : index
        %get3A_1043 = tpu.vector_load %arg6[%get3A_1040, %get3A_1041, %get3A_1042] {strides = array<i32>} : memref<2x416x64xf32, #tpu.memory_space<vmem>>, vector<16xf32>,
        %add3A_1044 = arith.addf %add3A_980, %get3A_1043 : vector<16xf32>
        %add3A_1045 = arith.constant 12 : i32
        %add3A_1046 = arith.addi %add3A_660, %add3A_1045 : i32
        %get3A_1047 = arith.constant 0 : i32
        %get3A_1048 = arith.index_cast %get3A_1047 : i32 to index
        %get3A_1049 = arith.index_cast %add3A_1046 : i32 to index
        %get3A_1050 = arith.constant 0 : index
        %get3A_1051 = tpu.vector_load %arg6[%get3A_1048, %get3A_1049, %get3A_1050] {strides = array<i32>} : memref<2x416x64xf32, #tpu.memory_space<vmem>>, vector<16xf32>,
        %add3A_1052 = arith.addf %add3A_988, %get3A_1051 : vector<16xf32>
        %add3A_1053 = arith.constant 12 : i32
        %add3A_1054 = arith.addi %add3A_660, %add3A_1053 : i32
        %get3A_1055 = arith.constant 0 : i32
        %get3A_1056 = arith.index_cast %get3A_1055 : i32 to index
        %get3A_1057 = arith.index_cast %add3A_1054 : i32 to index
        %get3A_1058 = arith.constant 16 : index
        %get3A_1059 = tpu.vector_load %arg6[%get3A_1056, %get3A_1057, %get3A_1058] {strides = array<i32>} : memref<2x416x64xf32, #tpu.memory_space<vmem>>, vector<16xf32>,
        %add3A_1060 = arith.addf %add3A_996, %get3A_1059 : vector<16xf32>
        %add3A_1061 = arith.constant 12 : i32
        %add3A_1062 = arith.addi %add3A_660, %add3A_1061 : i32
        %get3A_1063 = arith.constant 0 : i32
        %get3A_1064 = arith.index_cast %get3A_1063 : i32 to index
        %get3A_1065 = arith.index_cast %add3A_1062 : i32 to index
        %get3A_1066 = arith.constant 32 : index
        %get3A_1067 = tpu.vector_load %arg6[%get3A_1064, %get3A_1065, %get3A_1066] {strides = array<i32>} : memref<2x416x64xf32, #tpu.memory_space<vmem>>, vector<16xf32>,
        %add3A_1068 = arith.addf %add3A_1004, %get3A_1067 : vector<16xf32>
        %add3A_1069 = arith.constant 12 : i32
        %add3A_1070 = arith.addi %add3A_660, %add3A_1069 : i32
        %get3A_1071 = arith.constant 0 : i32
        %get3A_1072 = arith.index_cast %get3A_1071 : i32 to index
        %get3A_1073 = arith.index_cast %add3A_1070 : i32 to index
        %get3A_1074 = arith.constant 48 : index
        %get3A_1075 = tpu.vector_load %arg6[%get3A_1072, %get3A_1073, %get3A_1074] {strides = array<i32>} : memref<2x416x64xf32, #tpu.memory_space<vmem>>, vector<16xf32>,
        %add3A_1076 = arith.addf %add3A_1012, %get3A_1075 : vector<16xf32>
        %add3A_1077 = arith.constant 13 : i32
        %add3A_1078 = arith.addi %add3A_660, %add3A_1077 : i32
        %get3A_1079 = arith.constant 0 : i32
        %get3A_1080 = arith.index_cast %get3A_1079 : i32 to index
        %get3A_1081 = arith.index_cast %add3A_1078 : i32 to index
        %get3A_1082 = arith.constant 0 : index
        %get3A_1083 = tpu.vector_load %arg6[%get3A_1080, %get3A_1081, %get3A_1082] {strides = array<i32>} : memref<2x416x64xf32, #tpu.memory_space<vmem>>, vector<16xf32>,
        %add3A_1084 = arith.addf %add3A_1020, %get3A_1083 : vector<16xf32>
        %add3A_1085 = arith.constant 13 : i32
        %add3A_1086 = arith.addi %add3A_660, %add3A_1085 : i32
        %get3A_1087 = arith.constant 0 : i32
        %get3A_1088 = arith.index_cast %get3A_1087 : i32 to index
        %get3A_1089 = arith.index_cast %add3A_1086 : i32 to index
        %get3A_1090 = arith.constant 16 : index
        %get3A_1091 = tpu.vector_load %arg6[%get3A_1088, %get3A_1089, %get3A_1090] {strides = array<i32>} : memref<2x416x64xf32, #tpu.memory_space<vmem>>, vector<16xf32>,
        %add3A_1092 = arith.addf %add3A_1028, %get3A_1091 : vector<16xf32>
        %add3A_1093 = arith.constant 13 : i32
        %add3A_1094 = arith.addi %add3A_660, %add3A_1093 : i32
        %get3A_1095 = arith.constant 0 : i32
        %get3A_1096 = arith.index_cast %get3A_1095 : i32 to index
        %get3A_1097 = arith.index_cast %add3A_1094 : i32 to index
        %get3A_1098 = arith.constant 32 : index
        %get3A_1099 = tpu.vector_load %arg6[%get3A_1096, %get3A_1097, %get3A_1098] {strides = array<i32>} : memref<2x416x64xf32, #tpu.memory_space<vmem>>, vector<16xf32>,
        %add3A_1100 = arith.addf %add3A_1036, %get3A_1099 : vector<16xf32>
        %add3A_1101 = arith.constant 13 : i32
        %add3A_1102 = arith.addi %add3A_660, %add3A_1101 : i32
        %get3A_1103 = arith.constant 0 : i32
        %get3A_1104 = arith.index_cast %get3A_1103 : i32 to index
        %get3A_1105 = arith.index_cast %add3A_1102 : i32 to index
        %get3A_1106 = arith.constant 48 : index
        %get3A_1107 = tpu.vector_load %arg6[%get3A_1104, %get3A_1105, %get3A_1106] {strides = array<i32>} : memref<2x416x64xf32, #tpu.memory_space<vmem>>, vector<16xf32>,
        %add3A_1108 = arith.addf %add3A_1044, %get3A_1107 : vector<16xf32>
        %add3A_1109 = arith.constant 14 : i32
        %add3A_1110 = arith.addi %add3A_660, %add3A_1109 : i32
        %get3A_1111 = arith.constant 0 : i32
        %get3A_1112 = arith.index_cast %get3A_1111 : i32 to index
        %get3A_1113 = arith.index_cast %add3A_1110 : i32 to index
        %get3A_1114 = arith.constant 0 : index
        %get3A_1115 = tpu.vector_load %arg6[%get3A_1112, %get3A_1113, %get3A_1114] {strides = array<i32>} : memref<2x416x64xf32, #tpu.memory_space<vmem>>, vector<16xf32>,
        %add3A_1116 = arith.addf %add3A_1052, %get3A_1115 : vector<16xf32>
        %add3A_1117 = arith.constant 14 : i32
        %add3A_1118 = arith.addi %add3A_660, %add3A_1117 : i32
        %get3A_1119 = arith.constant 0 : i32
        %get3A_1120 = arith.index_cast %get3A_1119 : i32 to index
        %get3A_1121 = arith.index_cast %add3A_1118 : i32 to index
        %get3A_1122 = arith.constant 16 : index
        %get3A_1123 = tpu.vector_load %arg6[%get3A_1120, %get3A_1121, %get3A_1122] {strides = array<i32>} : memref<2x416x64xf32, #tpu.memory_space<vmem>>, vector<16xf32>,
        %add3A_1124 = arith.addf %add3A_1060, %get3A_1123 : vector<16xf32>
        %add3A_1125 = arith.constant 14 : i32
        %add3A_1126 = arith.addi %add3A_660, %add3A_1125 : i32
        %get3A_1127 = arith.constant 0 : i32
        %get3A_1128 = arith.index_cast %get3A_1127 : i32 to index
        %get3A_1129 = arith.index_cast %add3A_1126 : i32 to index
        %get3A_1130 = arith.constant 32 : index
        %get3A_1131 = tpu.vector_load %arg6[%get3A_1128, %get3A_1129, %get3A_1130] {strides = array<i32>} : memref<2x416x64xf32, #tpu.memory_space<vmem>>, vector<16xf32>,
        %add3A_1132 = arith.addf %add3A_1068, %get3A_1131 : vector<16xf32>
        %add3A_1133 = arith.constant 14 : i32
        %add3A_1134 = arith.addi %add3A_660, %add3A_1133 : i32
        %get3A_1135 = arith.constant 0 : i32
        %get3A_1136 = arith.index_cast %get3A_1135 : i32 to index
        %get3A_1137 = arith.index_cast %add3A_1134 : i32 to index
        %get3A_1138 = arith.constant 48 : index
        %get3A_1139 = tpu.vector_load %arg6[%get3A_1136, %get3A_1137, %get3A_1138] {strides = array<i32>} : memref<2x416x64xf32, #tpu.memory_space<vmem>>, vector<16xf32>,
        %add3A_1140 = arith.addf %add3A_1076, %get3A_1139 : vector<16xf32>
        %add3A_1141 = arith.constant 15 : i32
        %add3A_1142 = arith.addi %add3A_660, %add3A_1141 : i32
        %get3A_1143 = arith.constant 0 : i32
        %get3A_1144 = arith.index_cast %get3A_1143 : i32 to index
        %get3A_1145 = arith.index_cast %add3A_1142 : i32 to index
        %get3A_1146 = arith.constant 0 : index
        %get3A_1147 = tpu.vector_load %arg6[%get3A_1144, %get3A_1145, %get3A_1146] {strides = array<i32>} : memref<2x416x64xf32, #tpu.memory_space<vmem>>, vector<16xf32>,
        %add3A_1148 = arith.addf %add3A_1084, %get3A_1147 : vector<16xf32>
        %add3A_1149 = arith.constant 15 : i32
        %add3A_1150 = arith.addi %add3A_660, %add3A_1149 : i32
        %get3A_1151 = arith.constant 0 : i32
        %get3A_1152 = arith.index_cast %get3A_1151 : i32 to index
        %get3A_1153 = arith.index_cast %add3A_1150 : i32 to index
        %get3A_1154 = arith.constant 16 : index
        %get3A_1155 = tpu.vector_load %arg6[%get3A_1152, %get3A_1153, %get3A_1154] {strides = array<i32>} : memref<2x416x64xf32, #tpu.memory_space<vmem>>, vector<16xf32>,
        %add3A_1156 = arith.addf %add3A_1092, %get3A_1155 : vector<16xf32>
        %add3A_1157 = arith.constant 15 : i32
        %add3A_1158 = arith.addi %add3A_660, %add3A_1157 : i32
        %get3A_1159 = arith.constant 0 : i32
        %get3A_1160 = arith.index_cast %get3A_1159 : i32 to index
        %get3A_1161 = arith.index_cast %add3A_1158 : i32 to index
        %get3A_1162 = arith.constant 32 : index
        %get3A_1163 = tpu.vector_load %arg6[%get3A_1160, %get3A_1161, %get3A_1162] {strides = array<i32>} : memref<2x416x64xf32, #tpu.memory_space<vmem>>, vector<16xf32>,
        %add3A_1164 = arith.addf %add3A_1100, %get3A_1163 : vector<16xf32>
        %add3A_1165 = arith.constant 15 : i32
        %add3A_1166 = arith.addi %add3A_660, %add3A_1165 : i32
        %get3A_1167 = arith.constant 0 : i32
        %get3A_1168 = arith.index_cast %get3A_1167 : i32 to index
        %get3A_1169 = arith.index_cast %add3A_1166 : i32 to index
        %get3A_1170 = arith.constant 48 : index
        %get3A_1171 = tpu.vector_load %arg6[%get3A_1168, %get3A_1169, %get3A_1170] {strides = array<i32>} : memref<2x416x64xf32, #tpu.memory_space<vmem>>, vector<16xf32>,
        %add3A_1172 = arith.addf %add3A_1108, %get3A_1171 : vector<16xf32>
        scf.yield %add3A_1116, %add3A_1124, %add3A_1132, %add3A_1140, %add3A_1148, %add3A_1156, %add3A_1164, %add3A_1172 : vector<16xf32>, vector<16xf32>, vector<16xf32>, vector<16xf32>, vector<16xf32>, vector<16xf32>, vector<16xf32>, vector<16xf32>
      }
      %scan3A_196 = arith.constant 13 : i32
      %get3A_197 = arith.index_cast %add3A_42 : i32 to index
      %get3A_198 = arith.constant 208 : index
      %get3A_199 = tpu.vector_load %arg5[%get3A_197, %get3A_198] {strides = array<i32>} : memref<64x416xi32, #tpu.memory_space<vmem>>, vector<16xi32>,
      %ne3A_200 = arith.constant 0 : i32
      %ne3A_201 = vector.broadcast %ne3A_200 : i32 to vector<16xi32>
      %ne3A_202 = arith.cmpi ne, %get3A_199, %ne3A_201 : vector<16xi32>
      %select_n3A_203 = arith.select %ne3A_202, %broadcast_in_dim3A_28, %broadcast_in_dim3A_30 : vector<16xi1>, vector<16xi32>
      %add3A_204 = arith.addi %broadcast_in_dim3A_30, %select_n3A_203 : vector<16xi32>
      %get3A_205 = arith.index_cast %add3A_42 : i32 to index
      %get3A_206 = arith.constant 224 : index
      %get3A_207 = tpu.vector_load %arg5[%get3A_205, %get3A_206] {strides = array<i32>} : memref<64x416xi32, #tpu.memory_space<vmem>>, vector<16xi32>,
      %ne3A_208 = arith.constant 0 : i32
      %ne3A_209 = vector.broadcast %ne3A_208 : i32 to vector<16xi32>
      %ne3A_210 = arith.cmpi ne, %get3A_207, %ne3A_209 : vector<16xi32>
      %select_n3A_211 = arith.select %ne3A_210, %broadcast_in_dim3A_28, %broadcast_in_dim3A_30 : vector<16xi1>, vector<16xi32>
      %add3A_212 = arith.addi %add3A_204, %select_n3A_211 : vector<16xi32>
      %get3A_213 = arith.index_cast %add3A_42 : i32 to index
      %get3A_214 = arith.constant 240 : index
      %get3A_215 = tpu.vector_load %arg5[%get3A_213, %get3A_214] {strides = array<i32>} : memref<64x416xi32, #tpu.memory_space<vmem>>, vector<16xi32>,
      %ne3A_216 = arith.constant 0 : i32
      %ne3A_217 = vector.broadcast %ne3A_216 : i32 to vector<16xi32>
      %ne3A_218 = arith.cmpi ne, %get3A_215, %ne3A_217 : vector<16xi32>
      %select_n3A_219 = arith.select %ne3A_218, %broadcast_in_dim3A_28, %broadcast_in_dim3A_30 : vector<16xi1>, vector<16xi32>
      %add3A_220 = arith.addi %add3A_212, %select_n3A_219 : vector<16xi32>
      %get3A_221 = arith.index_cast %add3A_42 : i32 to index
      %get3A_222 = arith.constant 256 : index
      %get3A_223 = tpu.vector_load %arg5[%get3A_221, %get3A_222] {strides = array<i32>} : memref<64x416xi32, #tpu.memory_space<vmem>>, vector<16xi32>,
      %ne3A_224 = arith.constant 0 : i32
      %ne3A_225 = vector.broadcast %ne3A_224 : i32 to vector<16xi32>
      %ne3A_226 = arith.cmpi ne, %get3A_223, %ne3A_225 : vector<16xi32>
      %select_n3A_227 = arith.select %ne3A_226, %broadcast_in_dim3A_28, %broadcast_in_dim3A_30 : vector<16xi1>, vector<16xi32>
      %add3A_228 = arith.addi %add3A_220, %select_n3A_227 : vector<16xi32>
      %get3A_229 = arith.index_cast %add3A_42 : i32 to index
      %get3A_230 = arith.constant 272 : index
      %get3A_231 = tpu.vector_load %arg5[%get3A_229, %get3A_230] {strides = array<i32>} : memref<64x416xi32, #tpu.memory_space<vmem>>, vector<16xi32>,
      %ne3A_232 = arith.constant 0 : i32
      %ne3A_233 = vector.broadcast %ne3A_232 : i32 to vector<16xi32>
      %ne3A_234 = arith.cmpi ne, %get3A_231, %ne3A_233 : vector<16xi32>
      %select_n3A_235 = arith.select %ne3A_234, %broadcast_in_dim3A_28, %broadcast_in_dim3A_30 : vector<16xi1>, vector<16xi32>
      %add3A_236 = arith.addi %add3A_228, %select_n3A_235 : vector<16xi32>
      %get3A_237 = arith.index_cast %add3A_42 : i32 to index
      %get3A_238 = arith.constant 288 : index
      %get3A_239 = tpu.vector_load %arg5[%get3A_237, %get3A_238] {strides = array<i32>} : memref<64x416xi32, #tpu.memory_space<vmem>>, vector<16xi32>,
      %ne3A_240 = arith.constant 0 : i32
      %ne3A_241 = vector.broadcast %ne3A_240 : i32 to vector<16xi32>
      %ne3A_242 = arith.cmpi ne, %get3A_239, %ne3A_241 : vector<16xi32>
      %select_n3A_243 = arith.select %ne3A_242, %broadcast_in_dim3A_28, %broadcast_in_dim3A_30 : vector<16xi1>, vector<16xi32>
      %add3A_244 = arith.addi %add3A_236, %select_n3A_243 : vector<16xi32>
      %get3A_245 = arith.index_cast %add3A_42 : i32 to index
      %get3A_246 = arith.constant 304 : index
      %get3A_247 = tpu.vector_load %arg5[%get3A_245, %get3A_246] {strides = array<i32>} : memref<64x416xi32, #tpu.memory_space<vmem>>, vector<16xi32>,
      %ne3A_248 = arith.constant 0 : i32
      %ne3A_249 = vector.broadcast %ne3A_248 : i32 to vector<16xi32>
      %ne3A_250 = arith.cmpi ne, %get3A_247, %ne3A_249 : vector<16xi32>
      %select_n3A_251 = arith.select %ne3A_250, %broadcast_in_dim3A_28, %broadcast_in_dim3A_30 : vector<16xi1>, vector<16xi32>
      %add3A_252 = arith.addi %add3A_244, %select_n3A_251 : vector<16xi32>
      %get3A_253 = arith.index_cast %add3A_42 : i32 to index
      %get3A_254 = arith.constant 320 : index
      %get3A_255 = tpu.vector_load %arg5[%get3A_253, %get3A_254] {strides = array<i32>} : memref<64x416xi32, #tpu.memory_space<vmem>>, vector<16xi32>,
      %ne3A_256 = arith.constant 0 : i32
      %ne3A_257 = vector.broadcast %ne3A_256 : i32 to vector<16xi32>
      %ne3A_258 = arith.cmpi ne, %get3A_255, %ne3A_257 : vector<16xi32>
      %select_n3A_259 = arith.select %ne3A_258, %broadcast_in_dim3A_28, %broadcast_in_dim3A_30 : vector<16xi1>, vector<16xi32>
      %add3A_260 = arith.addi %add3A_252, %select_n3A_259 : vector<16xi32>
      %get3A_261 = arith.index_cast %add3A_42 : i32 to index
      %get3A_262 = arith.constant 336 : index
      %get3A_263 = tpu.vector_load %arg5[%get3A_261, %get3A_262] {strides = array<i32>} : memref<64x416xi32, #tpu.memory_space<vmem>>, vector<16xi32>,
      %ne3A_264 = arith.constant 0 : i32
      %ne3A_265 = vector.broadcast %ne3A_264 : i32 to vector<16xi32>
      %ne3A_266 = arith.cmpi ne, %get3A_263, %ne3A_265 : vector<16xi32>
      %select_n3A_267 = arith.select %ne3A_266, %broadcast_in_dim3A_28, %broadcast_in_dim3A_30 : vector<16xi1>, vector<16xi32>
      %add3A_268 = arith.addi %add3A_260, %select_n3A_267 : vector<16xi32>
      %get3A_269 = arith.index_cast %add3A_42 : i32 to index
      %get3A_270 = arith.constant 352 : index
      %get3A_271 = tpu.vector_load %arg5[%get3A_269, %get3A_270] {strides = array<i32>} : memref<64x416xi32, #tpu.memory_space<vmem>>, vector<16xi32>,
      %ne3A_272 = arith.constant 0 : i32
      %ne3A_273 = vector.broadcast %ne3A_272 : i32 to vector<16xi32>
      %ne3A_274 = arith.cmpi ne, %get3A_271, %ne3A_273 : vector<16xi32>
      %select_n3A_275 = arith.select %ne3A_274, %broadcast_in_dim3A_28, %broadcast_in_dim3A_30 : vector<16xi1>, vector<16xi32>
      %add3A_276 = arith.addi %add3A_268, %select_n3A_275 : vector<16xi32>
      %get3A_277 = arith.index_cast %add3A_42 : i32 to index
      %get3A_278 = arith.constant 368 : index
      %get3A_279 = tpu.vector_load %arg5[%get3A_277, %get3A_278] {strides = array<i32>} : memref<64x416xi32, #tpu.memory_space<vmem>>, vector<16xi32>,
      %ne3A_280 = arith.constant 0 : i32
      %ne3A_281 = vector.broadcast %ne3A_280 : i32 to vector<16xi32>
      %ne3A_282 = arith.cmpi ne, %get3A_279, %ne3A_281 : vector<16xi32>
      %select_n3A_283 = arith.select %ne3A_282, %broadcast_in_dim3A_28, %broadcast_in_dim3A_30 : vector<16xi1>, vector<16xi32>
      %add3A_284 = arith.addi %add3A_276, %select_n3A_283 : vector<16xi32>
      %get3A_285 = arith.index_cast %add3A_42 : i32 to index
      %get3A_286 = arith.constant 384 : index
      %get3A_287 = tpu.vector_load %arg5[%get3A_285, %get3A_286] {strides = array<i32>} : memref<64x416xi32, #tpu.memory_space<vmem>>, vector<16xi32>,
      %ne3A_288 = arith.constant 0 : i32
      %ne3A_289 = vector.broadcast %ne3A_288 : i32 to vector<16xi32>
      %ne3A_290 = arith.cmpi ne, %get3A_287, %ne3A_289 : vector<16xi32>
      %select_n3A_291 = arith.select %ne3A_290, %broadcast_in_dim3A_28, %broadcast_in_dim3A_30 : vector<16xi1>, vector<16xi32>
      %add3A_292 = arith.addi %add3A_284, %select_n3A_291 : vector<16xi32>
      %get3A_293 = arith.index_cast %add3A_42 : i32 to index
      %get3A_294 = arith.constant 400 : index
      %get3A_295 = tpu.vector_load %arg5[%get3A_293, %get3A_294] {strides = array<i32>} : memref<64x416xi32, #tpu.memory_space<vmem>>, vector<16xi32>,
      %ne3A_296 = arith.constant 0 : i32
      %ne3A_297 = vector.broadcast %ne3A_296 : i32 to vector<16xi32>
      %ne3A_298 = arith.cmpi ne, %get3A_295, %ne3A_297 : vector<16xi32>
      %select_n3A_299 = arith.select %ne3A_298, %broadcast_in_dim3A_28, %broadcast_in_dim3A_30 : vector<16xi1>, vector<16xi32>
      %add3A_300 = arith.addi %add3A_292, %select_n3A_299 : vector<16xi32>
      %reduce_sum3A_301 = arith.constant true
      %reduce_sum3A_302 = vector.broadcast %reduce_sum3A_301 : i1 to vector<16xi1>
      %reduce_sum3A_303 = tpu.scan <sum>, %add3A_300 masked %reduce_sum3A_302 : vector<16xi32>, vector<16xi1> -> vector<16xi32>
      %reduce_sum3A_304 = vector.extract %reduce_sum3A_303[15] : i32 from vector<16xi32>
      %max3A_305 = arith.constant 1 : i32
      %max3A_306 = arith.maxsi %reduce_sum3A_304, %max3A_305 : i32
      %convert_element_type3A_307 = arith.sitofp %max3A_306 : i32 to f32
      %broadcast_in_dim3A_308 = vector.broadcast %convert_element_type3A_307 : f32 to vector<16xf32>
      %mul3A_309 = arith.constant 2 : i32
      %mul3A_310 = arith.muli %add3A_42, %mul3A_309 : i32
      %add3A_311 = arith.constant 1 : i32
      %add3A_312 = arith.addi %mul3A_310, %add3A_311 : i32
      %add3A_313 = arith.addf %scan3A_195#0, %scan3A_195#4 : vector<16xf32>
      %div3A_314 = arith.divf %add3A_313, %broadcast_in_dim3A_308 : vector<16xf32>
      %swap3A_315 = arith.index_cast %add3A_312 : i32 to index
      %swap3A_316 = arith.constant 0 : index
      %swap3A_317 = tpu.vector_load %arg7[%swap3A_315, %swap3A_316] {strides = array<i32>} : memref<128x64xf32, #tpu.memory_space<vmem>>, vector<16xf32>,
      tpu.vector_store %arg7[%swap3A_315, %swap3A_316], %div3A_314 {strides = array<i32>} : memref<128x64xf32, #tpu.memory_space<vmem>>, vector<16xf32>,
      %add3A_318 = arith.addf %scan3A_195#1, %scan3A_195#5 : vector<16xf32>
      %div3A_319 = arith.divf %add3A_318, %broadcast_in_dim3A_308 : vector<16xf32>
      %swap3A_320 = arith.index_cast %add3A_312 : i32 to index
      %swap3A_321 = arith.constant 16 : index
      %swap3A_322 = tpu.vector_load %arg7[%swap3A_320, %swap3A_321] {strides = array<i32>} : memref<128x64xf32, #tpu.memory_space<vmem>>, vector<16xf32>,
      tpu.vector_store %arg7[%swap3A_320, %swap3A_321], %div3A_319 {strides = array<i32>} : memref<128x64xf32, #tpu.memory_space<vmem>>, vector<16xf32>,
      %add3A_323 = arith.addf %scan3A_195#2, %scan3A_195#6 : vector<16xf32>
      %div3A_324 = arith.divf %add3A_323, %broadcast_in_dim3A_308 : vector<16xf32>
      %swap3A_325 = arith.index_cast %add3A_312 : i32 to index
      %swap3A_326 = arith.constant 32 : index
      %swap3A_327 = tpu.vector_load %arg7[%swap3A_325, %swap3A_326] {strides = array<i32>} : memref<128x64xf32, #tpu.memory_space<vmem>>, vector<16xf32>,
      tpu.vector_store %arg7[%swap3A_325, %swap3A_326], %div3A_324 {strides = array<i32>} : memref<128x64xf32, #tpu.memory_space<vmem>>, vector<16xf32>,
      %add3A_328 = arith.addf %scan3A_195#3, %scan3A_195#7 : vector<16xf32>
      %div3A_329 = arith.divf %add3A_328, %broadcast_in_dim3A_308 : vector<16xf32>
      %swap3A_330 = arith.index_cast %add3A_312 : i32 to index
      %swap3A_331 = arith.constant 48 : index
      %swap3A_332 = tpu.vector_load %arg7[%swap3A_330, %swap3A_331] {strides = array<i32>} : memref<128x64xf32, #tpu.memory_space<vmem>>, vector<16xf32>,
      tpu.vector_store %arg7[%swap3A_330, %swap3A_331], %div3A_329 {strides = array<i32>} : memref<128x64xf32, #tpu.memory_space<vmem>>, vector<16xf32>,
      %add3A_333 = arith.constant 2 : i32
      %add3A_334 = arith.addi %add3A_42, %add3A_333 : i32
      %lt3A = arith.constant 64 : i32
      %lt3A_335 = arith.cmpi slt, %add3A_334, %lt3A : i32
      %convert_element_type3A_336 = arith.extui %lt3A_335 : i1 to i32
      %cond3A = arith.constant 0 : i32
      %cond3A_337 = arith.cmpi ne, %convert_element_type3A_336, %cond3A : i32
      scf.if %cond3A_337 {
        %dma_start3A_648 = arith.constant 0 : i32
        %dma_start3A_649 = arith.constant 0 : i32
        %dma_start3A_650 = arith.constant 0 : i32
        %dma_start3A_651 = tpu.memref_slice %arg6[%dma_start3A_648, %dma_start3A_649, %dma_start3A_650] : memref<2x416x64xf32, #tpu.memory_space<vmem>> -> memref<1x416x64xf32, #tpu.memory_space<vmem>>
        %dma_start3A_652 = tpu.memref_squeeze %dma_start3A_651 : memref<1x416x64xf32, #tpu.memory_space<vmem>> -> memref<416x64xf32, #tpu.memory_space<vmem>>
        %dma_start3A_653 = arith.constant 0 : i32
        %dma_start3A_654 = tpu.memref_slice %arg5[%add3A_334, %dma_start3A_653] : memref<64x416xi32, #tpu.memory_space<vmem>> -> memref<1x416xi32, #tpu.memory_space<vmem>>
        %dma_start3A_655 = tpu.memref_squeeze %dma_start3A_654 : memref<1x416xi32, #tpu.memory_space<vmem>> -> memref<416xi32, #tpu.memory_space<vmem>>
        %dma_start3A_656 = arith.constant 0 : i32
        %dma_start3A_657 = arith.constant 0 : i32
        %dma_start3A_658 = tpu.memref_slice %arg3[%dma_start3A_656, %dma_start3A_657] : memref<1000000x64xf32, #tpu.memory_space<hbm>> -> memref<1000000x64xf32, #tpu.memory_space<hbm>>
        tpu.enqueue_indirect_dma source(%dma_start3A_658 : memref<1000000x64xf32, #tpu.memory_space<hbm>>) target(%dma_start3A_652 : memref<416x64xf32, #tpu.memory_space<vmem>>) offsets(%dma_start3A_655 : memref<416xi32, #tpu.memory_space<vmem>>) semaphore(%arg8 : memref<!tpu.dma_semaphore, #tpu.memory_space<semaphore_mem>>)
      } else {
      }
      %mul3A_338 = arith.constant 2 : i32
      %mul3A_339 = arith.muli %scan3A_38, %mul3A_338 : i32
      %add3A_340 = arith.constant 1 : i32
      %add3A_341 = arith.addi %mul3A_339, %add3A_340 : i32
      %dma_wait3A_342 = arith.constant 1 : i32
      %dma_wait3A_343 = arith.constant 0 : i32
      %dma_wait3A_344 = arith.constant 0 : i32
      %dma_wait3A_345 = tpu.memref_slice %arg6[%dma_wait3A_342, %dma_wait3A_343, %dma_wait3A_344] : memref<2x416x64xf32, #tpu.memory_space<vmem>> -> memref<1x416x64xf32, #tpu.memory_space<vmem>>
      %dma_wait3A_346 = tpu.memref_squeeze %dma_wait3A_345 : memref<1x416x64xf32, #tpu.memory_space<vmem>> -> memref<416x64xf32, #tpu.memory_space<vmem>>
      %dma_wait3A_347 = arith.constant 0 : i32
      %dma_wait3A_348 = arith.constant 0 : i32
      %dma_wait3A_349 = tpu.memref_slice %arg3[%dma_wait3A_347, %dma_wait3A_348] : memref<1000000x64xf32, #tpu.memory_space<hbm>> -> memref<416x64xf32, #tpu.memory_space<hbm>>
      %dma_wait3A_350 = arith.constant 0 : i32
      %dma_wait3A_351 = arith.constant 0 : i32
      %dma_wait3A_352 = tpu.memref_slice %arg6[%dma_wait3A_342, %dma_wait3A_350, %dma_wait3A_351] : memref<2x416x64xf32, #tpu.memory_space<vmem>> -> memref<1x416x64xf32, #tpu.memory_space<vmem>>
      %dma_wait3A_353 = tpu.memref_squeeze %dma_wait3A_352 : memref<1x416x64xf32, #tpu.memory_space<vmem>> -> memref<416x64xf32, #tpu.memory_space<vmem>>
      %dma_wait3A_354 = arith.constant 0 : i32
      %dma_wait3A_355 = arith.constant 0 : i32
      %dma_wait3A_356 = tpu.memref_slice %arg3[%dma_wait3A_354, %dma_wait3A_355] : memref<1000000x64xf32, #tpu.memory_space<hbm>> -> memref<416x64xf32, #tpu.memory_space<hbm>>
      tpu.wait_dma2 semaphore(%arg9 : memref<!tpu.dma_semaphore, #tpu.memory_space<semaphore_mem>>) src(%dma_wait3A_356 : memref<416x64xf32, #tpu.memory_space<hbm>>) dst(%dma_wait3A_353 : memref<416x64xf32, #tpu.memory_space<vmem>>)
      %scan3A_357 = arith.constant 0 : i32
      %scan3A_358 = arith.constant 13 : i32
      %scan3A_359 = arith.addi %scan3A_357, %scan3A_358 : i32
      %scan3A_360 = arith.constant 1 : i32
      %scan3A_361:8 = scf.for %scan3A_648 = %scan3A_357 to %scan3A_359 step %scan3A_360 iter_args(%scan3A_649 = %broadcast_in_dim3A_26, %scan3A_650 = %broadcast_in_dim3A_26, %scan3A_651 = %broadcast_in_dim3A_26, %scan3A_652 = %broadcast_in_dim3A_26, %scan3A_653 = %broadcast_in_dim3A_26, %scan3A_654 = %broadcast_in_dim3A_26, %scan3A_655 = %broadcast_in_dim3A_26, %scan3A_656 = %broadcast_in_dim3A_26) -> (vector<16xf32>, vector<16xf32>, vector<16xf32>, vector<16xf32>, vector<16xf32>, vector<16xf32>, vector<16xf32>, vector<16xf32>)  : i32 {
        %mul3A_657 = arith.constant 16 : i32
        %mul3A_658 = arith.muli %scan3A_648, %mul3A_657 : i32
        %add3A_659 = arith.constant 0 : i32
        %add3A_660 = arith.addi %add3A_659, %mul3A_658 : i32
        %add3A_661 = arith.constant 0 : i32
        %add3A_662 = arith.addi %add3A_660, %add3A_661 : i32
        %get3A_663 = arith.constant 1 : i32
        %get3A_664 = arith.index_cast %get3A_663 : i32 to index
        %get3A_665 = arith.index_cast %add3A_662 : i32 to index
        %get3A_666 = arith.constant 0 : index
        %get3A_667 = tpu.vector_load %arg6[%get3A_664, %get3A_665, %get3A_666] {strides = array<i32>} : memref<2x416x64xf32, #tpu.memory_space<vmem>>, vector<16xf32>,
        %add3A_668 = arith.addf %scan3A_649, %get3A_667 : vector<16xf32>
        %add3A_669 = arith.constant 0 : i32
        %add3A_670 = arith.addi %add3A_660, %add3A_669 : i32
        %get3A_671 = arith.constant 1 : i32
        %get3A_672 = arith.index_cast %get3A_671 : i32 to index
        %get3A_673 = arith.index_cast %add3A_670 : i32 to index
        %get3A_674 = arith.constant 16 : index
        %get3A_675 = tpu.vector_load %arg6[%get3A_672, %get3A_673, %get3A_674] {strides = array<i32>} : memref<2x416x64xf32, #tpu.memory_space<vmem>>, vector<16xf32>,
        %add3A_676 = arith.addf %scan3A_650, %get3A_675 : vector<16xf32>
        %add3A_677 = arith.constant 0 : i32
        %add3A_678 = arith.addi %add3A_660, %add3A_677 : i32
        %get3A_679 = arith.constant 1 : i32
        %get3A_680 = arith.index_cast %get3A_679 : i32 to index
        %get3A_681 = arith.index_cast %add3A_678 : i32 to index
        %get3A_682 = arith.constant 32 : index
        %get3A_683 = tpu.vector_load %arg6[%get3A_680, %get3A_681, %get3A_682] {strides = array<i32>} : memref<2x416x64xf32, #tpu.memory_space<vmem>>, vector<16xf32>,
        %add3A_684 = arith.addf %scan3A_651, %get3A_683 : vector<16xf32>
        %add3A_685 = arith.constant 0 : i32
        %add3A_686 = arith.addi %add3A_660, %add3A_685 : i32
        %get3A_687 = arith.constant 1 : i32
        %get3A_688 = arith.index_cast %get3A_687 : i32 to index
        %get3A_689 = arith.index_cast %add3A_686 : i32 to index
        %get3A_690 = arith.constant 48 : index
        %get3A_691 = tpu.vector_load %arg6[%get3A_688, %get3A_689, %get3A_690] {strides = array<i32>} : memref<2x416x64xf32, #tpu.memory_space<vmem>>, vector<16xf32>,
        %add3A_692 = arith.addf %scan3A_652, %get3A_691 : vector<16xf32>
        %add3A_693 = arith.constant 1 : i32
        %add3A_694 = arith.addi %add3A_660, %add3A_693 : i32
        %get3A_695 = arith.constant 1 : i32
        %get3A_696 = arith.index_cast %get3A_695 : i32 to index
        %get3A_697 = arith.index_cast %add3A_694 : i32 to index
        %get3A_698 = arith.constant 0 : index
        %get3A_699 = tpu.vector_load %arg6[%get3A_696, %get3A_697, %get3A_698] {strides = array<i32>} : memref<2x416x64xf32, #tpu.memory_space<vmem>>, vector<16xf32>,
        %add3A_700 = arith.addf %scan3A_653, %get3A_699 : vector<16xf32>
        %add3A_701 = arith.constant 1 : i32
        %add3A_702 = arith.addi %add3A_660, %add3A_701 : i32
        %get3A_703 = arith.constant 1 : i32
        %get3A_704 = arith.index_cast %get3A_703 : i32 to index
        %get3A_705 = arith.index_cast %add3A_702 : i32 to index
        %get3A_706 = arith.constant 16 : index
        %get3A_707 = tpu.vector_load %arg6[%get3A_704, %get3A_705, %get3A_706] {strides = array<i32>} : memref<2x416x64xf32, #tpu.memory_space<vmem>>, vector<16xf32>,
        %add3A_708 = arith.addf %scan3A_654, %get3A_707 : vector<16xf32>
        %add3A_709 = arith.constant 1 : i32
        %add3A_710 = arith.addi %add3A_660, %add3A_709 : i32
        %get3A_711 = arith.constant 1 : i32
        %get3A_712 = arith.index_cast %get3A_711 : i32 to index
        %get3A_713 = arith.index_cast %add3A_710 : i32 to index
        %get3A_714 = arith.constant 32 : index
        %get3A_715 = tpu.vector_load %arg6[%get3A_712, %get3A_713, %get3A_714] {strides = array<i32>} : memref<2x416x64xf32, #tpu.memory_space<vmem>>, vector<16xf32>,
        %add3A_716 = arith.addf %scan3A_655, %get3A_715 : vector<16xf32>
        %add3A_717 = arith.constant 1 : i32
        %add3A_718 = arith.addi %add3A_660, %add3A_717 : i32
        %get3A_719 = arith.constant 1 : i32
        %get3A_720 = arith.index_cast %get3A_719 : i32 to index
        %get3A_721 = arith.index_cast %add3A_718 : i32 to index
        %get3A_722 = arith.constant 48 : index
        %get3A_723 = tpu.vector_load %arg6[%get3A_720, %get3A_721, %get3A_722] {strides = array<i32>} : memref<2x416x64xf32, #tpu.memory_space<vmem>>, vector<16xf32>,
        %add3A_724 = arith.addf %scan3A_656, %get3A_723 : vector<16xf32>
        %add3A_725 = arith.constant 2 : i32
        %add3A_726 = arith.addi %add3A_660, %add3A_725 : i32
        %get3A_727 = arith.constant 1 : i32
        %get3A_728 = arith.index_cast %get3A_727 : i32 to index
        %get3A_729 = arith.index_cast %add3A_726 : i32 to index
        %get3A_730 = arith.constant 0 : index
        %get3A_731 = tpu.vector_load %arg6[%get3A_728, %get3A_729, %get3A_730] {strides = array<i32>} : memref<2x416x64xf32, #tpu.memory_space<vmem>>, vector<16xf32>,
        %add3A_732 = arith.addf %add3A_668, %get3A_731 : vector<16xf32>
        %add3A_733 = arith.constant 2 : i32
        %add3A_734 = arith.addi %add3A_660, %add3A_733 : i32
        %get3A_735 = arith.constant 1 : i32
        %get3A_736 = arith.index_cast %get3A_735 : i32 to index
        %get3A_737 = arith.index_cast %add3A_734 : i32 to index
        %get3A_738 = arith.constant 16 : index
        %get3A_739 = tpu.vector_load %arg6[%get3A_736, %get3A_737, %get3A_738] {strides = array<i32>} : memref<2x416x64xf32, #tpu.memory_space<vmem>>, vector<16xf32>,
        %add3A_740 = arith.addf %add3A_676, %get3A_739 : vector<16xf32>
        %add3A_741 = arith.constant 2 : i32
        %add3A_742 = arith.addi %add3A_660, %add3A_741 : i32
        %get3A_743 = arith.constant 1 : i32
        %get3A_744 = arith.index_cast %get3A_743 : i32 to index
        %get3A_745 = arith.index_cast %add3A_742 : i32 to index
        %get3A_746 = arith.constant 32 : index
        %get3A_747 = tpu.vector_load %arg6[%get3A_744, %get3A_745, %get3A_746] {strides = array<i32>} : memref<2x416x64xf32, #tpu.memory_space<vmem>>, vector<16xf32>,
        %add3A_748 = arith.addf %add3A_684, %get3A_747 : vector<16xf32>
        %add3A_749 = arith.constant 2 : i32
        %add3A_750 = arith.addi %add3A_660, %add3A_749 : i32
        %get3A_751 = arith.constant 1 : i32
        %get3A_752 = arith.index_cast %get3A_751 : i32 to index
        %get3A_753 = arith.index_cast %add3A_750 : i32 to index
        %get3A_754 = arith.constant 48 : index
        %get3A_755 = tpu.vector_load %arg6[%get3A_752, %get3A_753, %get3A_754] {strides = array<i32>} : memref<2x416x64xf32, #tpu.memory_space<vmem>>, vector<16xf32>,
        %add3A_756 = arith.addf %add3A_692, %get3A_755 : vector<16xf32>
        %add3A_757 = arith.constant 3 : i32
        %add3A_758 = arith.addi %add3A_660, %add3A_757 : i32
        %get3A_759 = arith.constant 1 : i32
        %get3A_760 = arith.index_cast %get3A_759 : i32 to index
        %get3A_761 = arith.index_cast %add3A_758 : i32 to index
        %get3A_762 = arith.constant 0 : index
        %get3A_763 = tpu.vector_load %arg6[%get3A_760, %get3A_761, %get3A_762] {strides = array<i32>} : memref<2x416x64xf32, #tpu.memory_space<vmem>>, vector<16xf32>,
        %add3A_764 = arith.addf %add3A_700, %get3A_763 : vector<16xf32>
        %add3A_765 = arith.constant 3 : i32
        %add3A_766 = arith.addi %add3A_660, %add3A_765 : i32
        %get3A_767 = arith.constant 1 : i32
        %get3A_768 = arith.index_cast %get3A_767 : i32 to index
        %get3A_769 = arith.index_cast %add3A_766 : i32 to index
        %get3A_770 = arith.constant 16 : index
        %get3A_771 = tpu.vector_load %arg6[%get3A_768, %get3A_769, %get3A_770] {strides = array<i32>} : memref<2x416x64xf32, #tpu.memory_space<vmem>>, vector<16xf32>,
        %add3A_772 = arith.addf %add3A_708, %get3A_771 : vector<16xf32>
        %add3A_773 = arith.constant 3 : i32
        %add3A_774 = arith.addi %add3A_660, %add3A_773 : i32
        %get3A_775 = arith.constant 1 : i32
        %get3A_776 = arith.index_cast %get3A_775 : i32 to index
        %get3A_777 = arith.index_cast %add3A_774 : i32 to index
        %get3A_778 = arith.constant 32 : index
        %get3A_779 = tpu.vector_load %arg6[%get3A_776, %get3A_777, %get3A_778] {strides = array<i32>} : memref<2x416x64xf32, #tpu.memory_space<vmem>>, vector<16xf32>,
        %add3A_780 = arith.addf %add3A_716, %get3A_779 : vector<16xf32>
        %add3A_781 = arith.constant 3 : i32
        %add3A_782 = arith.addi %add3A_660, %add3A_781 : i32
        %get3A_783 = arith.constant 1 : i32
        %get3A_784 = arith.index_cast %get3A_783 : i32 to index
        %get3A_785 = arith.index_cast %add3A_782 : i32 to index
        %get3A_786 = arith.constant 48 : index
        %get3A_787 = tpu.vector_load %arg6[%get3A_784, %get3A_785, %get3A_786] {strides = array<i32>} : memref<2x416x64xf32, #tpu.memory_space<vmem>>, vector<16xf32>,
        %add3A_788 = arith.addf %add3A_724, %get3A_787 : vector<16xf32>
        %add3A_789 = arith.constant 4 : i32
        %add3A_790 = arith.addi %add3A_660, %add3A_789 : i32
        %get3A_791 = arith.constant 1 : i32
        %get3A_792 = arith.index_cast %get3A_791 : i32 to index
        %get3A_793 = arith.index_cast %add3A_790 : i32 to index
        %get3A_794 = arith.constant 0 : index
        %get3A_795 = tpu.vector_load %arg6[%get3A_792, %get3A_793, %get3A_794] {strides = array<i32>} : memref<2x416x64xf32, #tpu.memory_space<vmem>>, vector<16xf32>,
        %add3A_796 = arith.addf %add3A_732, %get3A_795 : vector<16xf32>
        %add3A_797 = arith.constant 4 : i32
        %add3A_798 = arith.addi %add3A_660, %add3A_797 : i32
        %get3A_799 = arith.constant 1 : i32
        %get3A_800 = arith.index_cast %get3A_799 : i32 to index
        %get3A_801 = arith.index_cast %add3A_798 : i32 to index
        %get3A_802 = arith.constant 16 : index
        %get3A_803 = tpu.vector_load %arg6[%get3A_800, %get3A_801, %get3A_802] {strides = array<i32>} : memref<2x416x64xf32, #tpu.memory_space<vmem>>, vector<16xf32>,
        %add3A_804 = arith.addf %add3A_740, %get3A_803 : vector<16xf32>
        %add3A_805 = arith.constant 4 : i32
        %add3A_806 = arith.addi %add3A_660, %add3A_805 : i32
        %get3A_807 = arith.constant 1 : i32
        %get3A_808 = arith.index_cast %get3A_807 : i32 to index
        %get3A_809 = arith.index_cast %add3A_806 : i32 to index
        %get3A_810 = arith.constant 32 : index
        %get3A_811 = tpu.vector_load %arg6[%get3A_808, %get3A_809, %get3A_810] {strides = array<i32>} : memref<2x416x64xf32, #tpu.memory_space<vmem>>, vector<16xf32>,
        %add3A_812 = arith.addf %add3A_748, %get3A_811 : vector<16xf32>
        %add3A_813 = arith.constant 4 : i32
        %add3A_814 = arith.addi %add3A_660, %add3A_813 : i32
        %get3A_815 = arith.constant 1 : i32
        %get3A_816 = arith.index_cast %get3A_815 : i32 to index
        %get3A_817 = arith.index_cast %add3A_814 : i32 to index
        %get3A_818 = arith.constant 48 : index
        %get3A_819 = tpu.vector_load %arg6[%get3A_816, %get3A_817, %get3A_818] {strides = array<i32>} : memref<2x416x64xf32, #tpu.memory_space<vmem>>, vector<16xf32>,
        %add3A_820 = arith.addf %add3A_756, %get3A_819 : vector<16xf32>
        %add3A_821 = arith.constant 5 : i32
        %add3A_822 = arith.addi %add3A_660, %add3A_821 : i32
        %get3A_823 = arith.constant 1 : i32
        %get3A_824 = arith.index_cast %get3A_823 : i32 to index
        %get3A_825 = arith.index_cast %add3A_822 : i32 to index
        %get3A_826 = arith.constant 0 : index
        %get3A_827 = tpu.vector_load %arg6[%get3A_824, %get3A_825, %get3A_826] {strides = array<i32>} : memref<2x416x64xf32, #tpu.memory_space<vmem>>, vector<16xf32>,
        %add3A_828 = arith.addf %add3A_764, %get3A_827 : vector<16xf32>
        %add3A_829 = arith.constant 5 : i32
        %add3A_830 = arith.addi %add3A_660, %add3A_829 : i32
        %get3A_831 = arith.constant 1 : i32
        %get3A_832 = arith.index_cast %get3A_831 : i32 to index
        %get3A_833 = arith.index_cast %add3A_830 : i32 to index
        %get3A_834 = arith.constant 16 : index
        %get3A_835 = tpu.vector_load %arg6[%get3A_832, %get3A_833, %get3A_834] {strides = array<i32>} : memref<2x416x64xf32, #tpu.memory_space<vmem>>, vector<16xf32>,
        %add3A_836 = arith.addf %add3A_772, %get3A_835 : vector<16xf32>
        %add3A_837 = arith.constant 5 : i32
        %add3A_838 = arith.addi %add3A_660, %add3A_837 : i32
        %get3A_839 = arith.constant 1 : i32
        %get3A_840 = arith.index_cast %get3A_839 : i32 to index
        %get3A_841 = arith.index_cast %add3A_838 : i32 to index
        %get3A_842 = arith.constant 32 : index
        %get3A_843 = tpu.vector_load %arg6[%get3A_840, %get3A_841, %get3A_842] {strides = array<i32>} : memref<2x416x64xf32, #tpu.memory_space<vmem>>, vector<16xf32>,
        %add3A_844 = arith.addf %add3A_780, %get3A_843 : vector<16xf32>
        %add3A_845 = arith.constant 5 : i32
        %add3A_846 = arith.addi %add3A_660, %add3A_845 : i32
        %get3A_847 = arith.constant 1 : i32
        %get3A_848 = arith.index_cast %get3A_847 : i32 to index
        %get3A_849 = arith.index_cast %add3A_846 : i32 to index
        %get3A_850 = arith.constant 48 : index
        %get3A_851 = tpu.vector_load %arg6[%get3A_848, %get3A_849, %get3A_850] {strides = array<i32>} : memref<2x416x64xf32, #tpu.memory_space<vmem>>, vector<16xf32>,
        %add3A_852 = arith.addf %add3A_788, %get3A_851 : vector<16xf32>
        %add3A_853 = arith.constant 6 : i32
        %add3A_854 = arith.addi %add3A_660, %add3A_853 : i32
        %get3A_855 = arith.constant 1 : i32
        %get3A_856 = arith.index_cast %get3A_855 : i32 to index
        %get3A_857 = arith.index_cast %add3A_854 : i32 to index
        %get3A_858 = arith.constant 0 : index
        %get3A_859 = tpu.vector_load %arg6[%get3A_856, %get3A_857, %get3A_858] {strides = array<i32>} : memref<2x416x64xf32, #tpu.memory_space<vmem>>, vector<16xf32>,
        %add3A_860 = arith.addf %add3A_796, %get3A_859 : vector<16xf32>
        %add3A_861 = arith.constant 6 : i32
        %add3A_862 = arith.addi %add3A_660, %add3A_861 : i32
        %get3A_863 = arith.constant 1 : i32
        %get3A_864 = arith.index_cast %get3A_863 : i32 to index
        %get3A_865 = arith.index_cast %add3A_862 : i32 to index
        %get3A_866 = arith.constant 16 : index
        %get3A_867 = tpu.vector_load %arg6[%get3A_864, %get3A_865, %get3A_866] {strides = array<i32>} : memref<2x416x64xf32, #tpu.memory_space<vmem>>, vector<16xf32>,
        %add3A_868 = arith.addf %add3A_804, %get3A_867 : vector<16xf32>
        %add3A_869 = arith.constant 6 : i32
        %add3A_870 = arith.addi %add3A_660, %add3A_869 : i32
        %get3A_871 = arith.constant 1 : i32
        %get3A_872 = arith.index_cast %get3A_871 : i32 to index
        %get3A_873 = arith.index_cast %add3A_870 : i32 to index
        %get3A_874 = arith.constant 32 : index
        %get3A_875 = tpu.vector_load %arg6[%get3A_872, %get3A_873, %get3A_874] {strides = array<i32>} : memref<2x416x64xf32, #tpu.memory_space<vmem>>, vector<16xf32>,
        %add3A_876 = arith.addf %add3A_812, %get3A_875 : vector<16xf32>
        %add3A_877 = arith.constant 6 : i32
        %add3A_878 = arith.addi %add3A_660, %add3A_877 : i32
        %get3A_879 = arith.constant 1 : i32
        %get3A_880 = arith.index_cast %get3A_879 : i32 to index
        %get3A_881 = arith.index_cast %add3A_878 : i32 to index
        %get3A_882 = arith.constant 48 : index
        %get3A_883 = tpu.vector_load %arg6[%get3A_880, %get3A_881, %get3A_882] {strides = array<i32>} : memref<2x416x64xf32, #tpu.memory_space<vmem>>, vector<16xf32>,
        %add3A_884 = arith.addf %add3A_820, %get3A_883 : vector<16xf32>
        %add3A_885 = arith.constant 7 : i32
        %add3A_886 = arith.addi %add3A_660, %add3A_885 : i32
        %get3A_887 = arith.constant 1 : i32
        %get3A_888 = arith.index_cast %get3A_887 : i32 to index
        %get3A_889 = arith.index_cast %add3A_886 : i32 to index
        %get3A_890 = arith.constant 0 : index
        %get3A_891 = tpu.vector_load %arg6[%get3A_888, %get3A_889, %get3A_890] {strides = array<i32>} : memref<2x416x64xf32, #tpu.memory_space<vmem>>, vector<16xf32>,
        %add3A_892 = arith.addf %add3A_828, %get3A_891 : vector<16xf32>
        %add3A_893 = arith.constant 7 : i32
        %add3A_894 = arith.addi %add3A_660, %add3A_893 : i32
        %get3A_895 = arith.constant 1 : i32
        %get3A_896 = arith.index_cast %get3A_895 : i32 to index
        %get3A_897 = arith.index_cast %add3A_894 : i32 to index
        %get3A_898 = arith.constant 16 : index
        %get3A_899 = tpu.vector_load %arg6[%get3A_896, %get3A_897, %get3A_898] {strides = array<i32>} : memref<2x416x64xf32, #tpu.memory_space<vmem>>, vector<16xf32>,
        %add3A_900 = arith.addf %add3A_836, %get3A_899 : vector<16xf32>
        %add3A_901 = arith.constant 7 : i32
        %add3A_902 = arith.addi %add3A_660, %add3A_901 : i32
        %get3A_903 = arith.constant 1 : i32
        %get3A_904 = arith.index_cast %get3A_903 : i32 to index
        %get3A_905 = arith.index_cast %add3A_902 : i32 to index
        %get3A_906 = arith.constant 32 : index
        %get3A_907 = tpu.vector_load %arg6[%get3A_904, %get3A_905, %get3A_906] {strides = array<i32>} : memref<2x416x64xf32, #tpu.memory_space<vmem>>, vector<16xf32>,
        %add3A_908 = arith.addf %add3A_844, %get3A_907 : vector<16xf32>
        %add3A_909 = arith.constant 7 : i32
        %add3A_910 = arith.addi %add3A_660, %add3A_909 : i32
        %get3A_911 = arith.constant 1 : i32
        %get3A_912 = arith.index_cast %get3A_911 : i32 to index
        %get3A_913 = arith.index_cast %add3A_910 : i32 to index
        %get3A_914 = arith.constant 48 : index
        %get3A_915 = tpu.vector_load %arg6[%get3A_912, %get3A_913, %get3A_914] {strides = array<i32>} : memref<2x416x64xf32, #tpu.memory_space<vmem>>, vector<16xf32>,
        %add3A_916 = arith.addf %add3A_852, %get3A_915 : vector<16xf32>
        %add3A_917 = arith.constant 8 : i32
        %add3A_918 = arith.addi %add3A_660, %add3A_917 : i32
        %get3A_919 = arith.constant 1 : i32
        %get3A_920 = arith.index_cast %get3A_919 : i32 to index
        %get3A_921 = arith.index_cast %add3A_918 : i32 to index
        %get3A_922 = arith.constant 0 : index
        %get3A_923 = tpu.vector_load %arg6[%get3A_920, %get3A_921, %get3A_922] {strides = array<i32>} : memref<2x416x64xf32, #tpu.memory_space<vmem>>, vector<16xf32>,
        %add3A_924 = arith.addf %add3A_860, %get3A_923 : vector<16xf32>
        %add3A_925 = arith.constant 8 : i32
        %add3A_926 = arith.addi %add3A_660, %add3A_925 : i32
        %get3A_927 = arith.constant 1 : i32
        %get3A_928 = arith.index_cast %get3A_927 : i32 to index
        %get3A_929 = arith.index_cast %add3A_926 : i32 to index
        %get3A_930 = arith.constant 16 : index
        %get3A_931 = tpu.vector_load %arg6[%get3A_928, %get3A_929, %get3A_930] {strides = array<i32>} : memref<2x416x64xf32, #tpu.memory_space<vmem>>, vector<16xf32>,
        %add3A_932 = arith.addf %add3A_868, %get3A_931 : vector<16xf32>
        %add3A_933 = arith.constant 8 : i32
        %add3A_934 = arith.addi %add3A_660, %add3A_933 : i32
        %get3A_935 = arith.constant 1 : i32
        %get3A_936 = arith.index_cast %get3A_935 : i32 to index
        %get3A_937 = arith.index_cast %add3A_934 : i32 to index
        %get3A_938 = arith.constant 32 : index
        %get3A_939 = tpu.vector_load %arg6[%get3A_936, %get3A_937, %get3A_938] {strides = array<i32>} : memref<2x416x64xf32, #tpu.memory_space<vmem>>, vector<16xf32>,
        %add3A_940 = arith.addf %add3A_876, %get3A_939 : vector<16xf32>
        %add3A_941 = arith.constant 8 : i32
        %add3A_942 = arith.addi %add3A_660, %add3A_941 : i32
        %get3A_943 = arith.constant 1 : i32
        %get3A_944 = arith.index_cast %get3A_943 : i32 to index
        %get3A_945 = arith.index_cast %add3A_942 : i32 to index
        %get3A_946 = arith.constant 48 : index
        %get3A_947 = tpu.vector_load %arg6[%get3A_944, %get3A_945, %get3A_946] {strides = array<i32>} : memref<2x416x64xf32, #tpu.memory_space<vmem>>, vector<16xf32>,
        %add3A_948 = arith.addf %add3A_884, %get3A_947 : vector<16xf32>
        %add3A_949 = arith.constant 9 : i32
        %add3A_950 = arith.addi %add3A_660, %add3A_949 : i32
        %get3A_951 = arith.constant 1 : i32
        %get3A_952 = arith.index_cast %get3A_951 : i32 to index
        %get3A_953 = arith.index_cast %add3A_950 : i32 to index
        %get3A_954 = arith.constant 0 : index
        %get3A_955 = tpu.vector_load %arg6[%get3A_952, %get3A_953, %get3A_954] {strides = array<i32>} : memref<2x416x64xf32, #tpu.memory_space<vmem>>, vector<16xf32>,
        %add3A_956 = arith.addf %add3A_892, %get3A_955 : vector<16xf32>
        %add3A_957 = arith.constant 9 : i32
        %add3A_958 = arith.addi %add3A_660, %add3A_957 : i32
        %get3A_959 = arith.constant 1 : i32
        %get3A_960 = arith.index_cast %get3A_959 : i32 to index
        %get3A_961 = arith.index_cast %add3A_958 : i32 to index
        %get3A_962 = arith.constant 16 : index
        %get3A_963 = tpu.vector_load %arg6[%get3A_960, %get3A_961, %get3A_962] {strides = array<i32>} : memref<2x416x64xf32, #tpu.memory_space<vmem>>, vector<16xf32>,
        %add3A_964 = arith.addf %add3A_900, %get3A_963 : vector<16xf32>
        %add3A_965 = arith.constant 9 : i32
        %add3A_966 = arith.addi %add3A_660, %add3A_965 : i32
        %get3A_967 = arith.constant 1 : i32
        %get3A_968 = arith.index_cast %get3A_967 : i32 to index
        %get3A_969 = arith.index_cast %add3A_966 : i32 to index
        %get3A_970 = arith.constant 32 : index
        %get3A_971 = tpu.vector_load %arg6[%get3A_968, %get3A_969, %get3A_970] {strides = array<i32>} : memref<2x416x64xf32, #tpu.memory_space<vmem>>, vector<16xf32>,
        %add3A_972 = arith.addf %add3A_908, %get3A_971 : vector<16xf32>
        %add3A_973 = arith.constant 9 : i32
        %add3A_974 = arith.addi %add3A_660, %add3A_973 : i32
        %get3A_975 = arith.constant 1 : i32
        %get3A_976 = arith.index_cast %get3A_975 : i32 to index
        %get3A_977 = arith.index_cast %add3A_974 : i32 to index
        %get3A_978 = arith.constant 48 : index
        %get3A_979 = tpu.vector_load %arg6[%get3A_976, %get3A_977, %get3A_978] {strides = array<i32>} : memref<2x416x64xf32, #tpu.memory_space<vmem>>, vector<16xf32>,
        %add3A_980 = arith.addf %add3A_916, %get3A_979 : vector<16xf32>
        %add3A_981 = arith.constant 10 : i32
        %add3A_982 = arith.addi %add3A_660, %add3A_981 : i32
        %get3A_983 = arith.constant 1 : i32
        %get3A_984 = arith.index_cast %get3A_983 : i32 to index
        %get3A_985 = arith.index_cast %add3A_982 : i32 to index
        %get3A_986 = arith.constant 0 : index
        %get3A_987 = tpu.vector_load %arg6[%get3A_984, %get3A_985, %get3A_986] {strides = array<i32>} : memref<2x416x64xf32, #tpu.memory_space<vmem>>, vector<16xf32>,
        %add3A_988 = arith.addf %add3A_924, %get3A_987 : vector<16xf32>
        %add3A_989 = arith.constant 10 : i32
        %add3A_990 = arith.addi %add3A_660, %add3A_989 : i32
        %get3A_991 = arith.constant 1 : i32
        %get3A_992 = arith.index_cast %get3A_991 : i32 to index
        %get3A_993 = arith.index_cast %add3A_990 : i32 to index
        %get3A_994 = arith.constant 16 : index
        %get3A_995 = tpu.vector_load %arg6[%get3A_992, %get3A_993, %get3A_994] {strides = array<i32>} : memref<2x416x64xf32, #tpu.memory_space<vmem>>, vector<16xf32>,
        %add3A_996 = arith.addf %add3A_932, %get3A_995 : vector<16xf32>
        %add3A_997 = arith.constant 10 : i32
        %add3A_998 = arith.addi %add3A_660, %add3A_997 : i32
        %get3A_999 = arith.constant 1 : i32
        %get3A_1000 = arith.index_cast %get3A_999 : i32 to index
        %get3A_1001 = arith.index_cast %add3A_998 : i32 to index
        %get3A_1002 = arith.constant 32 : index
        %get3A_1003 = tpu.vector_load %arg6[%get3A_1000, %get3A_1001, %get3A_1002] {strides = array<i32>} : memref<2x416x64xf32, #tpu.memory_space<vmem>>, vector<16xf32>,
        %add3A_1004 = arith.addf %add3A_940, %get3A_1003 : vector<16xf32>
        %add3A_1005 = arith.constant 10 : i32
        %add3A_1006 = arith.addi %add3A_660, %add3A_1005 : i32
        %get3A_1007 = arith.constant 1 : i32
        %get3A_1008 = arith.index_cast %get3A_1007 : i32 to index
        %get3A_1009 = arith.index_cast %add3A_1006 : i32 to index
        %get3A_1010 = arith.constant 48 : index
        %get3A_1011 = tpu.vector_load %arg6[%get3A_1008, %get3A_1009, %get3A_1010] {strides = array<i32>} : memref<2x416x64xf32, #tpu.memory_space<vmem>>, vector<16xf32>,
        %add3A_1012 = arith.addf %add3A_948, %get3A_1011 : vector<16xf32>
        %add3A_1013 = arith.constant 11 : i32
        %add3A_1014 = arith.addi %add3A_660, %add3A_1013 : i32
        %get3A_1015 = arith.constant 1 : i32
        %get3A_1016 = arith.index_cast %get3A_1015 : i32 to index
        %get3A_1017 = arith.index_cast %add3A_1014 : i32 to index
        %get3A_1018 = arith.constant 0 : index
        %get3A_1019 = tpu.vector_load %arg6[%get3A_1016, %get3A_1017, %get3A_1018] {strides = array<i32>} : memref<2x416x64xf32, #tpu.memory_space<vmem>>, vector<16xf32>,
        %add3A_1020 = arith.addf %add3A_956, %get3A_1019 : vector<16xf32>
        %add3A_1021 = arith.constant 11 : i32
        %add3A_1022 = arith.addi %add3A_660, %add3A_1021 : i32
        %get3A_1023 = arith.constant 1 : i32
        %get3A_1024 = arith.index_cast %get3A_1023 : i32 to index
        %get3A_1025 = arith.index_cast %add3A_1022 : i32 to index
        %get3A_1026 = arith.constant 16 : index
        %get3A_1027 = tpu.vector_load %arg6[%get3A_1024, %get3A_1025, %get3A_1026] {strides = array<i32>} : memref<2x416x64xf32, #tpu.memory_space<vmem>>, vector<16xf32>,
        %add3A_1028 = arith.addf %add3A_964, %get3A_1027 : vector<16xf32>
        %add3A_1029 = arith.constant 11 : i32
        %add3A_1030 = arith.addi %add3A_660, %add3A_1029 : i32
        %get3A_1031 = arith.constant 1 : i32
        %get3A_1032 = arith.index_cast %get3A_1031 : i32 to index
        %get3A_1033 = arith.index_cast %add3A_1030 : i32 to index
        %get3A_1034 = arith.constant 32 : index
        %get3A_1035 = tpu.vector_load %arg6[%get3A_1032, %get3A_1033, %get3A_1034] {strides = array<i32>} : memref<2x416x64xf32, #tpu.memory_space<vmem>>, vector<16xf32>,
        %add3A_1036 = arith.addf %add3A_972, %get3A_1035 : vector<16xf32>
        %add3A_1037 = arith.constant 11 : i32
        %add3A_1038 = arith.addi %add3A_660, %add3A_1037 : i32
        %get3A_1039 = arith.constant 1 : i32
        %get3A_1040 = arith.index_cast %get3A_1039 : i32 to index
        %get3A_1041 = arith.index_cast %add3A_1038 : i32 to index
        %get3A_1042 = arith.constant 48 : index
        %get3A_1043 = tpu.vector_load %arg6[%get3A_1040, %get3A_1041, %get3A_1042] {strides = array<i32>} : memref<2x416x64xf32, #tpu.memory_space<vmem>>, vector<16xf32>,
        %add3A_1044 = arith.addf %add3A_980, %get3A_1043 : vector<16xf32>
        %add3A_1045 = arith.constant 12 : i32
        %add3A_1046 = arith.addi %add3A_660, %add3A_1045 : i32
        %get3A_1047 = arith.constant 1 : i32
        %get3A_1048 = arith.index_cast %get3A_1047 : i32 to index
        %get3A_1049 = arith.index_cast %add3A_1046 : i32 to index
        %get3A_1050 = arith.constant 0 : index
        %get3A_1051 = tpu.vector_load %arg6[%get3A_1048, %get3A_1049, %get3A_1050] {strides = array<i32>} : memref<2x416x64xf32, #tpu.memory_space<vmem>>, vector<16xf32>,
        %add3A_1052 = arith.addf %add3A_988, %get3A_1051 : vector<16xf32>
        %add3A_1053 = arith.constant 12 : i32
        %add3A_1054 = arith.addi %add3A_660, %add3A_1053 : i32
        %get3A_1055 = arith.constant 1 : i32
        %get3A_1056 = arith.index_cast %get3A_1055 : i32 to index
        %get3A_1057 = arith.index_cast %add3A_1054 : i32 to index
        %get3A_1058 = arith.constant 16 : index
        %get3A_1059 = tpu.vector_load %arg6[%get3A_1056, %get3A_1057, %get3A_1058] {strides = array<i32>} : memref<2x416x64xf32, #tpu.memory_space<vmem>>, vector<16xf32>,
        %add3A_1060 = arith.addf %add3A_996, %get3A_1059 : vector<16xf32>
        %add3A_1061 = arith.constant 12 : i32
        %add3A_1062 = arith.addi %add3A_660, %add3A_1061 : i32
        %get3A_1063 = arith.constant 1 : i32
        %get3A_1064 = arith.index_cast %get3A_1063 : i32 to index
        %get3A_1065 = arith.index_cast %add3A_1062 : i32 to index
        %get3A_1066 = arith.constant 32 : index
        %get3A_1067 = tpu.vector_load %arg6[%get3A_1064, %get3A_1065, %get3A_1066] {strides = array<i32>} : memref<2x416x64xf32, #tpu.memory_space<vmem>>, vector<16xf32>,
        %add3A_1068 = arith.addf %add3A_1004, %get3A_1067 : vector<16xf32>
        %add3A_1069 = arith.constant 12 : i32
        %add3A_1070 = arith.addi %add3A_660, %add3A_1069 : i32
        %get3A_1071 = arith.constant 1 : i32
        %get3A_1072 = arith.index_cast %get3A_1071 : i32 to index
        %get3A_1073 = arith.index_cast %add3A_1070 : i32 to index
        %get3A_1074 = arith.constant 48 : index
        %get3A_1075 = tpu.vector_load %arg6[%get3A_1072, %get3A_1073, %get3A_1074] {strides = array<i32>} : memref<2x416x64xf32, #tpu.memory_space<vmem>>, vector<16xf32>,
        %add3A_1076 = arith.addf %add3A_1012, %get3A_1075 : vector<16xf32>
        %add3A_1077 = arith.constant 13 : i32
        %add3A_1078 = arith.addi %add3A_660, %add3A_1077 : i32
        %get3A_1079 = arith.constant 1 : i32
        %get3A_1080 = arith.index_cast %get3A_1079 : i32 to index
        %get3A_1081 = arith.index_cast %add3A_1078 : i32 to index
        %get3A_1082 = arith.constant 0 : index
        %get3A_1083 = tpu.vector_load %arg6[%get3A_1080, %get3A_1081, %get3A_1082] {strides = array<i32>} : memref<2x416x64xf32, #tpu.memory_space<vmem>>, vector<16xf32>,
        %add3A_1084 = arith.addf %add3A_1020, %get3A_1083 : vector<16xf32>
        %add3A_1085 = arith.constant 13 : i32
        %add3A_1086 = arith.addi %add3A_660, %add3A_1085 : i32
        %get3A_1087 = arith.constant 1 : i32
        %get3A_1088 = arith.index_cast %get3A_1087 : i32 to index
        %get3A_1089 = arith.index_cast %add3A_1086 : i32 to index
        %get3A_1090 = arith.constant 16 : index
        %get3A_1091 = tpu.vector_load %arg6[%get3A_1088, %get3A_1089, %get3A_1090] {strides = array<i32>} : memref<2x416x64xf32, #tpu.memory_space<vmem>>, vector<16xf32>,
        %add3A_1092 = arith.addf %add3A_1028, %get3A_1091 : vector<16xf32>
        %add3A_1093 = arith.constant 13 : i32
        %add3A_1094 = arith.addi %add3A_660, %add3A_1093 : i32
        %get3A_1095 = arith.constant 1 : i32
        %get3A_1096 = arith.index_cast %get3A_1095 : i32 to index
        %get3A_1097 = arith.index_cast %add3A_1094 : i32 to index
        %get3A_1098 = arith.constant 32 : index
        %get3A_1099 = tpu.vector_load %arg6[%get3A_1096, %get3A_1097, %get3A_1098] {strides = array<i32>} : memref<2x416x64xf32, #tpu.memory_space<vmem>>, vector<16xf32>,
        %add3A_1100 = arith.addf %add3A_1036, %get3A_1099 : vector<16xf32>
        %add3A_1101 = arith.constant 13 : i32
        %add3A_1102 = arith.addi %add3A_660, %add3A_1101 : i32
        %get3A_1103 = arith.constant 1 : i32
        %get3A_1104 = arith.index_cast %get3A_1103 : i32 to index
        %get3A_1105 = arith.index_cast %add3A_1102 : i32 to index
        %get3A_1106 = arith.constant 48 : index
        %get3A_1107 = tpu.vector_load %arg6[%get3A_1104, %get3A_1105, %get3A_1106] {strides = array<i32>} : memref<2x416x64xf32, #tpu.memory_space<vmem>>, vector<16xf32>,
        %add3A_1108 = arith.addf %add3A_1044, %get3A_1107 : vector<16xf32>
        %add3A_1109 = arith.constant 14 : i32
        %add3A_1110 = arith.addi %add3A_660, %add3A_1109 : i32
        %get3A_1111 = arith.constant 1 : i32
        %get3A_1112 = arith.index_cast %get3A_1111 : i32 to index
        %get3A_1113 = arith.index_cast %add3A_1110 : i32 to index
        %get3A_1114 = arith.constant 0 : index
        %get3A_1115 = tpu.vector_load %arg6[%get3A_1112, %get3A_1113, %get3A_1114] {strides = array<i32>} : memref<2x416x64xf32, #tpu.memory_space<vmem>>, vector<16xf32>,
        %add3A_1116 = arith.addf %add3A_1052, %get3A_1115 : vector<16xf32>
        %add3A_1117 = arith.constant 14 : i32
        %add3A_1118 = arith.addi %add3A_660, %add3A_1117 : i32
        %get3A_1119 = arith.constant 1 : i32
        %get3A_1120 = arith.index_cast %get3A_1119 : i32 to index
        %get3A_1121 = arith.index_cast %add3A_1118 : i32 to index
        %get3A_1122 = arith.constant 16 : index
        %get3A_1123 = tpu.vector_load %arg6[%get3A_1120, %get3A_1121, %get3A_1122] {strides = array<i32>} : memref<2x416x64xf32, #tpu.memory_space<vmem>>, vector<16xf32>,
        %add3A_1124 = arith.addf %add3A_1060, %get3A_1123 : vector<16xf32>
        %add3A_1125 = arith.constant 14 : i32
        %add3A_1126 = arith.addi %add3A_660, %add3A_1125 : i32
        %get3A_1127 = arith.constant 1 : i32
        %get3A_1128 = arith.index_cast %get3A_1127 : i32 to index
        %get3A_1129 = arith.index_cast %add3A_1126 : i32 to index
        %get3A_1130 = arith.constant 32 : index
        %get3A_1131 = tpu.vector_load %arg6[%get3A_1128, %get3A_1129, %get3A_1130] {strides = array<i32>} : memref<2x416x64xf32, #tpu.memory_space<vmem>>, vector<16xf32>,
        %add3A_1132 = arith.addf %add3A_1068, %get3A_1131 : vector<16xf32>
        %add3A_1133 = arith.constant 14 : i32
        %add3A_1134 = arith.addi %add3A_660, %add3A_1133 : i32
        %get3A_1135 = arith.constant 1 : i32
        %get3A_1136 = arith.index_cast %get3A_1135 : i32 to index
        %get3A_1137 = arith.index_cast %add3A_1134 : i32 to index
        %get3A_1138 = arith.constant 48 : index
        %get3A_1139 = tpu.vector_load %arg6[%get3A_1136, %get3A_1137, %get3A_1138] {strides = array<i32>} : memref<2x416x64xf32, #tpu.memory_space<vmem>>, vector<16xf32>,
        %add3A_1140 = arith.addf %add3A_1076, %get3A_1139 : vector<16xf32>
        %add3A_1141 = arith.constant 15 : i32
        %add3A_1142 = arith.addi %add3A_660, %add3A_1141 : i32
        %get3A_1143 = arith.constant 1 : i32
        %get3A_1144 = arith.index_cast %get3A_1143 : i32 to index
        %get3A_1145 = arith.index_cast %add3A_1142 : i32 to index
        %get3A_1146 = arith.constant 0 : index
        %get3A_1147 = tpu.vector_load %arg6[%get3A_1144, %get3A_1145, %get3A_1146] {strides = array<i32>} : memref<2x416x64xf32, #tpu.memory_space<vmem>>, vector<16xf32>,
        %add3A_1148 = arith.addf %add3A_1084, %get3A_1147 : vector<16xf32>
        %add3A_1149 = arith.constant 15 : i32
        %add3A_1150 = arith.addi %add3A_660, %add3A_1149 : i32
        %get3A_1151 = arith.constant 1 : i32
        %get3A_1152 = arith.index_cast %get3A_1151 : i32 to index
        %get3A_1153 = arith.index_cast %add3A_1150 : i32 to index
        %get3A_1154 = arith.constant 16 : index
        %get3A_1155 = tpu.vector_load %arg6[%get3A_1152, %get3A_1153, %get3A_1154] {strides = array<i32>} : memref<2x416x64xf32, #tpu.memory_space<vmem>>, vector<16xf32>,
        %add3A_1156 = arith.addf %add3A_1092, %get3A_1155 : vector<16xf32>
        %add3A_1157 = arith.constant 15 : i32
        %add3A_1158 = arith.addi %add3A_660, %add3A_1157 : i32
        %get3A_1159 = arith.constant 1 : i32
        %get3A_1160 = arith.index_cast %get3A_1159 : i32 to index
        %get3A_1161 = arith.index_cast %add3A_1158 : i32 to index
        %get3A_1162 = arith.constant 32 : index
        %get3A_1163 = tpu.vector_load %arg6[%get3A_1160, %get3A_1161, %get3A_1162] {strides = array<i32>} : memref<2x416x64xf32, #tpu.memory_space<vmem>>, vector<16xf32>,
        %add3A_1164 = arith.addf %add3A_1100, %get3A_1163 : vector<16xf32>
        %add3A_1165 = arith.constant 15 : i32
        %add3A_1166 = arith.addi %add3A_660, %add3A_1165 : i32
        %get3A_1167 = arith.constant 1 : i32
        %get3A_1168 = arith.index_cast %get3A_1167 : i32 to index
        %get3A_1169 = arith.index_cast %add3A_1166 : i32 to index
        %get3A_1170 = arith.constant 48 : index
        %get3A_1171 = tpu.vector_load %arg6[%get3A_1168, %get3A_1169, %get3A_1170] {strides = array<i32>} : memref<2x416x64xf32, #tpu.memory_space<vmem>>, vector<16xf32>,
        %add3A_1172 = arith.addf %add3A_1108, %get3A_1171 : vector<16xf32>
        scf.yield %add3A_1116, %add3A_1124, %add3A_1132, %add3A_1140, %add3A_1148, %add3A_1156, %add3A_1164, %add3A_1172 : vector<16xf32>, vector<16xf32>, vector<16xf32>, vector<16xf32>, vector<16xf32>, vector<16xf32>, vector<16xf32>, vector<16xf32>
      }
      %scan3A_362 = arith.constant 13 : i32
      %get3A_363 = arith.index_cast %add3A_341 : i32 to index
      %get3A_364 = arith.constant 0 : index
      %get3A_365 = tpu.vector_load %arg5[%get3A_363, %get3A_364] {strides = array<i32>} : memref<64x416xi32, #tpu.memory_space<vmem>>, vector<16xi32>,
      %ne3A_366 = arith.constant 0 : i32
      %ne3A_367 = vector.broadcast %ne3A_366 : i32 to vector<16xi32>
      %ne3A_368 = arith.cmpi ne, %get3A_365, %ne3A_367 : vector<16xi32>
      %select_n3A_369 = arith.select %ne3A_368, %broadcast_in_dim3A_28, %broadcast_in_dim3A_30 : vector<16xi1>, vector<16xi32>
      %add3A_370 = arith.addi %broadcast_in_dim3A_30, %select_n3A_369 : vector<16xi32>
      %get3A_371 = arith.index_cast %add3A_341 : i32 to index
      %get3A_372 = arith.constant 16 : index
      %get3A_373 = tpu.vector_load %arg5[%get3A_371, %get3A_372] {strides = array<i32>} : memref<64x416xi32, #tpu.memory_space<vmem>>, vector<16xi32>,
      %ne3A_374 = arith.constant 0 : i32
      %ne3A_375 = vector.broadcast %ne3A_374 : i32 to vector<16xi32>
      %ne3A_376 = arith.cmpi ne, %get3A_373, %ne3A_375 : vector<16xi32>
      %select_n3A_377 = arith.select %ne3A_376, %broadcast_in_dim3A_28, %broadcast_in_dim3A_30 : vector<16xi1>, vector<16xi32>
      %add3A_378 = arith.addi %add3A_370, %select_n3A_377 : vector<16xi32>
      %get3A_379 = arith.index_cast %add3A_341 : i32 to index
      %get3A_380 = arith.constant 32 : index
      %get3A_381 = tpu.vector_load %arg5[%get3A_379, %get3A_380] {strides = array<i32>} : memref<64x416xi32, #tpu.memory_space<vmem>>, vector<16xi32>,
      %ne3A_382 = arith.constant 0 : i32
      %ne3A_383 = vector.broadcast %ne3A_382 : i32 to vector<16xi32>
      %ne3A_384 = arith.cmpi ne, %get3A_381, %ne3A_383 : vector<16xi32>
      %select_n3A_385 = arith.select %ne3A_384, %broadcast_in_dim3A_28, %broadcast_in_dim3A_30 : vector<16xi1>, vector<16xi32>
      %add3A_386 = arith.addi %add3A_378, %select_n3A_385 : vector<16xi32>
      %get3A_387 = arith.index_cast %add3A_341 : i32 to index
      %get3A_388 = arith.constant 48 : index
      %get3A_389 = tpu.vector_load %arg5[%get3A_387, %get3A_388] {strides = array<i32>} : memref<64x416xi32, #tpu.memory_space<vmem>>, vector<16xi32>,
      %ne3A_390 = arith.constant 0 : i32
      %ne3A_391 = vector.broadcast %ne3A_390 : i32 to vector<16xi32>
      %ne3A_392 = arith.cmpi ne, %get3A_389, %ne3A_391 : vector<16xi32>
      %select_n3A_393 = arith.select %ne3A_392, %broadcast_in_dim3A_28, %broadcast_in_dim3A_30 : vector<16xi1>, vector<16xi32>
      %add3A_394 = arith.addi %add3A_386, %select_n3A_393 : vector<16xi32>
      %get3A_395 = arith.index_cast %add3A_341 : i32 to index
      %get3A_396 = arith.constant 64 : index
      %get3A_397 = tpu.vector_load %arg5[%get3A_395, %get3A_396] {strides = array<i32>} : memref<64x416xi32, #tpu.memory_space<vmem>>, vector<16xi32>,
      %ne3A_398 = arith.constant 0 : i32
      %ne3A_399 = vector.broadcast %ne3A_398 : i32 to vector<16xi32>
      %ne3A_400 = arith.cmpi ne, %get3A_397, %ne3A_399 : vector<16xi32>
      %select_n3A_401 = arith.select %ne3A_400, %broadcast_in_dim3A_28, %broadcast_in_dim3A_30 : vector<16xi1>, vector<16xi32>
      %add3A_402 = arith.addi %add3A_394, %select_n3A_401 : vector<16xi32>
      %get3A_403 = arith.index_cast %add3A_341 : i32 to index
      %get3A_404 = arith.constant 80 : index
      %get3A_405 = tpu.vector_load %arg5[%get3A_403, %get3A_404] {strides = array<i32>} : memref<64x416xi32, #tpu.memory_space<vmem>>, vector<16xi32>,
      %ne3A_406 = arith.constant 0 : i32
      %ne3A_407 = vector.broadcast %ne3A_406 : i32 to vector<16xi32>
      %ne3A_408 = arith.cmpi ne, %get3A_405, %ne3A_407 : vector<16xi32>
      %select_n3A_409 = arith.select %ne3A_408, %broadcast_in_dim3A_28, %broadcast_in_dim3A_30 : vector<16xi1>, vector<16xi32>
      %add3A_410 = arith.addi %add3A_402, %select_n3A_409 : vector<16xi32>
      %get3A_411 = arith.index_cast %add3A_341 : i32 to index
      %get3A_412 = arith.constant 96 : index
      %get3A_413 = tpu.vector_load %arg5[%get3A_411, %get3A_412] {strides = array<i32>} : memref<64x416xi32, #tpu.memory_space<vmem>>, vector<16xi32>,
      %ne3A_414 = arith.constant 0 : i32
      %ne3A_415 = vector.broadcast %ne3A_414 : i32 to vector<16xi32>
      %ne3A_416 = arith.cmpi ne, %get3A_413, %ne3A_415 : vector<16xi32>
      %select_n3A_417 = arith.select %ne3A_416, %broadcast_in_dim3A_28, %broadcast_in_dim3A_30 : vector<16xi1>, vector<16xi32>
      %add3A_418 = arith.addi %add3A_410, %select_n3A_417 : vector<16xi32>
      %get3A_419 = arith.index_cast %add3A_341 : i32 to index
      %get3A_420 = arith.constant 112 : index
      %get3A_421 = tpu.vector_load %arg5[%get3A_419, %get3A_420] {strides = array<i32>} : memref<64x416xi32, #tpu.memory_space<vmem>>, vector<16xi32>,
      %ne3A_422 = arith.constant 0 : i32
      %ne3A_423 = vector.broadcast %ne3A_422 : i32 to vector<16xi32>
      %ne3A_424 = arith.cmpi ne, %get3A_421, %ne3A_423 : vector<16xi32>
      %select_n3A_425 = arith.select %ne3A_424, %broadcast_in_dim3A_28, %broadcast_in_dim3A_30 : vector<16xi1>, vector<16xi32>
      %add3A_426 = arith.addi %add3A_418, %select_n3A_425 : vector<16xi32>
      %get3A_427 = arith.index_cast %add3A_341 : i32 to index
      %get3A_428 = arith.constant 128 : index
      %get3A_429 = tpu.vector_load %arg5[%get3A_427, %get3A_428] {strides = array<i32>} : memref<64x416xi32, #tpu.memory_space<vmem>>, vector<16xi32>,
      %ne3A_430 = arith.constant 0 : i32
      %ne3A_431 = vector.broadcast %ne3A_430 : i32 to vector<16xi32>
      %ne3A_432 = arith.cmpi ne, %get3A_429, %ne3A_431 : vector<16xi32>
      %select_n3A_433 = arith.select %ne3A_432, %broadcast_in_dim3A_28, %broadcast_in_dim3A_30 : vector<16xi1>, vector<16xi32>
      %add3A_434 = arith.addi %add3A_426, %select_n3A_433 : vector<16xi32>
      %get3A_435 = arith.index_cast %add3A_341 : i32 to index
      %get3A_436 = arith.constant 144 : index
      %get3A_437 = tpu.vector_load %arg5[%get3A_435, %get3A_436] {strides = array<i32>} : memref<64x416xi32, #tpu.memory_space<vmem>>, vector<16xi32>,
      %ne3A_438 = arith.constant 0 : i32
      %ne3A_439 = vector.broadcast %ne3A_438 : i32 to vector<16xi32>
      %ne3A_440 = arith.cmpi ne, %get3A_437, %ne3A_439 : vector<16xi32>
      %select_n3A_441 = arith.select %ne3A_440, %broadcast_in_dim3A_28, %broadcast_in_dim3A_30 : vector<16xi1>, vector<16xi32>
      %add3A_442 = arith.addi %add3A_434, %select_n3A_441 : vector<16xi32>
      %get3A_443 = arith.index_cast %add3A_341 : i32 to index
      %get3A_444 = arith.constant 160 : index
      %get3A_445 = tpu.vector_load %arg5[%get3A_443, %get3A_444] {strides = array<i32>} : memref<64x416xi32, #tpu.memory_space<vmem>>, vector<16xi32>,
      %ne3A_446 = arith.constant 0 : i32
      %ne3A_447 = vector.broadcast %ne3A_446 : i32 to vector<16xi32>
      %ne3A_448 = arith.cmpi ne, %get3A_445, %ne3A_447 : vector<16xi32>
      %select_n3A_449 = arith.select %ne3A_448, %broadcast_in_dim3A_28, %broadcast_in_dim3A_30 : vector<16xi1>, vector<16xi32>
      %add3A_450 = arith.addi %add3A_442, %select_n3A_449 : vector<16xi32>
      %get3A_451 = arith.index_cast %add3A_341 : i32 to index
      %get3A_452 = arith.constant 176 : index
      %get3A_453 = tpu.vector_load %arg5[%get3A_451, %get3A_452] {strides = array<i32>} : memref<64x416xi32, #tpu.memory_space<vmem>>, vector<16xi32>,
      %ne3A_454 = arith.constant 0 : i32
      %ne3A_455 = vector.broadcast %ne3A_454 : i32 to vector<16xi32>
      %ne3A_456 = arith.cmpi ne, %get3A_453, %ne3A_455 : vector<16xi32>
      %select_n3A_457 = arith.select %ne3A_456, %broadcast_in_dim3A_28, %broadcast_in_dim3A_30 : vector<16xi1>, vector<16xi32>
      %add3A_458 = arith.addi %add3A_450, %select_n3A_457 : vector<16xi32>
      %get3A_459 = arith.index_cast %add3A_341 : i32 to index
      %get3A_460 = arith.constant 192 : index
      %get3A_461 = tpu.vector_load %arg5[%get3A_459, %get3A_460] {strides = array<i32>} : memref<64x416xi32, #tpu.memory_space<vmem>>, vector<16xi32>,
      %ne3A_462 = arith.constant 0 : i32
      %ne3A_463 = vector.broadcast %ne3A_462 : i32 to vector<16xi32>
      %ne3A_464 = arith.cmpi ne, %get3A_461, %ne3A_463 : vector<16xi32>
      %select_n3A_465 = arith.select %ne3A_464, %broadcast_in_dim3A_28, %broadcast_in_dim3A_30 : vector<16xi1>, vector<16xi32>
      %add3A_466 = arith.addi %add3A_458, %select_n3A_465 : vector<16xi32>
      %reduce_sum3A_467 = arith.constant true
      %reduce_sum3A_468 = vector.broadcast %reduce_sum3A_467 : i1 to vector<16xi1>
      %reduce_sum3A_469 = tpu.scan <sum>, %add3A_466 masked %reduce_sum3A_468 : vector<16xi32>, vector<16xi1> -> vector<16xi32>
      %reduce_sum3A_470 = vector.extract %reduce_sum3A_469[15] : i32 from vector<16xi32>
      %max3A_471 = arith.constant 1 : i32
      %max3A_472 = arith.maxsi %reduce_sum3A_470, %max3A_471 : i32
      %convert_element_type3A_473 = arith.sitofp %max3A_472 : i32 to f32
      %broadcast_in_dim3A_474 = vector.broadcast %convert_element_type3A_473 : f32 to vector<16xf32>
      %mul3A_475 = arith.constant 2 : i32
      %mul3A_476 = arith.muli %add3A_341, %mul3A_475 : i32
      %add3A_477 = arith.constant 0 : i32
      %add3A_478 = arith.addi %mul3A_476, %add3A_477 : i32
      %add3A_479 = arith.addf %scan3A_361#0, %scan3A_361#4 : vector<16xf32>
      %div3A_480 = arith.divf %add3A_479, %broadcast_in_dim3A_474 : vector<16xf32>
      %swap3A_481 = arith.index_cast %add3A_478 : i32 to index
      %swap3A_482 = arith.constant 0 : index
      %swap3A_483 = tpu.vector_load %arg7[%swap3A_481, %swap3A_482] {strides = array<i32>} : memref<128x64xf32, #tpu.memory_space<vmem>>, vector<16xf32>,
      tpu.vector_store %arg7[%swap3A_481, %swap3A_482], %div3A_480 {strides = array<i32>} : memref<128x64xf32, #tpu.memory_space<vmem>>, vector<16xf32>,
      %add3A_484 = arith.addf %scan3A_361#1, %scan3A_361#5 : vector<16xf32>
      %div3A_485 = arith.divf %add3A_484, %broadcast_in_dim3A_474 : vector<16xf32>
      %swap3A_486 = arith.index_cast %add3A_478 : i32 to index
      %swap3A_487 = arith.constant 16 : index
      %swap3A_488 = tpu.vector_load %arg7[%swap3A_486, %swap3A_487] {strides = array<i32>} : memref<128x64xf32, #tpu.memory_space<vmem>>, vector<16xf32>,
      tpu.vector_store %arg7[%swap3A_486, %swap3A_487], %div3A_485 {strides = array<i32>} : memref<128x64xf32, #tpu.memory_space<vmem>>, vector<16xf32>,
      %add3A_489 = arith.addf %scan3A_361#2, %scan3A_361#6 : vector<16xf32>
      %div3A_490 = arith.divf %add3A_489, %broadcast_in_dim3A_474 : vector<16xf32>
      %swap3A_491 = arith.index_cast %add3A_478 : i32 to index
      %swap3A_492 = arith.constant 32 : index
      %swap3A_493 = tpu.vector_load %arg7[%swap3A_491, %swap3A_492] {strides = array<i32>} : memref<128x64xf32, #tpu.memory_space<vmem>>, vector<16xf32>,
      tpu.vector_store %arg7[%swap3A_491, %swap3A_492], %div3A_490 {strides = array<i32>} : memref<128x64xf32, #tpu.memory_space<vmem>>, vector<16xf32>,
      %add3A_494 = arith.addf %scan3A_361#3, %scan3A_361#7 : vector<16xf32>
      %div3A_495 = arith.divf %add3A_494, %broadcast_in_dim3A_474 : vector<16xf32>
      %swap3A_496 = arith.index_cast %add3A_478 : i32 to index
      %swap3A_497 = arith.constant 48 : index
      %swap3A_498 = tpu.vector_load %arg7[%swap3A_496, %swap3A_497] {strides = array<i32>} : memref<128x64xf32, #tpu.memory_space<vmem>>, vector<16xf32>,
      tpu.vector_store %arg7[%swap3A_496, %swap3A_497], %div3A_495 {strides = array<i32>} : memref<128x64xf32, #tpu.memory_space<vmem>>, vector<16xf32>,
      %scan3A_499 = arith.constant 0 : i32
      %scan3A_500 = arith.constant 13 : i32
      %scan3A_501 = arith.addi %scan3A_499, %scan3A_500 : i32
      %scan3A_502 = arith.constant 1 : i32
      %scan3A_503:8 = scf.for %scan3A_648 = %scan3A_499 to %scan3A_501 step %scan3A_502 iter_args(%scan3A_649 = %broadcast_in_dim3A_26, %scan3A_650 = %broadcast_in_dim3A_26, %scan3A_651 = %broadcast_in_dim3A_26, %scan3A_652 = %broadcast_in_dim3A_26, %scan3A_653 = %broadcast_in_dim3A_26, %scan3A_654 = %broadcast_in_dim3A_26, %scan3A_655 = %broadcast_in_dim3A_26, %scan3A_656 = %broadcast_in_dim3A_26) -> (vector<16xf32>, vector<16xf32>, vector<16xf32>, vector<16xf32>, vector<16xf32>, vector<16xf32>, vector<16xf32>, vector<16xf32>)  : i32 {
        %mul3A_657 = arith.constant 16 : i32
        %mul3A_658 = arith.muli %scan3A_648, %mul3A_657 : i32
        %add3A_659 = arith.constant 208 : i32
        %add3A_660 = arith.addi %add3A_659, %mul3A_658 : i32
        %add3A_661 = arith.constant 0 : i32
        %add3A_662 = arith.addi %add3A_660, %add3A_661 : i32
        %get3A_663 = arith.constant 1 : i32
        %get3A_664 = arith.index_cast %get3A_663 : i32 to index
        %get3A_665 = arith.index_cast %add3A_662 : i32 to index
        %get3A_666 = arith.constant 0 : index
        %get3A_667 = tpu.vector_load %arg6[%get3A_664, %get3A_665, %get3A_666] {strides = array<i32>} : memref<2x416x64xf32, #tpu.memory_space<vmem>>, vector<16xf32>,
        %add3A_668 = arith.addf %scan3A_649, %get3A_667 : vector<16xf32>
        %add3A_669 = arith.constant 0 : i32
        %add3A_670 = arith.addi %add3A_660, %add3A_669 : i32
        %get3A_671 = arith.constant 1 : i32
        %get3A_672 = arith.index_cast %get3A_671 : i32 to index
        %get3A_673 = arith.index_cast %add3A_670 : i32 to index
        %get3A_674 = arith.constant 16 : index
        %get3A_675 = tpu.vector_load %arg6[%get3A_672, %get3A_673, %get3A_674] {strides = array<i32>} : memref<2x416x64xf32, #tpu.memory_space<vmem>>, vector<16xf32>,
        %add3A_676 = arith.addf %scan3A_650, %get3A_675 : vector<16xf32>
        %add3A_677 = arith.constant 0 : i32
        %add3A_678 = arith.addi %add3A_660, %add3A_677 : i32
        %get3A_679 = arith.constant 1 : i32
        %get3A_680 = arith.index_cast %get3A_679 : i32 to index
        %get3A_681 = arith.index_cast %add3A_678 : i32 to index
        %get3A_682 = arith.constant 32 : index
        %get3A_683 = tpu.vector_load %arg6[%get3A_680, %get3A_681, %get3A_682] {strides = array<i32>} : memref<2x416x64xf32, #tpu.memory_space<vmem>>, vector<16xf32>,
        %add3A_684 = arith.addf %scan3A_651, %get3A_683 : vector<16xf32>
        %add3A_685 = arith.constant 0 : i32
        %add3A_686 = arith.addi %add3A_660, %add3A_685 : i32
        %get3A_687 = arith.constant 1 : i32
        %get3A_688 = arith.index_cast %get3A_687 : i32 to index
        %get3A_689 = arith.index_cast %add3A_686 : i32 to index
        %get3A_690 = arith.constant 48 : index
        %get3A_691 = tpu.vector_load %arg6[%get3A_688, %get3A_689, %get3A_690] {strides = array<i32>} : memref<2x416x64xf32, #tpu.memory_space<vmem>>, vector<16xf32>,
        %add3A_692 = arith.addf %scan3A_652, %get3A_691 : vector<16xf32>
        %add3A_693 = arith.constant 1 : i32
        %add3A_694 = arith.addi %add3A_660, %add3A_693 : i32
        %get3A_695 = arith.constant 1 : i32
        %get3A_696 = arith.index_cast %get3A_695 : i32 to index
        %get3A_697 = arith.index_cast %add3A_694 : i32 to index
        %get3A_698 = arith.constant 0 : index
        %get3A_699 = tpu.vector_load %arg6[%get3A_696, %get3A_697, %get3A_698] {strides = array<i32>} : memref<2x416x64xf32, #tpu.memory_space<vmem>>, vector<16xf32>,
        %add3A_700 = arith.addf %scan3A_653, %get3A_699 : vector<16xf32>
        %add3A_701 = arith.constant 1 : i32
        %add3A_702 = arith.addi %add3A_660, %add3A_701 : i32
        %get3A_703 = arith.constant 1 : i32
        %get3A_704 = arith.index_cast %get3A_703 : i32 to index
        %get3A_705 = arith.index_cast %add3A_702 : i32 to index
        %get3A_706 = arith.constant 16 : index
        %get3A_707 = tpu.vector_load %arg6[%get3A_704, %get3A_705, %get3A_706] {strides = array<i32>} : memref<2x416x64xf32, #tpu.memory_space<vmem>>, vector<16xf32>,
        %add3A_708 = arith.addf %scan3A_654, %get3A_707 : vector<16xf32>
        %add3A_709 = arith.constant 1 : i32
        %add3A_710 = arith.addi %add3A_660, %add3A_709 : i32
        %get3A_711 = arith.constant 1 : i32
        %get3A_712 = arith.index_cast %get3A_711 : i32 to index
        %get3A_713 = arith.index_cast %add3A_710 : i32 to index
        %get3A_714 = arith.constant 32 : index
        %get3A_715 = tpu.vector_load %arg6[%get3A_712, %get3A_713, %get3A_714] {strides = array<i32>} : memref<2x416x64xf32, #tpu.memory_space<vmem>>, vector<16xf32>,
        %add3A_716 = arith.addf %scan3A_655, %get3A_715 : vector<16xf32>
        %add3A_717 = arith.constant 1 : i32
        %add3A_718 = arith.addi %add3A_660, %add3A_717 : i32
        %get3A_719 = arith.constant 1 : i32
        %get3A_720 = arith.index_cast %get3A_719 : i32 to index
        %get3A_721 = arith.index_cast %add3A_718 : i32 to index
        %get3A_722 = arith.constant 48 : index
        %get3A_723 = tpu.vector_load %arg6[%get3A_720, %get3A_721, %get3A_722] {strides = array<i32>} : memref<2x416x64xf32, #tpu.memory_space<vmem>>, vector<16xf32>,
        %add3A_724 = arith.addf %scan3A_656, %get3A_723 : vector<16xf32>
        %add3A_725 = arith.constant 2 : i32
        %add3A_726 = arith.addi %add3A_660, %add3A_725 : i32
        %get3A_727 = arith.constant 1 : i32
        %get3A_728 = arith.index_cast %get3A_727 : i32 to index
        %get3A_729 = arith.index_cast %add3A_726 : i32 to index
        %get3A_730 = arith.constant 0 : index
        %get3A_731 = tpu.vector_load %arg6[%get3A_728, %get3A_729, %get3A_730] {strides = array<i32>} : memref<2x416x64xf32, #tpu.memory_space<vmem>>, vector<16xf32>,
        %add3A_732 = arith.addf %add3A_668, %get3A_731 : vector<16xf32>
        %add3A_733 = arith.constant 2 : i32
        %add3A_734 = arith.addi %add3A_660, %add3A_733 : i32
        %get3A_735 = arith.constant 1 : i32
        %get3A_736 = arith.index_cast %get3A_735 : i32 to index
        %get3A_737 = arith.index_cast %add3A_734 : i32 to index
        %get3A_738 = arith.constant 16 : index
        %get3A_739 = tpu.vector_load %arg6[%get3A_736, %get3A_737, %get3A_738] {strides = array<i32>} : memref<2x416x64xf32, #tpu.memory_space<vmem>>, vector<16xf32>,
        %add3A_740 = arith.addf %add3A_676, %get3A_739 : vector<16xf32>
        %add3A_741 = arith.constant 2 : i32
        %add3A_742 = arith.addi %add3A_660, %add3A_741 : i32
        %get3A_743 = arith.constant 1 : i32
        %get3A_744 = arith.index_cast %get3A_743 : i32 to index
        %get3A_745 = arith.index_cast %add3A_742 : i32 to index
        %get3A_746 = arith.constant 32 : index
        %get3A_747 = tpu.vector_load %arg6[%get3A_744, %get3A_745, %get3A_746] {strides = array<i32>} : memref<2x416x64xf32, #tpu.memory_space<vmem>>, vector<16xf32>,
        %add3A_748 = arith.addf %add3A_684, %get3A_747 : vector<16xf32>
        %add3A_749 = arith.constant 2 : i32
        %add3A_750 = arith.addi %add3A_660, %add3A_749 : i32
        %get3A_751 = arith.constant 1 : i32
        %get3A_752 = arith.index_cast %get3A_751 : i32 to index
        %get3A_753 = arith.index_cast %add3A_750 : i32 to index
        %get3A_754 = arith.constant 48 : index
        %get3A_755 = tpu.vector_load %arg6[%get3A_752, %get3A_753, %get3A_754] {strides = array<i32>} : memref<2x416x64xf32, #tpu.memory_space<vmem>>, vector<16xf32>,
        %add3A_756 = arith.addf %add3A_692, %get3A_755 : vector<16xf32>
        %add3A_757 = arith.constant 3 : i32
        %add3A_758 = arith.addi %add3A_660, %add3A_757 : i32
        %get3A_759 = arith.constant 1 : i32
        %get3A_760 = arith.index_cast %get3A_759 : i32 to index
        %get3A_761 = arith.index_cast %add3A_758 : i32 to index
        %get3A_762 = arith.constant 0 : index
        %get3A_763 = tpu.vector_load %arg6[%get3A_760, %get3A_761, %get3A_762] {strides = array<i32>} : memref<2x416x64xf32, #tpu.memory_space<vmem>>, vector<16xf32>,
        %add3A_764 = arith.addf %add3A_700, %get3A_763 : vector<16xf32>
        %add3A_765 = arith.constant 3 : i32
        %add3A_766 = arith.addi %add3A_660, %add3A_765 : i32
        %get3A_767 = arith.constant 1 : i32
        %get3A_768 = arith.index_cast %get3A_767 : i32 to index
        %get3A_769 = arith.index_cast %add3A_766 : i32 to index
        %get3A_770 = arith.constant 16 : index
        %get3A_771 = tpu.vector_load %arg6[%get3A_768, %get3A_769, %get3A_770] {strides = array<i32>} : memref<2x416x64xf32, #tpu.memory_space<vmem>>, vector<16xf32>,
        %add3A_772 = arith.addf %add3A_708, %get3A_771 : vector<16xf32>
        %add3A_773 = arith.constant 3 : i32
        %add3A_774 = arith.addi %add3A_660, %add3A_773 : i32
        %get3A_775 = arith.constant 1 : i32
        %get3A_776 = arith.index_cast %get3A_775 : i32 to index
        %get3A_777 = arith.index_cast %add3A_774 : i32 to index
        %get3A_778 = arith.constant 32 : index
        %get3A_779 = tpu.vector_load %arg6[%get3A_776, %get3A_777, %get3A_778] {strides = array<i32>} : memref<2x416x64xf32, #tpu.memory_space<vmem>>, vector<16xf32>,
        %add3A_780 = arith.addf %add3A_716, %get3A_779 : vector<16xf32>
        %add3A_781 = arith.constant 3 : i32
        %add3A_782 = arith.addi %add3A_660, %add3A_781 : i32
        %get3A_783 = arith.constant 1 : i32
        %get3A_784 = arith.index_cast %get3A_783 : i32 to index
        %get3A_785 = arith.index_cast %add3A_782 : i32 to index
        %get3A_786 = arith.constant 48 : index
        %get3A_787 = tpu.vector_load %arg6[%get3A_784, %get3A_785, %get3A_786] {strides = array<i32>} : memref<2x416x64xf32, #tpu.memory_space<vmem>>, vector<16xf32>,
        %add3A_788 = arith.addf %add3A_724, %get3A_787 : vector<16xf32>
        %add3A_789 = arith.constant 4 : i32
        %add3A_790 = arith.addi %add3A_660, %add3A_789 : i32
        %get3A_791 = arith.constant 1 : i32
        %get3A_792 = arith.index_cast %get3A_791 : i32 to index
        %get3A_793 = arith.index_cast %add3A_790 : i32 to index
        %get3A_794 = arith.constant 0 : index
        %get3A_795 = tpu.vector_load %arg6[%get3A_792, %get3A_793, %get3A_794] {strides = array<i32>} : memref<2x416x64xf32, #tpu.memory_space<vmem>>, vector<16xf32>,
        %add3A_796 = arith.addf %add3A_732, %get3A_795 : vector<16xf32>
        %add3A_797 = arith.constant 4 : i32
        %add3A_798 = arith.addi %add3A_660, %add3A_797 : i32
        %get3A_799 = arith.constant 1 : i32
        %get3A_800 = arith.index_cast %get3A_799 : i32 to index
        %get3A_801 = arith.index_cast %add3A_798 : i32 to index
        %get3A_802 = arith.constant 16 : index
        %get3A_803 = tpu.vector_load %arg6[%get3A_800, %get3A_801, %get3A_802] {strides = array<i32>} : memref<2x416x64xf32, #tpu.memory_space<vmem>>, vector<16xf32>,
        %add3A_804 = arith.addf %add3A_740, %get3A_803 : vector<16xf32>
        %add3A_805 = arith.constant 4 : i32
        %add3A_806 = arith.addi %add3A_660, %add3A_805 : i32
        %get3A_807 = arith.constant 1 : i32
        %get3A_808 = arith.index_cast %get3A_807 : i32 to index
        %get3A_809 = arith.index_cast %add3A_806 : i32 to index
        %get3A_810 = arith.constant 32 : index
        %get3A_811 = tpu.vector_load %arg6[%get3A_808, %get3A_809, %get3A_810] {strides = array<i32>} : memref<2x416x64xf32, #tpu.memory_space<vmem>>, vector<16xf32>,
        %add3A_812 = arith.addf %add3A_748, %get3A_811 : vector<16xf32>
        %add3A_813 = arith.constant 4 : i32
        %add3A_814 = arith.addi %add3A_660, %add3A_813 : i32
        %get3A_815 = arith.constant 1 : i32
        %get3A_816 = arith.index_cast %get3A_815 : i32 to index
        %get3A_817 = arith.index_cast %add3A_814 : i32 to index
        %get3A_818 = arith.constant 48 : index
        %get3A_819 = tpu.vector_load %arg6[%get3A_816, %get3A_817, %get3A_818] {strides = array<i32>} : memref<2x416x64xf32, #tpu.memory_space<vmem>>, vector<16xf32>,
        %add3A_820 = arith.addf %add3A_756, %get3A_819 : vector<16xf32>
        %add3A_821 = arith.constant 5 : i32
        %add3A_822 = arith.addi %add3A_660, %add3A_821 : i32
        %get3A_823 = arith.constant 1 : i32
        %get3A_824 = arith.index_cast %get3A_823 : i32 to index
        %get3A_825 = arith.index_cast %add3A_822 : i32 to index
        %get3A_826 = arith.constant 0 : index
        %get3A_827 = tpu.vector_load %arg6[%get3A_824, %get3A_825, %get3A_826] {strides = array<i32>} : memref<2x416x64xf32, #tpu.memory_space<vmem>>, vector<16xf32>,
        %add3A_828 = arith.addf %add3A_764, %get3A_827 : vector<16xf32>
        %add3A_829 = arith.constant 5 : i32
        %add3A_830 = arith.addi %add3A_660, %add3A_829 : i32
        %get3A_831 = arith.constant 1 : i32
        %get3A_832 = arith.index_cast %get3A_831 : i32 to index
        %get3A_833 = arith.index_cast %add3A_830 : i32 to index
        %get3A_834 = arith.constant 16 : index
        %get3A_835 = tpu.vector_load %arg6[%get3A_832, %get3A_833, %get3A_834] {strides = array<i32>} : memref<2x416x64xf32, #tpu.memory_space<vmem>>, vector<16xf32>,
        %add3A_836 = arith.addf %add3A_772, %get3A_835 : vector<16xf32>
        %add3A_837 = arith.constant 5 : i32
        %add3A_838 = arith.addi %add3A_660, %add3A_837 : i32
        %get3A_839 = arith.constant 1 : i32
        %get3A_840 = arith.index_cast %get3A_839 : i32 to index
        %get3A_841 = arith.index_cast %add3A_838 : i32 to index
        %get3A_842 = arith.constant 32 : index
        %get3A_843 = tpu.vector_load %arg6[%get3A_840, %get3A_841, %get3A_842] {strides = array<i32>} : memref<2x416x64xf32, #tpu.memory_space<vmem>>, vector<16xf32>,
        %add3A_844 = arith.addf %add3A_780, %get3A_843 : vector<16xf32>
        %add3A_845 = arith.constant 5 : i32
        %add3A_846 = arith.addi %add3A_660, %add3A_845 : i32
        %get3A_847 = arith.constant 1 : i32
        %get3A_848 = arith.index_cast %get3A_847 : i32 to index
        %get3A_849 = arith.index_cast %add3A_846 : i32 to index
        %get3A_850 = arith.constant 48 : index
        %get3A_851 = tpu.vector_load %arg6[%get3A_848, %get3A_849, %get3A_850] {strides = array<i32>} : memref<2x416x64xf32, #tpu.memory_space<vmem>>, vector<16xf32>,
        %add3A_852 = arith.addf %add3A_788, %get3A_851 : vector<16xf32>
        %add3A_853 = arith.constant 6 : i32
        %add3A_854 = arith.addi %add3A_660, %add3A_853 : i32
        %get3A_855 = arith.constant 1 : i32
        %get3A_856 = arith.index_cast %get3A_855 : i32 to index
        %get3A_857 = arith.index_cast %add3A_854 : i32 to index
        %get3A_858 = arith.constant 0 : index
        %get3A_859 = tpu.vector_load %arg6[%get3A_856, %get3A_857, %get3A_858] {strides = array<i32>} : memref<2x416x64xf32, #tpu.memory_space<vmem>>, vector<16xf32>,
        %add3A_860 = arith.addf %add3A_796, %get3A_859 : vector<16xf32>
        %add3A_861 = arith.constant 6 : i32
        %add3A_862 = arith.addi %add3A_660, %add3A_861 : i32
        %get3A_863 = arith.constant 1 : i32
        %get3A_864 = arith.index_cast %get3A_863 : i32 to index
        %get3A_865 = arith.index_cast %add3A_862 : i32 to index
        %get3A_866 = arith.constant 16 : index
        %get3A_867 = tpu.vector_load %arg6[%get3A_864, %get3A_865, %get3A_866] {strides = array<i32>} : memref<2x416x64xf32, #tpu.memory_space<vmem>>, vector<16xf32>,
        %add3A_868 = arith.addf %add3A_804, %get3A_867 : vector<16xf32>
        %add3A_869 = arith.constant 6 : i32
        %add3A_870 = arith.addi %add3A_660, %add3A_869 : i32
        %get3A_871 = arith.constant 1 : i32
        %get3A_872 = arith.index_cast %get3A_871 : i32 to index
        %get3A_873 = arith.index_cast %add3A_870 : i32 to index
        %get3A_874 = arith.constant 32 : index
        %get3A_875 = tpu.vector_load %arg6[%get3A_872, %get3A_873, %get3A_874] {strides = array<i32>} : memref<2x416x64xf32, #tpu.memory_space<vmem>>, vector<16xf32>,
        %add3A_876 = arith.addf %add3A_812, %get3A_875 : vector<16xf32>
        %add3A_877 = arith.constant 6 : i32
        %add3A_878 = arith.addi %add3A_660, %add3A_877 : i32
        %get3A_879 = arith.constant 1 : i32
        %get3A_880 = arith.index_cast %get3A_879 : i32 to index
        %get3A_881 = arith.index_cast %add3A_878 : i32 to index
        %get3A_882 = arith.constant 48 : index
        %get3A_883 = tpu.vector_load %arg6[%get3A_880, %get3A_881, %get3A_882] {strides = array<i32>} : memref<2x416x64xf32, #tpu.memory_space<vmem>>, vector<16xf32>,
        %add3A_884 = arith.addf %add3A_820, %get3A_883 : vector<16xf32>
        %add3A_885 = arith.constant 7 : i32
        %add3A_886 = arith.addi %add3A_660, %add3A_885 : i32
        %get3A_887 = arith.constant 1 : i32
        %get3A_888 = arith.index_cast %get3A_887 : i32 to index
        %get3A_889 = arith.index_cast %add3A_886 : i32 to index
        %get3A_890 = arith.constant 0 : index
        %get3A_891 = tpu.vector_load %arg6[%get3A_888, %get3A_889, %get3A_890] {strides = array<i32>} : memref<2x416x64xf32, #tpu.memory_space<vmem>>, vector<16xf32>,
        %add3A_892 = arith.addf %add3A_828, %get3A_891 : vector<16xf32>
        %add3A_893 = arith.constant 7 : i32
        %add3A_894 = arith.addi %add3A_660, %add3A_893 : i32
        %get3A_895 = arith.constant 1 : i32
        %get3A_896 = arith.index_cast %get3A_895 : i32 to index
        %get3A_897 = arith.index_cast %add3A_894 : i32 to index
        %get3A_898 = arith.constant 16 : index
        %get3A_899 = tpu.vector_load %arg6[%get3A_896, %get3A_897, %get3A_898] {strides = array<i32>} : memref<2x416x64xf32, #tpu.memory_space<vmem>>, vector<16xf32>,
        %add3A_900 = arith.addf %add3A_836, %get3A_899 : vector<16xf32>
        %add3A_901 = arith.constant 7 : i32
        %add3A_902 = arith.addi %add3A_660, %add3A_901 : i32
        %get3A_903 = arith.constant 1 : i32
        %get3A_904 = arith.index_cast %get3A_903 : i32 to index
        %get3A_905 = arith.index_cast %add3A_902 : i32 to index
        %get3A_906 = arith.constant 32 : index
        %get3A_907 = tpu.vector_load %arg6[%get3A_904, %get3A_905, %get3A_906] {strides = array<i32>} : memref<2x416x64xf32, #tpu.memory_space<vmem>>, vector<16xf32>,
        %add3A_908 = arith.addf %add3A_844, %get3A_907 : vector<16xf32>
        %add3A_909 = arith.constant 7 : i32
        %add3A_910 = arith.addi %add3A_660, %add3A_909 : i32
        %get3A_911 = arith.constant 1 : i32
        %get3A_912 = arith.index_cast %get3A_911 : i32 to index
        %get3A_913 = arith.index_cast %add3A_910 : i32 to index
        %get3A_914 = arith.constant 48 : index
        %get3A_915 = tpu.vector_load %arg6[%get3A_912, %get3A_913, %get3A_914] {strides = array<i32>} : memref<2x416x64xf32, #tpu.memory_space<vmem>>, vector<16xf32>,
        %add3A_916 = arith.addf %add3A_852, %get3A_915 : vector<16xf32>
        %add3A_917 = arith.constant 8 : i32
        %add3A_918 = arith.addi %add3A_660, %add3A_917 : i32
        %get3A_919 = arith.constant 1 : i32
        %get3A_920 = arith.index_cast %get3A_919 : i32 to index
        %get3A_921 = arith.index_cast %add3A_918 : i32 to index
        %get3A_922 = arith.constant 0 : index
        %get3A_923 = tpu.vector_load %arg6[%get3A_920, %get3A_921, %get3A_922] {strides = array<i32>} : memref<2x416x64xf32, #tpu.memory_space<vmem>>, vector<16xf32>,
        %add3A_924 = arith.addf %add3A_860, %get3A_923 : vector<16xf32>
        %add3A_925 = arith.constant 8 : i32
        %add3A_926 = arith.addi %add3A_660, %add3A_925 : i32
        %get3A_927 = arith.constant 1 : i32
        %get3A_928 = arith.index_cast %get3A_927 : i32 to index
        %get3A_929 = arith.index_cast %add3A_926 : i32 to index
        %get3A_930 = arith.constant 16 : index
        %get3A_931 = tpu.vector_load %arg6[%get3A_928, %get3A_929, %get3A_930] {strides = array<i32>} : memref<2x416x64xf32, #tpu.memory_space<vmem>>, vector<16xf32>,
        %add3A_932 = arith.addf %add3A_868, %get3A_931 : vector<16xf32>
        %add3A_933 = arith.constant 8 : i32
        %add3A_934 = arith.addi %add3A_660, %add3A_933 : i32
        %get3A_935 = arith.constant 1 : i32
        %get3A_936 = arith.index_cast %get3A_935 : i32 to index
        %get3A_937 = arith.index_cast %add3A_934 : i32 to index
        %get3A_938 = arith.constant 32 : index
        %get3A_939 = tpu.vector_load %arg6[%get3A_936, %get3A_937, %get3A_938] {strides = array<i32>} : memref<2x416x64xf32, #tpu.memory_space<vmem>>, vector<16xf32>,
        %add3A_940 = arith.addf %add3A_876, %get3A_939 : vector<16xf32>
        %add3A_941 = arith.constant 8 : i32
        %add3A_942 = arith.addi %add3A_660, %add3A_941 : i32
        %get3A_943 = arith.constant 1 : i32
        %get3A_944 = arith.index_cast %get3A_943 : i32 to index
        %get3A_945 = arith.index_cast %add3A_942 : i32 to index
        %get3A_946 = arith.constant 48 : index
        %get3A_947 = tpu.vector_load %arg6[%get3A_944, %get3A_945, %get3A_946] {strides = array<i32>} : memref<2x416x64xf32, #tpu.memory_space<vmem>>, vector<16xf32>,
        %add3A_948 = arith.addf %add3A_884, %get3A_947 : vector<16xf32>
        %add3A_949 = arith.constant 9 : i32
        %add3A_950 = arith.addi %add3A_660, %add3A_949 : i32
        %get3A_951 = arith.constant 1 : i32
        %get3A_952 = arith.index_cast %get3A_951 : i32 to index
        %get3A_953 = arith.index_cast %add3A_950 : i32 to index
        %get3A_954 = arith.constant 0 : index
        %get3A_955 = tpu.vector_load %arg6[%get3A_952, %get3A_953, %get3A_954] {strides = array<i32>} : memref<2x416x64xf32, #tpu.memory_space<vmem>>, vector<16xf32>,
        %add3A_956 = arith.addf %add3A_892, %get3A_955 : vector<16xf32>
        %add3A_957 = arith.constant 9 : i32
        %add3A_958 = arith.addi %add3A_660, %add3A_957 : i32
        %get3A_959 = arith.constant 1 : i32
        %get3A_960 = arith.index_cast %get3A_959 : i32 to index
        %get3A_961 = arith.index_cast %add3A_958 : i32 to index
        %get3A_962 = arith.constant 16 : index
        %get3A_963 = tpu.vector_load %arg6[%get3A_960, %get3A_961, %get3A_962] {strides = array<i32>} : memref<2x416x64xf32, #tpu.memory_space<vmem>>, vector<16xf32>,
        %add3A_964 = arith.addf %add3A_900, %get3A_963 : vector<16xf32>
        %add3A_965 = arith.constant 9 : i32
        %add3A_966 = arith.addi %add3A_660, %add3A_965 : i32
        %get3A_967 = arith.constant 1 : i32
        %get3A_968 = arith.index_cast %get3A_967 : i32 to index
        %get3A_969 = arith.index_cast %add3A_966 : i32 to index
        %get3A_970 = arith.constant 32 : index
        %get3A_971 = tpu.vector_load %arg6[%get3A_968, %get3A_969, %get3A_970] {strides = array<i32>} : memref<2x416x64xf32, #tpu.memory_space<vmem>>, vector<16xf32>,
        %add3A_972 = arith.addf %add3A_908, %get3A_971 : vector<16xf32>
        %add3A_973 = arith.constant 9 : i32
        %add3A_974 = arith.addi %add3A_660, %add3A_973 : i32
        %get3A_975 = arith.constant 1 : i32
        %get3A_976 = arith.index_cast %get3A_975 : i32 to index
        %get3A_977 = arith.index_cast %add3A_974 : i32 to index
        %get3A_978 = arith.constant 48 : index
        %get3A_979 = tpu.vector_load %arg6[%get3A_976, %get3A_977, %get3A_978] {strides = array<i32>} : memref<2x416x64xf32, #tpu.memory_space<vmem>>, vector<16xf32>,
        %add3A_980 = arith.addf %add3A_916, %get3A_979 : vector<16xf32>
        %add3A_981 = arith.constant 10 : i32
        %add3A_982 = arith.addi %add3A_660, %add3A_981 : i32
        %get3A_983 = arith.constant 1 : i32
        %get3A_984 = arith.index_cast %get3A_983 : i32 to index
        %get3A_985 = arith.index_cast %add3A_982 : i32 to index
        %get3A_986 = arith.constant 0 : index
        %get3A_987 = tpu.vector_load %arg6[%get3A_984, %get3A_985, %get3A_986] {strides = array<i32>} : memref<2x416x64xf32, #tpu.memory_space<vmem>>, vector<16xf32>,
        %add3A_988 = arith.addf %add3A_924, %get3A_987 : vector<16xf32>
        %add3A_989 = arith.constant 10 : i32
        %add3A_990 = arith.addi %add3A_660, %add3A_989 : i32
        %get3A_991 = arith.constant 1 : i32
        %get3A_992 = arith.index_cast %get3A_991 : i32 to index
        %get3A_993 = arith.index_cast %add3A_990 : i32 to index
        %get3A_994 = arith.constant 16 : index
        %get3A_995 = tpu.vector_load %arg6[%get3A_992, %get3A_993, %get3A_994] {strides = array<i32>} : memref<2x416x64xf32, #tpu.memory_space<vmem>>, vector<16xf32>,
        %add3A_996 = arith.addf %add3A_932, %get3A_995 : vector<16xf32>
        %add3A_997 = arith.constant 10 : i32
        %add3A_998 = arith.addi %add3A_660, %add3A_997 : i32
        %get3A_999 = arith.constant 1 : i32
        %get3A_1000 = arith.index_cast %get3A_999 : i32 to index
        %get3A_1001 = arith.index_cast %add3A_998 : i32 to index
        %get3A_1002 = arith.constant 32 : index
        %get3A_1003 = tpu.vector_load %arg6[%get3A_1000, %get3A_1001, %get3A_1002] {strides = array<i32>} : memref<2x416x64xf32, #tpu.memory_space<vmem>>, vector<16xf32>,
        %add3A_1004 = arith.addf %add3A_940, %get3A_1003 : vector<16xf32>
        %add3A_1005 = arith.constant 10 : i32
        %add3A_1006 = arith.addi %add3A_660, %add3A_1005 : i32
        %get3A_1007 = arith.constant 1 : i32
        %get3A_1008 = arith.index_cast %get3A_1007 : i32 to index
        %get3A_1009 = arith.index_cast %add3A_1006 : i32 to index
        %get3A_1010 = arith.constant 48 : index
        %get3A_1011 = tpu.vector_load %arg6[%get3A_1008, %get3A_1009, %get3A_1010] {strides = array<i32>} : memref<2x416x64xf32, #tpu.memory_space<vmem>>, vector<16xf32>,
        %add3A_1012 = arith.addf %add3A_948, %get3A_1011 : vector<16xf32>
        %add3A_1013 = arith.constant 11 : i32
        %add3A_1014 = arith.addi %add3A_660, %add3A_1013 : i32
        %get3A_1015 = arith.constant 1 : i32
        %get3A_1016 = arith.index_cast %get3A_1015 : i32 to index
        %get3A_1017 = arith.index_cast %add3A_1014 : i32 to index
        %get3A_1018 = arith.constant 0 : index
        %get3A_1019 = tpu.vector_load %arg6[%get3A_1016, %get3A_1017, %get3A_1018] {strides = array<i32>} : memref<2x416x64xf32, #tpu.memory_space<vmem>>, vector<16xf32>,
        %add3A_1020 = arith.addf %add3A_956, %get3A_1019 : vector<16xf32>
        %add3A_1021 = arith.constant 11 : i32
        %add3A_1022 = arith.addi %add3A_660, %add3A_1021 : i32
        %get3A_1023 = arith.constant 1 : i32
        %get3A_1024 = arith.index_cast %get3A_1023 : i32 to index
        %get3A_1025 = arith.index_cast %add3A_1022 : i32 to index
        %get3A_1026 = arith.constant 16 : index
        %get3A_1027 = tpu.vector_load %arg6[%get3A_1024, %get3A_1025, %get3A_1026] {strides = array<i32>} : memref<2x416x64xf32, #tpu.memory_space<vmem>>, vector<16xf32>,
        %add3A_1028 = arith.addf %add3A_964, %get3A_1027 : vector<16xf32>
        %add3A_1029 = arith.constant 11 : i32
        %add3A_1030 = arith.addi %add3A_660, %add3A_1029 : i32
        %get3A_1031 = arith.constant 1 : i32
        %get3A_1032 = arith.index_cast %get3A_1031 : i32 to index
        %get3A_1033 = arith.index_cast %add3A_1030 : i32 to index
        %get3A_1034 = arith.constant 32 : index
        %get3A_1035 = tpu.vector_load %arg6[%get3A_1032, %get3A_1033, %get3A_1034] {strides = array<i32>} : memref<2x416x64xf32, #tpu.memory_space<vmem>>, vector<16xf32>,
        %add3A_1036 = arith.addf %add3A_972, %get3A_1035 : vector<16xf32>
        %add3A_1037 = arith.constant 11 : i32
        %add3A_1038 = arith.addi %add3A_660, %add3A_1037 : i32
        %get3A_1039 = arith.constant 1 : i32
        %get3A_1040 = arith.index_cast %get3A_1039 : i32 to index
        %get3A_1041 = arith.index_cast %add3A_1038 : i32 to index
        %get3A_1042 = arith.constant 48 : index
        %get3A_1043 = tpu.vector_load %arg6[%get3A_1040, %get3A_1041, %get3A_1042] {strides = array<i32>} : memref<2x416x64xf32, #tpu.memory_space<vmem>>, vector<16xf32>,
        %add3A_1044 = arith.addf %add3A_980, %get3A_1043 : vector<16xf32>
        %add3A_1045 = arith.constant 12 : i32
        %add3A_1046 = arith.addi %add3A_660, %add3A_1045 : i32
        %get3A_1047 = arith.constant 1 : i32
        %get3A_1048 = arith.index_cast %get3A_1047 : i32 to index
        %get3A_1049 = arith.index_cast %add3A_1046 : i32 to index
        %get3A_1050 = arith.constant 0 : index
        %get3A_1051 = tpu.vector_load %arg6[%get3A_1048, %get3A_1049, %get3A_1050] {strides = array<i32>} : memref<2x416x64xf32, #tpu.memory_space<vmem>>, vector<16xf32>,
        %add3A_1052 = arith.addf %add3A_988, %get3A_1051 : vector<16xf32>
        %add3A_1053 = arith.constant 12 : i32
        %add3A_1054 = arith.addi %add3A_660, %add3A_1053 : i32
        %get3A_1055 = arith.constant 1 : i32
        %get3A_1056 = arith.index_cast %get3A_1055 : i32 to index
        %get3A_1057 = arith.index_cast %add3A_1054 : i32 to index
        %get3A_1058 = arith.constant 16 : index
        %get3A_1059 = tpu.vector_load %arg6[%get3A_1056, %get3A_1057, %get3A_1058] {strides = array<i32>} : memref<2x416x64xf32, #tpu.memory_space<vmem>>, vector<16xf32>,
        %add3A_1060 = arith.addf %add3A_996, %get3A_1059 : vector<16xf32>
        %add3A_1061 = arith.constant 12 : i32
        %add3A_1062 = arith.addi %add3A_660, %add3A_1061 : i32
        %get3A_1063 = arith.constant 1 : i32
        %get3A_1064 = arith.index_cast %get3A_1063 : i32 to index
        %get3A_1065 = arith.index_cast %add3A_1062 : i32 to index
        %get3A_1066 = arith.constant 32 : index
        %get3A_1067 = tpu.vector_load %arg6[%get3A_1064, %get3A_1065, %get3A_1066] {strides = array<i32>} : memref<2x416x64xf32, #tpu.memory_space<vmem>>, vector<16xf32>,
        %add3A_1068 = arith.addf %add3A_1004, %get3A_1067 : vector<16xf32>
        %add3A_1069 = arith.constant 12 : i32
        %add3A_1070 = arith.addi %add3A_660, %add3A_1069 : i32
        %get3A_1071 = arith.constant 1 : i32
        %get3A_1072 = arith.index_cast %get3A_1071 : i32 to index
        %get3A_1073 = arith.index_cast %add3A_1070 : i32 to index
        %get3A_1074 = arith.constant 48 : index
        %get3A_1075 = tpu.vector_load %arg6[%get3A_1072, %get3A_1073, %get3A_1074] {strides = array<i32>} : memref<2x416x64xf32, #tpu.memory_space<vmem>>, vector<16xf32>,
        %add3A_1076 = arith.addf %add3A_1012, %get3A_1075 : vector<16xf32>
        %add3A_1077 = arith.constant 13 : i32
        %add3A_1078 = arith.addi %add3A_660, %add3A_1077 : i32
        %get3A_1079 = arith.constant 1 : i32
        %get3A_1080 = arith.index_cast %get3A_1079 : i32 to index
        %get3A_1081 = arith.index_cast %add3A_1078 : i32 to index
        %get3A_1082 = arith.constant 0 : index
        %get3A_1083 = tpu.vector_load %arg6[%get3A_1080, %get3A_1081, %get3A_1082] {strides = array<i32>} : memref<2x416x64xf32, #tpu.memory_space<vmem>>, vector<16xf32>,
        %add3A_1084 = arith.addf %add3A_1020, %get3A_1083 : vector<16xf32>
        %add3A_1085 = arith.constant 13 : i32
        %add3A_1086 = arith.addi %add3A_660, %add3A_1085 : i32
        %get3A_1087 = arith.constant 1 : i32
        %get3A_1088 = arith.index_cast %get3A_1087 : i32 to index
        %get3A_1089 = arith.index_cast %add3A_1086 : i32 to index
        %get3A_1090 = arith.constant 16 : index
        %get3A_1091 = tpu.vector_load %arg6[%get3A_1088, %get3A_1089, %get3A_1090] {strides = array<i32>} : memref<2x416x64xf32, #tpu.memory_space<vmem>>, vector<16xf32>,
        %add3A_1092 = arith.addf %add3A_1028, %get3A_1091 : vector<16xf32>
        %add3A_1093 = arith.constant 13 : i32
        %add3A_1094 = arith.addi %add3A_660, %add3A_1093 : i32
        %get3A_1095 = arith.constant 1 : i32
        %get3A_1096 = arith.index_cast %get3A_1095 : i32 to index
        %get3A_1097 = arith.index_cast %add3A_1094 : i32 to index
        %get3A_1098 = arith.constant 32 : index
        %get3A_1099 = tpu.vector_load %arg6[%get3A_1096, %get3A_1097, %get3A_1098] {strides = array<i32>} : memref<2x416x64xf32, #tpu.memory_space<vmem>>, vector<16xf32>,
        %add3A_1100 = arith.addf %add3A_1036, %get3A_1099 : vector<16xf32>
        %add3A_1101 = arith.constant 13 : i32
        %add3A_1102 = arith.addi %add3A_660, %add3A_1101 : i32
        %get3A_1103 = arith.constant 1 : i32
        %get3A_1104 = arith.index_cast %get3A_1103 : i32 to index
        %get3A_1105 = arith.index_cast %add3A_1102 : i32 to index
        %get3A_1106 = arith.constant 48 : index
        %get3A_1107 = tpu.vector_load %arg6[%get3A_1104, %get3A_1105, %get3A_1106] {strides = array<i32>} : memref<2x416x64xf32, #tpu.memory_space<vmem>>, vector<16xf32>,
        %add3A_1108 = arith.addf %add3A_1044, %get3A_1107 : vector<16xf32>
        %add3A_1109 = arith.constant 14 : i32
        %add3A_1110 = arith.addi %add3A_660, %add3A_1109 : i32
        %get3A_1111 = arith.constant 1 : i32
        %get3A_1112 = arith.index_cast %get3A_1111 : i32 to index
        %get3A_1113 = arith.index_cast %add3A_1110 : i32 to index
        %get3A_1114 = arith.constant 0 : index
        %get3A_1115 = tpu.vector_load %arg6[%get3A_1112, %get3A_1113, %get3A_1114] {strides = array<i32>} : memref<2x416x64xf32, #tpu.memory_space<vmem>>, vector<16xf32>,
        %add3A_1116 = arith.addf %add3A_1052, %get3A_1115 : vector<16xf32>
        %add3A_1117 = arith.constant 14 : i32
        %add3A_1118 = arith.addi %add3A_660, %add3A_1117 : i32
        %get3A_1119 = arith.constant 1 : i32
        %get3A_1120 = arith.index_cast %get3A_1119 : i32 to index
        %get3A_1121 = arith.index_cast %add3A_1118 : i32 to index
        %get3A_1122 = arith.constant 16 : index
        %get3A_1123 = tpu.vector_load %arg6[%get3A_1120, %get3A_1121, %get3A_1122] {strides = array<i32>} : memref<2x416x64xf32, #tpu.memory_space<vmem>>, vector<16xf32>,
        %add3A_1124 = arith.addf %add3A_1060, %get3A_1123 : vector<16xf32>
        %add3A_1125 = arith.constant 14 : i32
        %add3A_1126 = arith.addi %add3A_660, %add3A_1125 : i32
        %get3A_1127 = arith.constant 1 : i32
        %get3A_1128 = arith.index_cast %get3A_1127 : i32 to index
        %get3A_1129 = arith.index_cast %add3A_1126 : i32 to index
        %get3A_1130 = arith.constant 32 : index
        %get3A_1131 = tpu.vector_load %arg6[%get3A_1128, %get3A_1129, %get3A_1130] {strides = array<i32>} : memref<2x416x64xf32, #tpu.memory_space<vmem>>, vector<16xf32>,
        %add3A_1132 = arith.addf %add3A_1068, %get3A_1131 : vector<16xf32>
        %add3A_1133 = arith.constant 14 : i32
        %add3A_1134 = arith.addi %add3A_660, %add3A_1133 : i32
        %get3A_1135 = arith.constant 1 : i32
        %get3A_1136 = arith.index_cast %get3A_1135 : i32 to index
        %get3A_1137 = arith.index_cast %add3A_1134 : i32 to index
        %get3A_1138 = arith.constant 48 : index
        %get3A_1139 = tpu.vector_load %arg6[%get3A_1136, %get3A_1137, %get3A_1138] {strides = array<i32>} : memref<2x416x64xf32, #tpu.memory_space<vmem>>, vector<16xf32>,
        %add3A_1140 = arith.addf %add3A_1076, %get3A_1139 : vector<16xf32>
        %add3A_1141 = arith.constant 15 : i32
        %add3A_1142 = arith.addi %add3A_660, %add3A_1141 : i32
        %get3A_1143 = arith.constant 1 : i32
        %get3A_1144 = arith.index_cast %get3A_1143 : i32 to index
        %get3A_1145 = arith.index_cast %add3A_1142 : i32 to index
        %get3A_1146 = arith.constant 0 : index
        %get3A_1147 = tpu.vector_load %arg6[%get3A_1144, %get3A_1145, %get3A_1146] {strides = array<i32>} : memref<2x416x64xf32, #tpu.memory_space<vmem>>, vector<16xf32>,
        %add3A_1148 = arith.addf %add3A_1084, %get3A_1147 : vector<16xf32>
        %add3A_1149 = arith.constant 15 : i32
        %add3A_1150 = arith.addi %add3A_660, %add3A_1149 : i32
        %get3A_1151 = arith.constant 1 : i32
        %get3A_1152 = arith.index_cast %get3A_1151 : i32 to index
        %get3A_1153 = arith.index_cast %add3A_1150 : i32 to index
        %get3A_1154 = arith.constant 16 : index
        %get3A_1155 = tpu.vector_load %arg6[%get3A_1152, %get3A_1153, %get3A_1154] {strides = array<i32>} : memref<2x416x64xf32, #tpu.memory_space<vmem>>, vector<16xf32>,
        %add3A_1156 = arith.addf %add3A_1092, %get3A_1155 : vector<16xf32>
        %add3A_1157 = arith.constant 15 : i32
        %add3A_1158 = arith.addi %add3A_660, %add3A_1157 : i32
        %get3A_1159 = arith.constant 1 : i32
        %get3A_1160 = arith.index_cast %get3A_1159 : i32 to index
        %get3A_1161 = arith.index_cast %add3A_1158 : i32 to index
        %get3A_1162 = arith.constant 32 : index
        %get3A_1163 = tpu.vector_load %arg6[%get3A_1160, %get3A_1161, %get3A_1162] {strides = array<i32>} : memref<2x416x64xf32, #tpu.memory_space<vmem>>, vector<16xf32>,
        %add3A_1164 = arith.addf %add3A_1100, %get3A_1163 : vector<16xf32>
        %add3A_1165 = arith.constant 15 : i32
        %add3A_1166 = arith.addi %add3A_660, %add3A_1165 : i32
        %get3A_1167 = arith.constant 1 : i32
        %get3A_1168 = arith.index_cast %get3A_1167 : i32 to index
        %get3A_1169 = arith.index_cast %add3A_1166 : i32 to index
        %get3A_1170 = arith.constant 48 : index
        %get3A_1171 = tpu.vector_load %arg6[%get3A_1168, %get3A_1169, %get3A_1170] {strides = array<i32>} : memref<2x416x64xf32, #tpu.memory_space<vmem>>, vector<16xf32>,
        %add3A_1172 = arith.addf %add3A_1108, %get3A_1171 : vector<16xf32>
        scf.yield %add3A_1116, %add3A_1124, %add3A_1132, %add3A_1140, %add3A_1148, %add3A_1156, %add3A_1164, %add3A_1172 : vector<16xf32>, vector<16xf32>, vector<16xf32>, vector<16xf32>, vector<16xf32>, vector<16xf32>, vector<16xf32>, vector<16xf32>
      }
      %scan3A_504 = arith.constant 13 : i32
      %get3A_505 = arith.index_cast %add3A_341 : i32 to index
      %get3A_506 = arith.constant 208 : index
      %get3A_507 = tpu.vector_load %arg5[%get3A_505, %get3A_506] {strides = array<i32>} : memref<64x416xi32, #tpu.memory_space<vmem>>, vector<16xi32>,
      %ne3A_508 = arith.constant 0 : i32
      %ne3A_509 = vector.broadcast %ne3A_508 : i32 to vector<16xi32>
      %ne3A_510 = arith.cmpi ne, %get3A_507, %ne3A_509 : vector<16xi32>
      %select_n3A_511 = arith.select %ne3A_510, %broadcast_in_dim3A_28, %broadcast_in_dim3A_30 : vector<16xi1>, vector<16xi32>
      %add3A_512 = arith.addi %broadcast_in_dim3A_30, %select_n3A_511 : vector<16xi32>
      %get3A_513 = arith.index_cast %add3A_341 : i32 to index
      %get3A_514 = arith.constant 224 : index
      %get3A_515 = tpu.vector_load %arg5[%get3A_513, %get3A_514] {strides = array<i32>} : memref<64x416xi32, #tpu.memory_space<vmem>>, vector<16xi32>,
      %ne3A_516 = arith.constant 0 : i32
      %ne3A_517 = vector.broadcast %ne3A_516 : i32 to vector<16xi32>
      %ne3A_518 = arith.cmpi ne, %get3A_515, %ne3A_517 : vector<16xi32>
      %select_n3A_519 = arith.select %ne3A_518, %broadcast_in_dim3A_28, %broadcast_in_dim3A_30 : vector<16xi1>, vector<16xi32>
      %add3A_520 = arith.addi %add3A_512, %select_n3A_519 : vector<16xi32>
      %get3A_521 = arith.index_cast %add3A_341 : i32 to index
      %get3A_522 = arith.constant 240 : index
      %get3A_523 = tpu.vector_load %arg5[%get3A_521, %get3A_522] {strides = array<i32>} : memref<64x416xi32, #tpu.memory_space<vmem>>, vector<16xi32>,
      %ne3A_524 = arith.constant 0 : i32
      %ne3A_525 = vector.broadcast %ne3A_524 : i32 to vector<16xi32>
      %ne3A_526 = arith.cmpi ne, %get3A_523, %ne3A_525 : vector<16xi32>
      %select_n3A_527 = arith.select %ne3A_526, %broadcast_in_dim3A_28, %broadcast_in_dim3A_30 : vector<16xi1>, vector<16xi32>
      %add3A_528 = arith.addi %add3A_520, %select_n3A_527 : vector<16xi32>
      %get3A_529 = arith.index_cast %add3A_341 : i32 to index
      %get3A_530 = arith.constant 256 : index
      %get3A_531 = tpu.vector_load %arg5[%get3A_529, %get3A_530] {strides = array<i32>} : memref<64x416xi32, #tpu.memory_space<vmem>>, vector<16xi32>,
      %ne3A_532 = arith.constant 0 : i32
      %ne3A_533 = vector.broadcast %ne3A_532 : i32 to vector<16xi32>
      %ne3A_534 = arith.cmpi ne, %get3A_531, %ne3A_533 : vector<16xi32>
      %select_n3A_535 = arith.select %ne3A_534, %broadcast_in_dim3A_28, %broadcast_in_dim3A_30 : vector<16xi1>, vector<16xi32>
      %add3A_536 = arith.addi %add3A_528, %select_n3A_535 : vector<16xi32>
      %get3A_537 = arith.index_cast %add3A_341 : i32 to index
      %get3A_538 = arith.constant 272 : index
      %get3A_539 = tpu.vector_load %arg5[%get3A_537, %get3A_538] {strides = array<i32>} : memref<64x416xi32, #tpu.memory_space<vmem>>, vector<16xi32>,
      %ne3A_540 = arith.constant 0 : i32
      %ne3A_541 = vector.broadcast %ne3A_540 : i32 to vector<16xi32>
      %ne3A_542 = arith.cmpi ne, %get3A_539, %ne3A_541 : vector<16xi32>
      %select_n3A_543 = arith.select %ne3A_542, %broadcast_in_dim3A_28, %broadcast_in_dim3A_30 : vector<16xi1>, vector<16xi32>
      %add3A_544 = arith.addi %add3A_536, %select_n3A_543 : vector<16xi32>
      %get3A_545 = arith.index_cast %add3A_341 : i32 to index
      %get3A_546 = arith.constant 288 : index
      %get3A_547 = tpu.vector_load %arg5[%get3A_545, %get3A_546] {strides = array<i32>} : memref<64x416xi32, #tpu.memory_space<vmem>>, vector<16xi32>,
      %ne3A_548 = arith.constant 0 : i32
      %ne3A_549 = vector.broadcast %ne3A_548 : i32 to vector<16xi32>
      %ne3A_550 = arith.cmpi ne, %get3A_547, %ne3A_549 : vector<16xi32>
      %select_n3A_551 = arith.select %ne3A_550, %broadcast_in_dim3A_28, %broadcast_in_dim3A_30 : vector<16xi1>, vector<16xi32>
      %add3A_552 = arith.addi %add3A_544, %select_n3A_551 : vector<16xi32>
      %get3A_553 = arith.index_cast %add3A_341 : i32 to index
      %get3A_554 = arith.constant 304 : index
      %get3A_555 = tpu.vector_load %arg5[%get3A_553, %get3A_554] {strides = array<i32>} : memref<64x416xi32, #tpu.memory_space<vmem>>, vector<16xi32>,
      %ne3A_556 = arith.constant 0 : i32
      %ne3A_557 = vector.broadcast %ne3A_556 : i32 to vector<16xi32>
      %ne3A_558 = arith.cmpi ne, %get3A_555, %ne3A_557 : vector<16xi32>
      %select_n3A_559 = arith.select %ne3A_558, %broadcast_in_dim3A_28, %broadcast_in_dim3A_30 : vector<16xi1>, vector<16xi32>
      %add3A_560 = arith.addi %add3A_552, %select_n3A_559 : vector<16xi32>
      %get3A_561 = arith.index_cast %add3A_341 : i32 to index
      %get3A_562 = arith.constant 320 : index
      %get3A_563 = tpu.vector_load %arg5[%get3A_561, %get3A_562] {strides = array<i32>} : memref<64x416xi32, #tpu.memory_space<vmem>>, vector<16xi32>,
      %ne3A_564 = arith.constant 0 : i32
      %ne3A_565 = vector.broadcast %ne3A_564 : i32 to vector<16xi32>
      %ne3A_566 = arith.cmpi ne, %get3A_563, %ne3A_565 : vector<16xi32>
      %select_n3A_567 = arith.select %ne3A_566, %broadcast_in_dim3A_28, %broadcast_in_dim3A_30 : vector<16xi1>, vector<16xi32>
      %add3A_568 = arith.addi %add3A_560, %select_n3A_567 : vector<16xi32>
      %get3A_569 = arith.index_cast %add3A_341 : i32 to index
      %get3A_570 = arith.constant 336 : index
      %get3A_571 = tpu.vector_load %arg5[%get3A_569, %get3A_570] {strides = array<i32>} : memref<64x416xi32, #tpu.memory_space<vmem>>, vector<16xi32>,
      %ne3A_572 = arith.constant 0 : i32
      %ne3A_573 = vector.broadcast %ne3A_572 : i32 to vector<16xi32>
      %ne3A_574 = arith.cmpi ne, %get3A_571, %ne3A_573 : vector<16xi32>
      %select_n3A_575 = arith.select %ne3A_574, %broadcast_in_dim3A_28, %broadcast_in_dim3A_30 : vector<16xi1>, vector<16xi32>
      %add3A_576 = arith.addi %add3A_568, %select_n3A_575 : vector<16xi32>
      %get3A_577 = arith.index_cast %add3A_341 : i32 to index
      %get3A_578 = arith.constant 352 : index
      %get3A_579 = tpu.vector_load %arg5[%get3A_577, %get3A_578] {strides = array<i32>} : memref<64x416xi32, #tpu.memory_space<vmem>>, vector<16xi32>,
      %ne3A_580 = arith.constant 0 : i32
      %ne3A_581 = vector.broadcast %ne3A_580 : i32 to vector<16xi32>
      %ne3A_582 = arith.cmpi ne, %get3A_579, %ne3A_581 : vector<16xi32>
      %select_n3A_583 = arith.select %ne3A_582, %broadcast_in_dim3A_28, %broadcast_in_dim3A_30 : vector<16xi1>, vector<16xi32>
      %add3A_584 = arith.addi %add3A_576, %select_n3A_583 : vector<16xi32>
      %get3A_585 = arith.index_cast %add3A_341 : i32 to index
      %get3A_586 = arith.constant 368 : index
      %get3A_587 = tpu.vector_load %arg5[%get3A_585, %get3A_586] {strides = array<i32>} : memref<64x416xi32, #tpu.memory_space<vmem>>, vector<16xi32>,
      %ne3A_588 = arith.constant 0 : i32
      %ne3A_589 = vector.broadcast %ne3A_588 : i32 to vector<16xi32>
      %ne3A_590 = arith.cmpi ne, %get3A_587, %ne3A_589 : vector<16xi32>
      %select_n3A_591 = arith.select %ne3A_590, %broadcast_in_dim3A_28, %broadcast_in_dim3A_30 : vector<16xi1>, vector<16xi32>
      %add3A_592 = arith.addi %add3A_584, %select_n3A_591 : vector<16xi32>
      %get3A_593 = arith.index_cast %add3A_341 : i32 to index
      %get3A_594 = arith.constant 384 : index
      %get3A_595 = tpu.vector_load %arg5[%get3A_593, %get3A_594] {strides = array<i32>} : memref<64x416xi32, #tpu.memory_space<vmem>>, vector<16xi32>,
      %ne3A_596 = arith.constant 0 : i32
      %ne3A_597 = vector.broadcast %ne3A_596 : i32 to vector<16xi32>
      %ne3A_598 = arith.cmpi ne, %get3A_595, %ne3A_597 : vector<16xi32>
      %select_n3A_599 = arith.select %ne3A_598, %broadcast_in_dim3A_28, %broadcast_in_dim3A_30 : vector<16xi1>, vector<16xi32>
      %add3A_600 = arith.addi %add3A_592, %select_n3A_599 : vector<16xi32>
      %get3A_601 = arith.index_cast %add3A_341 : i32 to index
      %get3A_602 = arith.constant 400 : index
      %get3A_603 = tpu.vector_load %arg5[%get3A_601, %get3A_602] {strides = array<i32>} : memref<64x416xi32, #tpu.memory_space<vmem>>, vector<16xi32>,
      %ne3A_604 = arith.constant 0 : i32
      %ne3A_605 = vector.broadcast %ne3A_604 : i32 to vector<16xi32>
      %ne3A_606 = arith.cmpi ne, %get3A_603, %ne3A_605 : vector<16xi32>
      %select_n3A_607 = arith.select %ne3A_606, %broadcast_in_dim3A_28, %broadcast_in_dim3A_30 : vector<16xi1>, vector<16xi32>
      %add3A_608 = arith.addi %add3A_600, %select_n3A_607 : vector<16xi32>
      %reduce_sum3A_609 = arith.constant true
      %reduce_sum3A_610 = vector.broadcast %reduce_sum3A_609 : i1 to vector<16xi1>
      %reduce_sum3A_611 = tpu.scan <sum>, %add3A_608 masked %reduce_sum3A_610 : vector<16xi32>, vector<16xi1> -> vector<16xi32>
      %reduce_sum3A_612 = vector.extract %reduce_sum3A_611[15] : i32 from vector<16xi32>
      %max3A_613 = arith.constant 1 : i32
      %max3A_614 = arith.maxsi %reduce_sum3A_612, %max3A_613 : i32
      %convert_element_type3A_615 = arith.sitofp %max3A_614 : i32 to f32
      %broadcast_in_dim3A_616 = vector.broadcast %convert_element_type3A_615 : f32 to vector<16xf32>
      %mul3A_617 = arith.constant 2 : i32
      %mul3A_618 = arith.muli %add3A_341, %mul3A_617 : i32
      %add3A_619 = arith.constant 1 : i32
      %add3A_620 = arith.addi %mul3A_618, %add3A_619 : i32
      %add3A_621 = arith.addf %scan3A_503#0, %scan3A_503#4 : vector<16xf32>
      %div3A_622 = arith.divf %add3A_621, %broadcast_in_dim3A_616 : vector<16xf32>
      %swap3A_623 = arith.index_cast %add3A_620 : i32 to index
      %swap3A_624 = arith.constant 0 : index
      %swap3A_625 = tpu.vector_load %arg7[%swap3A_623, %swap3A_624] {strides = array<i32>} : memref<128x64xf32, #tpu.memory_space<vmem>>, vector<16xf32>,
      tpu.vector_store %arg7[%swap3A_623, %swap3A_624], %div3A_622 {strides = array<i32>} : memref<128x64xf32, #tpu.memory_space<vmem>>, vector<16xf32>,
      %add3A_626 = arith.addf %scan3A_503#1, %scan3A_503#5 : vector<16xf32>
      %div3A_627 = arith.divf %add3A_626, %broadcast_in_dim3A_616 : vector<16xf32>
      %swap3A_628 = arith.index_cast %add3A_620 : i32 to index
      %swap3A_629 = arith.constant 16 : index
      %swap3A_630 = tpu.vector_load %arg7[%swap3A_628, %swap3A_629] {strides = array<i32>} : memref<128x64xf32, #tpu.memory_space<vmem>>, vector<16xf32>,
      tpu.vector_store %arg7[%swap3A_628, %swap3A_629], %div3A_627 {strides = array<i32>} : memref<128x64xf32, #tpu.memory_space<vmem>>, vector<16xf32>,
      %add3A_631 = arith.addf %scan3A_503#2, %scan3A_503#6 : vector<16xf32>
      %div3A_632 = arith.divf %add3A_631, %broadcast_in_dim3A_616 : vector<16xf32>
      %swap3A_633 = arith.index_cast %add3A_620 : i32 to index
      %swap3A_634 = arith.constant 32 : index
      %swap3A_635 = tpu.vector_load %arg7[%swap3A_633, %swap3A_634] {strides = array<i32>} : memref<128x64xf32, #tpu.memory_space<vmem>>, vector<16xf32>,
      tpu.vector_store %arg7[%swap3A_633, %swap3A_634], %div3A_632 {strides = array<i32>} : memref<128x64xf32, #tpu.memory_space<vmem>>, vector<16xf32>,
      %add3A_636 = arith.addf %scan3A_503#3, %scan3A_503#7 : vector<16xf32>
      %div3A_637 = arith.divf %add3A_636, %broadcast_in_dim3A_616 : vector<16xf32>
      %swap3A_638 = arith.index_cast %add3A_620 : i32 to index
      %swap3A_639 = arith.constant 48 : index
      %swap3A_640 = tpu.vector_load %arg7[%swap3A_638, %swap3A_639] {strides = array<i32>} : memref<128x64xf32, #tpu.memory_space<vmem>>, vector<16xf32>,
      tpu.vector_store %arg7[%swap3A_638, %swap3A_639], %div3A_637 {strides = array<i32>} : memref<128x64xf32, #tpu.memory_space<vmem>>, vector<16xf32>,
      %add3A_641 = arith.constant 2 : i32
      %add3A_642 = arith.addi %add3A_341, %add3A_641 : i32
      %lt3A_643 = arith.constant 64 : i32
      %lt3A_644 = arith.cmpi slt, %add3A_642, %lt3A_643 : i32
      %convert_element_type3A_645 = arith.extui %lt3A_644 : i1 to i32
      %cond3A_646 = arith.constant 0 : i32
      %cond3A_647 = arith.cmpi ne, %convert_element_type3A_645, %cond3A_646 : i32
      scf.if %cond3A_647 {
        %dma_start3A_648 = arith.constant 1 : i32
        %dma_start3A_649 = arith.constant 0 : i32
        %dma_start3A_650 = arith.constant 0 : i32
        %dma_start3A_651 = tpu.memref_slice %arg6[%dma_start3A_648, %dma_start3A_649, %dma_start3A_650] : memref<2x416x64xf32, #tpu.memory_space<vmem>> -> memref<1x416x64xf32, #tpu.memory_space<vmem>>
        %dma_start3A_652 = tpu.memref_squeeze %dma_start3A_651 : memref<1x416x64xf32, #tpu.memory_space<vmem>> -> memref<416x64xf32, #tpu.memory_space<vmem>>
        %dma_start3A_653 = arith.constant 0 : i32
        %dma_start3A_654 = tpu.memref_slice %arg5[%add3A_642, %dma_start3A_653] : memref<64x416xi32, #tpu.memory_space<vmem>> -> memref<1x416xi32, #tpu.memory_space<vmem>>
        %dma_start3A_655 = tpu.memref_squeeze %dma_start3A_654 : memref<1x416xi32, #tpu.memory_space<vmem>> -> memref<416xi32, #tpu.memory_space<vmem>>
        %dma_start3A_656 = arith.constant 0 : i32
        %dma_start3A_657 = arith.constant 0 : i32
        %dma_start3A_658 = tpu.memref_slice %arg3[%dma_start3A_656, %dma_start3A_657] : memref<1000000x64xf32, #tpu.memory_space<hbm>> -> memref<1000000x64xf32, #tpu.memory_space<hbm>>
        tpu.enqueue_indirect_dma source(%dma_start3A_658 : memref<1000000x64xf32, #tpu.memory_space<hbm>>) target(%dma_start3A_652 : memref<416x64xf32, #tpu.memory_space<vmem>>) offsets(%dma_start3A_655 : memref<416xi32, #tpu.memory_space<vmem>>) semaphore(%arg9 : memref<!tpu.dma_semaphore, #tpu.memory_space<semaphore_mem>>)
      } else {
      }
    }
    %scan3A_35 = arith.constant 32 : i32
    %mul3A_36 = arith.constant 128 : i32
    %mul3A_37 = arith.muli %add3A, %mul3A_36 : i32
    "tpu.region"() ({
      %run_scoped3A = tpu.sem_alloc : memref<!tpu.dma_semaphore, #tpu.memory_space<semaphore_mem>>
      %dma_start3A_38 = arith.constant 0 : i32
      %dma_start3A_39 = tpu.memref_slice %arg4[%mul3A_37, %dma_start3A_38] : memref<4096x64xf32, #tpu.memory_space<hbm>> -> memref<128x64xf32, #tpu.memory_space<hbm>>
      %dma_start3A_40 = arith.constant 0 : i32
      %dma_start3A_41 = tpu.memref_slice %arg4[%mul3A_37, %dma_start3A_40] : memref<4096x64xf32, #tpu.memory_space<hbm>> -> memref<128x64xf32, #tpu.memory_space<hbm>>
      tpu.enqueue_dma source(%arg7 : memref<128x64xf32, #tpu.memory_space<vmem>>) target(%dma_start3A_41 : memref<128x64xf32, #tpu.memory_space<hbm>>) target_semaphore(%run_scoped3A : memref<!tpu.dma_semaphore, #tpu.memory_space<semaphore_mem>>)
      %dma_wait3A = arith.constant 0 : i32
      %dma_wait3A_42 = tpu.memref_slice %arg4[%mul3A_37, %dma_wait3A] : memref<4096x64xf32, #tpu.memory_space<hbm>> -> memref<128x64xf32, #tpu.memory_space<hbm>>
      %dma_wait3A_43 = arith.constant 0 : i32
      %dma_wait3A_44 = tpu.memref_slice %arg4[%mul3A_37, %dma_wait3A_43] : memref<4096x64xf32, #tpu.memory_space<hbm>> -> memref<128x64xf32, #tpu.memory_space<hbm>>
      tpu.wait_dma2 semaphore(%run_scoped3A : memref<!tpu.dma_semaphore, #tpu.memory_space<semaphore_mem>>) src(%arg7 : memref<128x64xf32, #tpu.memory_space<vmem>>) dst(%dma_wait3A_44 : memref<128x64xf32, #tpu.memory_space<hbm>>)
      tpu.yield
    }) : () -> ()
    return
  }
}

module attributes {stable_mosaic.version = 14 : i64} {
  func.func @body(%arg0: i32, %arg1: memref<512x64xf32, #tpu.memory_space<vmem>>, %arg2: memref<64x256xf32, #tpu.memory_space<vmem>>, %arg3: memref<1x256xf32, #tpu.memory_space<vmem>>, %arg4: memref<256x2xf32, #tpu.memory_space<vmem>>, %arg5: memref<1x2xf32, #tpu.memory_space<vmem>>, %arg6: memref<512x2xf32, #tpu.memory_space<vmem>>) attributes {dimension_semantics = [#tpu.dimension_semantics<arbitrary>], iteration_bounds = array<i64: 8>, scalar_prefetch = 0 : i64, scratch_operands = 0 : i64, tpu.core_type = #tpu.core_type<tc>, window_params = [{transform_indices = @transform_0, window_bounds = array<i64: 512, 64>}, {pipeline_mode = #tpu.pipeline_mode<synchronous>, transform_indices = @transform_1, window_bounds = array<i64: 64, 256>}, {pipeline_mode = #tpu.pipeline_mode<synchronous>, transform_indices = @transform_2, window_bounds = array<i64: 1, 256>}, {pipeline_mode = #tpu.pipeline_mode<synchronous>, transform_indices = @transform_3, window_bounds = array<i64: 256, 2>}, {pipeline_mode = #tpu.pipeline_mode<synchronous>, transform_indices = @transform_4, window_bounds = array<i64: 1, 2>}, {transform_indices = @transform_5, window_bounds = array<i64: 512, 2>}]} {
    %get3A = arith.constant 0 : index
    %get3A_0 = arith.constant 0 : index
    %get3A_1 = vector.load %arg1[%get3A, %get3A_0] : memref<512x64xf32, #tpu.memory_space<vmem>>, vector<512x64xf32>
    %get3A_2 = arith.constant 0 : index
    %get3A_3 = arith.constant 0 : index
    %get3A_4 = vector.load %arg2[%get3A_2, %get3A_3] : memref<64x256xf32, #tpu.memory_space<vmem>>, vector<64x256xf32>
    %dot_general3A = arith.constant dense<0.000000e+00> : vector<512x256xf32>
    %dot_general3A_5 = tpu.matmul %get3A_1, %get3A_4, %dot_general3A {dimension_numbers = #tpu.dot_dimension_numbers<[1], [0], [0], [1], [0, 0, 1, 1], [], []>, transpose_lhs_hint = false} : vector<512x64xf32>, vector<64x256xf32>, vector<512x256xf32> -> vector<512x256xf32>
    %get3A_6 = arith.constant 0 : index
    %get3A_7 = arith.constant 0 : index
    %get3A_8 = vector.load %arg3[%get3A_6, %get3A_7] : memref<1x256xf32, #tpu.memory_space<vmem>>, vector<1x256xf32>
    %add3A = vector.broadcast %get3A_8 : vector<1x256xf32> to vector<512x256xf32>
    %add3A_9 = arith.addf %dot_general3A_5, %add3A : vector<512x256xf32>
    %max3A = arith.constant 0.000000e+00 : f32
    %max3A_10 = vector.broadcast %max3A : f32 to vector<512x256xf32>
    %max3A_11 = arith.maximumf %add3A_9, %max3A_10 : vector<512x256xf32>
    %get3A_12 = arith.constant 0 : index
    %get3A_13 = arith.constant 0 : index
    %get3A_14 = vector.load %arg4[%get3A_12, %get3A_13] : memref<256x2xf32, #tpu.memory_space<vmem>>, vector<256x2xf32>
    %dot_general3A_15 = arith.constant dense<0.000000e+00> : vector<512x2xf32>
    %dot_general3A_16 = tpu.matmul %max3A_11, %get3A_14, %dot_general3A_15 {dimension_numbers = #tpu.dot_dimension_numbers<[1], [0], [0], [1], [0, 0, 1, 1], [], []>, transpose_lhs_hint = false} : vector<512x256xf32>, vector<256x2xf32>, vector<512x2xf32> -> vector<512x2xf32>
    %get3A_17 = arith.constant 0 : index
    %get3A_18 = arith.constant 0 : index
    %get3A_19 = vector.load %arg5[%get3A_17, %get3A_18] : memref<1x2xf32, #tpu.memory_space<vmem>>, vector<1x2xf32>
    %add3A_20 = vector.broadcast %get3A_19 : vector<1x2xf32> to vector<512x2xf32>
    %add3A_21 = arith.addf %dot_general3A_16, %add3A_20 : vector<512x2xf32>
    %reduce_max3A = arith.constant dense<0xFF800000> : vector<512xf32>
    %reduce_max3A_22 = vector.multi_reduction <maximumf>, %add3A_21, %reduce_max3A [1] : vector<512x2xf32> to vector<512xf32>
    %broadcast_in_dim3A = vector.shape_cast %reduce_max3A_22 : vector<512xf32> to vector<512x1xf32>
    %sub3A = vector.broadcast %broadcast_in_dim3A : vector<512x1xf32> to vector<512x2xf32>
    %sub3A_23 = arith.subf %add3A_21, %sub3A : vector<512x2xf32>
    %exp3A = math.exp %sub3A_23 : vector<512x2xf32>
    %reduce_sum3A = arith.constant dense<0.000000e+00> : vector<512xf32>
    %reduce_sum3A_24 = vector.multi_reduction <add>, %exp3A, %reduce_sum3A [1] : vector<512x2xf32> to vector<512xf32>
    %broadcast_in_dim3A_25 = vector.shape_cast %reduce_sum3A_24 : vector<512xf32> to vector<512x1xf32>
    %div3A = vector.broadcast %broadcast_in_dim3A_25 : vector<512x1xf32> to vector<512x2xf32>
    %div3A_26 = arith.divf %exp3A, %div3A : vector<512x2xf32>
    %swap3A = arith.constant 0 : index
    %swap3A_27 = arith.constant 0 : index
    %swap3A_28 = vector.load %arg6[%swap3A, %swap3A_27] : memref<512x2xf32, #tpu.memory_space<vmem>>, vector<512x2xf32>
    tpu.vector_store %arg6[%swap3A, %swap3A_27], %div3A_26 {strides = array<i32>} : memref<512x2xf32, #tpu.memory_space<vmem>>, vector<512x2xf32>,
    return
  }
  func.func @transform_0(%arg0: i32) -> (i32, i32) {
    %c0_i32 = arith.constant 0 : i32
    %c0_i32_0 = arith.constant 0 : i32
    return %arg0, %c0_i32 : i32, i32
  }
  func.func @transform_1(%arg0: i32) -> (i32, i32) {
    %c0_i32 = arith.constant 0 : i32
    %c0_i32_0 = arith.constant 0 : i32
    %c0_i32_1 = arith.constant 0 : i32
    return %c0_i32, %c0_i32_0 : i32, i32
  }
  func.func @transform_2(%arg0: i32) -> (i32, i32) {
    %c0_i32 = arith.constant 0 : i32
    %c0_i32_0 = arith.constant 0 : i32
    %c0_i32_1 = arith.constant 0 : i32
    return %c0_i32, %c0_i32_0 : i32, i32
  }
  func.func @transform_3(%arg0: i32) -> (i32, i32) {
    %c0_i32 = arith.constant 0 : i32
    %c0_i32_0 = arith.constant 0 : i32
    %c0_i32_1 = arith.constant 0 : i32
    return %c0_i32, %c0_i32_0 : i32, i32
  }
  func.func @transform_4(%arg0: i32) -> (i32, i32) {
    %c0_i32 = arith.constant 0 : i32
    %c0_i32_0 = arith.constant 0 : i32
    %c0_i32_1 = arith.constant 0 : i32
    return %c0_i32, %c0_i32_0 : i32, i32
  }
  func.func @transform_5(%arg0: i32) -> (i32, i32) {
    %c0_i32 = arith.constant 0 : i32
    %c0_i32_0 = arith.constant 0 : i32
    return %arg0, %c0_i32 : i32, i32
  }
}

</mosaic_0001>

<sc_bundles>
// kernel: kernel.4.cloned.1.call-start
scs
__scs_entry_jumppad:
0x0: {  	(pc) =	sbr.rel $0x88, $3  }
0x1: {  	(tag) =	ssettag $0x0;
	lr =	simm.s32 $0x1  }
0x2: {  	[smem:$0x3F9B] =	sst lr;
	_ =	strace $0xD0000000  }
0x3: {  	_ = 	snop  }
0x4: {  	_ = 	snop  }
0x5: {  	_ = 	snop  }
0x6: {  	_ = 	snop  }
0x7: {  	_ = 	snop  }
__scs_overlays_trampoline_lowered:
0x8: {  	[smem:$0x3FAA] =	sst s0  }
0x9: {  	[smem:$0x3FAB] =	sst s1  }
0xa: {  	[smem:$0x3FAC] =	sst s2  }
0xb: {  	[smem:$0x3FAD] =	sst s3  }
0xc: {  	[smem:$0x3FAE] =	sst s4  }
0xd: {  	[smem:$0x3FAF] =	sst s5  }
0xe: {  	[smem:$0x3FB0] =	sst s6  }
0xf: {  	[smem:$0x3FB1] =	sst s7  }
0x10: {  	[smem:$0x3FB2] =	sst s8  }
0x11: {  	[smem:$0x3FB3] =	sst s9;
	s0 =	simm.s32 @!p0 $0x0  }
0x12: {  	s1 =	sld [smem:$0x3F99];
	s0 =	simm.s32 @p0 $0x1  }
0x13: {  	[smem:$0x3FB4] =	sst s0;
	s0 =	simm.s32 @!p1 $0x0  }
0x14: {  	s2 =	sld [smem:$0x3F98];
	s0 =	simm.s32 @p1 $0x1  }
0x15: {  	[smem:$0x3FB5] =	sst s0;
	s0 =	simm.s32 @!p2 $0x0  }
0x16: {  	s3 =	sld [smem:$0x3FDB];
	s0 =	simm.s32 @p2 $0x1  }
0x17: {  	s4 =	simm.s32 $0x1BF5;
	[smem:$0x3FB7] =	sst s0  }
0x18: {  	s0 =	sld [smem:$0x3F9A];
	_ =	swait.ge [sflag:s4], $0x0  }
0x19: {  	s7 =	sld [smem:$0x3F9B]  }
0x1a: {  	s8 =	sadd.s32 $0xFFFFE003, lr  }
0x1b: {  	s9 =	sadd.s32 $0xFFFFFEF7, lr;
	s5 =	simm.s32 $0xFFFFFFFF;
	p2 =	slt.u32 s8, $0xFFFFF086  }
0x1c: {  	p1 =	slt.u32 s9, $0xF7A;
	s5 =	simm.s32 @!p2 $0x0  }
0x1d: {  	s5 =	simm.s32 @p1 $0x1;
	p0 =	seq.s32 s7, s2  }
0x1e: {  	s7 =	smul.u32 @!p0 $0xF7A, s2;
	p2 =	seq.s32 @!p0 s5, $0x0  }
0x1f: {  	s9 =	smul.u32 $0xF7A, s1;
	s8 =	simm.s32 @!p0 $0x1BF5;
	p2 =	por !p2, p0  }
0x20: {  	[sflag:s8] =	ssyncset.s32 @!p0 $0xFFFFF086;
	s6 =	sadd.s32 @!p0 s3, s7;
	s7 =	simm.s32 @!p0 $0x108  }
0x21: {  	s3 =	sadd.s32 s3, s9;
	s6 =	sadd.s32 @!p0 $0x88, s6;
	s7 =	simm.s32 @p2 $0x1082  }
0x22: {  	[simem:s7], [sflag:s8] =	dma.local @!p0 [hbm:s6], $0xF7A  }
0x23: {  	s9 =	sor.u32 $0xD0000000, s2;
	s6 =	simm.s32 $0x108;
	_ =	swait.ge @!p0 [sflag:s8], $0x0  }
0x24: {  	s3 =	sadd.s32 $0x88, s3;
	s6 =	simm.s32 @!p1 $0x1082;
	[sflag:s4] =	ssyncset.s32 $0xFFFFF086  }
0x25: {  	[simem:s6], [sflag:s4] =	dma.local [hbm:s3], $0xF7A  }
0x26: {  	[smem:$0x3F9B] =	sst s1;
	(tag) =	ssettag s2;
	_ =	strace s9  }
0x27: {  	s1 =	sld [smem:$0x3FAB]  }
0x28: {  	s2 =	sld [smem:$0x3FAC]  }
0x29: {  	s4 =	sld [smem:$0x3FAE]  }
0x2a: {  	p0 =	seq.s32 s5, $0x0;
	s5 =	sld [smem:$0x3FAF]  }
0x2b: {  	s6 =	sld [smem:$0x3FB0]  }
0x2c: {  	s7 =	sld [smem:$0x3FB1]  }
0x2d: {  	s3 =	simm.s32 $0x108;
	s8 =	sld [smem:$0x3FB2]  }
0x2e: {  	s3 =	simm.s32 @!p0 $0x1082;
	s9 =	sld [smem:$0x3FB3]  }
0x2f: {  	lr =	sadd.s32 s0, s3;
	s0 =	sld [smem:$0x3FAA]  }
0x30: {  	s3 =	sld [smem:$0x3FAD]  }
0x31: {  	[smem:$0x3FB6] =	sst s10  }
0x32: {  	s10 =	sld [smem:$0x3FB4];
	_ =	sdelay $0x3  }
0x33: {  	p0 =	seq.s32 s10, $0x1;
	s10 =	sld [smem:$0x3FB6];
	_ =	sdelay $0x3  }
0x34: {  	[smem:$0x3FB6] =	sst s10  }
0x35: {  	s10 =	sld [smem:$0x3FB5];
	_ =	sdelay $0x3  }
0x36: {  	p1 =	seq.s32 s10, $0x1;
	s10 =	sld [smem:$0x3FB6];
	_ =	sdelay $0x3  }
0x37: {  	[smem:$0x3FB6] =	sst s10  }
0x38: {  	s10 =	sld [smem:$0x3FB7]  }
0x39: {  	_ = 	snop;
	(pc) =	sbr.ind lr, $3  }
0x3a: {  	_ = 	snop  }
0x3b: {  	_ = 	snop  }
0x3c: {  	p2 =	seq.s32 s10, $0x1;
	s10 =	sld [smem:$0x3FB6]  }
0x3d: {  	_ =	shalt  }
0x3e: {  	_ =	shalt  }
0x3f: {  	_ =	shalt  }
0x40: {  	_ =	shalt  }
0x41: {  	_ =	shalt  }
0x42: {  	_ =	shalt  }
0x43: {  	_ =	shalt  }
0x44: {  	_ =	shalt  }
0x45: {  	_ =	shalt  }
0x46: {  	_ =	shalt  }
0x47: {  	_ =	shalt  }
0x48: {  	_ =	shalt  }
0x49: {  	_ =	shalt  }
0x4a: {  	_ =	shalt  }
0x4b: {  	_ =	shalt  }
0x4c: {  	_ =	shalt  }
0x4d: {  	_ =	shalt  }
0x4e: {  	_ =	shalt  }
0x4f: {  	_ =	shalt  }
0x50: {  	_ =	shalt  }
0x51: {  	_ =	shalt  }
0x52: {  	_ =	shalt  }
0x53: {  	_ =	shalt  }
0x54: {  	_ =	shalt  }
0x55: {  	_ =	shalt  }
0x56: {  	_ =	shalt  }
0x57: {  	_ =	shalt  }
0x58: {  	_ =	shalt  }
0x59: {  	_ =	shalt  }
0x5a: {  	_ =	shalt  }
0x5b: {  	_ =	shalt  }
0x5c: {  	_ =	shalt  }
0x5d: {  	_ =	shalt  }
0x5e: {  	_ =	shalt  }
0x5f: {  	_ =	shalt  }
0x60: {  	_ =	shalt  }
0x61: {  	_ =	shalt  }
0x62: {  	_ =	shalt  }
0x63: {  	_ =	shalt  }
0x64: {  	_ =	shalt  }
0x65: {  	_ =	shalt  }
0x66: {  	_ =	shalt  }
0x67: {  	_ =	shalt  }
0x68: {  	_ =	shalt  }
0x69: {  	_ =	shalt  }
0x6a: {  	_ =	shalt  }
0x6b: {  	_ =	shalt  }
0x6c: {  	_ =	shalt  }
0x6d: {  	_ =	shalt  }
0x6e: {  	_ =	shalt  }
0x6f: {  	_ =	shalt  }
0x70: {  	_ =	shalt  }
0x71: {  	_ =	shalt  }
0x72: {  	_ =	shalt  }
0x73: {  	_ =	shalt  }
0x74: {  	_ =	shalt  }
0x75: {  	_ =	shalt  }
0x76: {  	_ =	shalt  }
0x77: {  	_ =	shalt  }
0x78: {  	_ =	shalt  }
0x79: {  	_ =	shalt  }
0x7a: {  	_ =	shalt  }
0x7b: {  	_ =	shalt  }
0x7c: {  	_ =	shalt  }
0x7d: {  	_ =	shalt  }
0x7e: {  	_ =	shalt  }
0x7f: {  	_ =	shalt  }
0x80: {  	_ =	shalt  }
0x81: {  	_ =	shalt  }
0x82: {  	_ =	shalt  }
0x83: {  	_ =	shalt  }
0x84: {  	_ =	shalt  }
0x85: {  	_ =	shalt  }
0x86: {  	_ =	shalt  }
0x87: {  	_ =	shalt  }
.Lfunc_end0:
.L_simem_size_0:
called_computation_lowered:
.L_overlay_start_0:
0x88: {  	s2 =	sld [smem:$0x3FD9]  }
0x89: {  	s3 =	sld [smem:$0x3FFE];
	_ =	sdelay $0x1  }
0x8a: {  	s1 =	srdreg.scid  }
0x8b: {  	s0 =	sand.u32 $0x1, s1  }
0x8c: {  	s16 =	sshll.u32 s0, $0xA;
	s2 =	sadd.s32 s3, s2  }
0x8d: {  	s2 =	sadd.s32 s2, s16  }
0x8e: {  	[smem:$0x3FC2] =	sst s2  }
0x8f: {  	_ = 	snop  }
0x90: {  	(tm) =	ssettm $0x1  }
0x91: {  	s17 =	sld [smem:$0x3FFB];
	_ =	sdelay $0x3  }
0x92: {  	_ =	strace s17  }
0x93: {  	s2 =	sld [smem:$0x3FFC];
	_ =	sdelay $0x3  }
0x94: {  	_ =	strace s2  }
0x95: {  	s2 =	sld [smem:$0x3FFD];
	_ =	sdelay $0x3  }
0x96: {  	_ =	strace s2  }
0x97: {  	_ =	strace $0x8FFFFFFF  }
0x98: {  	s18 =	sld [smem:$0x3FDB];
	_ =	sdelay $0x1  }
0x99: {  	s19 =	simm.s32 $_scs_section_size  }
0x9a: {  	s4 =	simm.s32 $_size__tile_overlayer_lowered;
	s5 =	simm.s32 $_tile_overlayer_lowered  }
0x9b: {  	s22 =	simm.s32 $0x1BFF;
	s21 =	sshll.u32 s5, $0x1;
	s2 =	sadd.s32 s19, s18  }
0x9c: {  	s6 =	simm.s32 $0x0;
	s20 =	sshll.u32 s4, $0x1;
	s4 =	sadd.s32 s21, s2  }
0x9d: {  	[timem:s6], [sflag:s22] =	dma.local [hbm:s4], s20  }
0x9e: {  	_ =	swait.ge [sflag:s22], s20  }
0x9f: {  	s3 =	ssub.s32 $0x0, s20;
	[sflag:s22] =	ssyncset.done $0x0  }
0xa0: {  	[sflag:s22] =	ssyncadd.s32 s3;
	_ =	sdelay $0x1  }
0xa1: {  	s23 =	simm.s32 $0x1B8B  }
0xa2: {  	_ =	swait.ge [sflag:s23], $0x1  }
0xa3: {  	[sflag:s23] =	ssyncset.done $0x0  }
0xa4: {  	s25 =	simm.s32 $0x1B8E;
	s24 =	sld [smem:$0x3FFE];
	[sflag:s23] =	ssyncadd.s32 $0xFFFFFFFF  }
0xa5: {  	s26 =	simm.s32 $execute0_lowered;
	[smem:$0x3FD2] =	sst s25  }
0xa6: {  	s4 =	sshll.u32 s26, $0x1;
	_ =	strace $0x80000046;
	[dreg:$0x1] =	wrdreg $0xFFFFFFFF  }
0xa7: {  	s28 =	simm.s32 $_size_execute0_lowered;
	s2 =	sadd.s32 s2, s4;
	[dreg:$0x0] =	wrdreg $0x0  }
0xa8: {  	s4 =	sshll.u32 s28, $0x1;
	[dreg:$0x2] =	wrdreg s2  }
0xa9: {  	[dreg:$0x3] =	wrdreg s4  }
0xaa: {  	[dreg:$0x4] =	wrdreg $0xC0  }
0xab: {  	_ =	task [dreg:s6], $0x5FFFF  }
0xac: {  	[dreg:$0x1] =	wrdreg $0xFFFFFFFF  }
0xad: {  	[dreg:$0x0] =	wrdreg $0x60  }
0xae: {  	[dreg:$0x2] =	wrdreg s24  }
0xaf: {  	[dreg:$0x3] =	wrdreg $0x9  }
0xb0: {  	_ =	task.clear_ibuf [dreg:s6], $0x4FFFF;
	_ =	strace $0x90000046  }
0xb1: {  	s29 =	simm.s32 $0x9;
	_ =	strace $0x80000048  }
0xb2: {  	_ =	swait.ge [sflag:s29], $0x1  }
0xb3: {  	[sflag:s29] =	ssyncadd.s32 $0xFFFFFFFF  }
0xb4: {  	_ =	strace $0x90000048  }
0xb5: {  	_ =	sfence  }
0xb6: {  	s30 =	sld [smem:$0x0];
	_ =	sdelay $0x2  }
0xb7: {  	s31 =	sshll.u32 s1, $0xD;
	s1 =	sshrl.u32 s1, $0x2  }
0xb8: {  	s3 =	sand.u32 $0x4000, s31;
	s1 =	sadd.s32 s1, s30  }
0xb9: {  	s0 =	sor.u32 s3, s0;
	s1 =	sshll.u32 s1, $0x11  }
0xba: {  	s0 =	sor.u32 s1, s0  }
0xbb: {  	s0 =	sadd.s32 $0x8F2B, s0  }
0xbc: {  	[sflag:s0] =	ssyncadd.remote.s32 $0x1  }
0xbd: {  	_ =	sfence.sel $0xFFFF  }
0xbe: {  	[dreg:$0x0] =	wrdreg $0xFFFFFFFF;
	(pc) =	sbr.abs _section_cstart, $3  }
0xbf: {  	[dreg:$0x1] =	wrdreg $0xFFFFFFFF  }
0xc0: {  	_ =	task.clear_ibuf [dreg:s6], $0x2FFFF;
	_ =	strace $0x9FFFFFFF  }
0xc1: {  	(tm) =	ssettm $0x7FFFFFFF  }
tec
execute0_lowered:
.L_overlay_start_1:
0x0: {  	(tag) =	ssettag $0x1  }
0x1: {  	s1 =	srdreg.scid  }
0x2: {  	s0 =	stileid.u32;
	s4 =	rddreg [dreg:$0x0]  }
0x3: {  	s2 =	simm.s32 $0x0;
	s8 =	simm.s32 $0x1A0;
	s9 =	simm.s32 $0x6800  }
0x4: {  	s10 =	simm.s32 $0xD000;
	s11 =	simm.s32 $0x1;
	s12 =	simm.s32 $0x2  }
0x5: {  	s13 =	simm.s32 $0x13800;
	s3 =	sand.u32 $0x1, s1;
	s1 =	rddreg [dreg:$0x1]  }
0x6: {  	s14 =	simm.s32 $0x0;
	s5 =	sshll.u32 s0, $0x1;
	[smem:$0x7FF] =	sst s2  }
.Ltmp0:
0x7: {  	s5 =	sor.u32 s3, s5;
	_ =	strace $0x80000047;
	(pc) =	sbr.rel .LBB2_1-.Ltmp0, $4  }
0x8: {  	s7 =	ssub.s32 $0x2, s3;
	s6 =	smul.u32 $0xD00, s5;
	s5 =	sshll.u32 s5, $0xA  }
0x9: {  	s3 =	sadd.s32 $0xF43200, s4;
	s31 =	sshrl.u32 s7, $0x1;
	s5 =	sadd.s32 s5, s4  }
0xa: {  	s7 =	ssub.s32 s7, s31;
	s6 =	sadd.s32 s6, s4;
	s5 =	sadd.s32 $0x1AE00, s5  }
0xb: {  	v0 =	vimm.s32 $0x0;
	s4 =	sadd.s32 $0xE00, s6;
	s6 =	smax.u32 s7, $0x1;
	s7 =	simm.s32 $0x3  }
.LBB2_12:
0xc: {  	s14 =	sadd.s32 $0x1, s14  }
0xd: {  	p0 =	sne.s32 s14, s6  }
.Ltmp1:
0xe: {  	_ = 	snop;
	(pc) =	sbr.rel @!p0 .LBB2_13-.Ltmp1, $4  }
0xf: {  	[hbm4b:s5+s2] =	stream.linear.scatter [tilespmem:s13], [sflag:$0x3], $0x2000, $0x38;
	[tilespmem:$0x15800] =	vst v63  }
0x10: {  	_ =	swait.ge [sflag:s7], $0x2000  }
0x11: {  	[sflag:s7] =	ssyncset.done $0x0  }
0x12: {  	[sflag:s7] =	ssyncadd.s32 $0xFFFFE000  }
.LBB2_1:
0x13: {  	[tilespmem:s2], [sflag:$0x3] =	stream.linear.gather [hbm4b:s4+s2], $0x6800, $0x38;
	[tilespmem:$0x15800] =	vst v63  }
0x14: {  	_ =	swait.ge [sflag:s7], $0x6800  }
0x15: {  	[sflag:s7] =	ssyncset.done $0x0  }
0x16: {  	[sflag:s7] =	ssyncadd.s32 $0xFFFF9800  }
0x17: {  	[tilespmem:s9], [sflag:$0x1] =	stream.indirect.gather [hbm4b:s3+s8], $0x40, s2, s8, $0xb8;
	[tilespmem:$0x15800] =	vst v63  }
0x18: {  	s15 =	simm.s32 $0x0  }
0x19: {  	[tilespmem:s10], [sflag:$0x2] =	stream.indirect.gather [hbm4b:s3+s8], $0x40, s8, s8, $0xb8;
	[tilespmem:$0x15800] =	vst v63  }
.LBB2_2:
0x1a: {  	_ =	swait.ge [sflag:s11], $0x6800  }
0x1b: {  	[sflag:s11] =	ssyncset.done $0x0  }
0x1c: {  	s17 =	simm.s32 $0x0;
	[sflag:s11] =	ssyncadd.s32 $0xFFFF9800  }
0x1d: {  	v7 =	vld [tilespmem:s17+$0x6B80]  }
0x1e: {  	v8 =	vld [tilespmem:s17+$0x6B90]  }
0x1f: {  	v9 =	vld [tilespmem:s17+$0x6BA0]  }
0x20: {  	v10 =	vld [tilespmem:s17+$0x6BB0]  }
0x21: {  	v1 =	vld [tilespmem:s17+$0x6BC0]  }
0x22: {  	v2 =	vld [tilespmem:s17+$0x6BD0]  }
0x23: {  	v15 =	vld [tilespmem:s17+$0x6B00]  }
0x24: {  	v17 =	vld [tilespmem:s17+$0x6B10]  }
0x25: {  	v14 =	vld [tilespmem:s17+$0x6B20]  }
0x26: {  	v16 =	vld [tilespmem:s17+$0x6B30]  }
0x27: {  	v3 =	vld [tilespmem:s17+$0x6B40]  }
0x28: {  	v4 =	vld [tilespmem:s17+$0x6B50]  }
0x29: {  	v18 =	vld [tilespmem:s17+$0x6A80]  }
0x2a: {  	v19 =	vld [tilespmem:s17+$0x6A90]  }
0x2b: {  	v20 =	vld [tilespmem:s17+$0x6AA0]  }
0x2c: {  	v30 =	vld [tilespmem:s17+$0x6AB0]  }
0x2d: {  	v6 =	vld [tilespmem:s17+$0x6AC0]  }
0x2e: {  	v5 =	vld [tilespmem:s17+$0x6AD0]  }
0x2f: {  	v26 =	vld [tilespmem:s17+$0x6A00]  }
0x30: {  	v27 =	vld [tilespmem:s17+$0x6A10]  }
0x31: {  	v28 =	vld [tilespmem:s17+$0x6A20]  }
0x32: {  	v29 =	vld [tilespmem:s17+$0x6A30]  }
0x33: {  	v11 =	vld [tilespmem:s17+$0x6A40]  }
0x34: {  	v24 =	vld [tilespmem:s17+$0x6980]  }
0x35: {  	v25 =	vld [tilespmem:s17+$0x6990]  }
0x36: {  	v22 =	vld [tilespmem:s17+$0x6900]  }
0x37: {  	v23 =	vld [tilespmem:s17+$0x6910]  }
0x38: {  	v12 =	vld [tilespmem:s17+$0x6880]  }
0x39: {  	v21 =	vld [tilespmem:s17+$0x6890]  }
0x3a: {  	v31 =	vld [tilespmem:s17+$0x6800]  }
0x3b: {  	v32 =	vld [tilespmem:s17+$0x6810]  }
0x3c: {  	v33 =	vld [tilespmem:s17+$0x6820]  }
0x3d: {  	v34 =	vld [tilespmem:s17+$0x6830]  }
0x3e: {  	v35 =	vld [tilespmem:s17+$0x68A0]  }
0x3f: {  	v36 =	vld [tilespmem:s17+$0x68B0]  }
0x40: {  	v13 =	vimm.f32 $0.0e+00;
	v37 =	vld [tilespmem:s17+$0x6920]  }
0x41: {  	v38 =	vld [tilespmem:s17+$0x6930];
	v31 =	vadd.f32 v31, v13;
	v32 =	vadd.f32 v32, v13  }
0x42: {  	v39 =	vld [tilespmem:s17+$0x69A0];
	v33 =	vadd.f32 v33, v13;
	v34 =	vadd.f32 v34, v13  }
0x43: {  	v40 =	vld [tilespmem:s17+$0x69B0];
	v31 =	vadd.f32 v12, v31;
	v32 =	vadd.f32 v21, v32  }
0x44: {  	v12 =	vld [tilespmem:s17+$0x6A50];
	v33 =	vadd.f32 v35, v33;
	v34 =	vadd.f32 v36, v34  }
0x45: {  	v21 =	vld [tilespmem:s17+$0x69C0];
	v31 =	vadd.f32 v22, v31;
	v32 =	vadd.f32 v23, v32  }
0x46: {  	v22 =	vld [tilespmem:s17+$0x69D0];
	v33 =	vadd.f32 v37, v33;
	v34 =	vadd.f32 v38, v34  }
0x47: {  	v23 =	vld [tilespmem:s17+$0x6940];
	v31 =	vadd.f32 v24, v31;
	v32 =	vadd.f32 v25, v32  }
0x48: {  	v24 =	vld [tilespmem:s17+$0x6950];
	v33 =	vadd.f32 v39, v33;
	v34 =	vadd.f32 v40, v34  }
0x49: {  	v25 =	vld [tilespmem:s17+$0x68C0];
	v63 =	vadd.f32 v26, v31;
	v32 =	vadd.f32 v27, v32  }
0x4a: {  	v26 =	vld [tilespmem:s17+$0x68D0];
	v33 =	vadd.f32 v28, v33;
	v34 =	vadd.f32 v29, v34  }
0x4b: {  	v31 =	vld [tilespmem:s17+$0x6840];
	v27 =	vadd.f32 v18, v63;
	v28 =	vadd.f32 v19, v32  }
0x4c: {  	v32 =	vld [tilespmem:s17+$0x6850];
	v29 =	vadd.f32 v20, v33;
	v30 =	vadd.f32 v30, v34  }
0x4d: {  	s16 =	simm.s32 $0x1000;
	v33 =	vld [tilespmem:s17+$0x6860];
	v20 =	vimm.f32 $0.0e+00;
	v19 =	vimm.f32 $0.0e+00;
	v18 =	vimm.f32 $0.0e+00  }
.LBB2_3:
0x4e: {  	p0 =	sne.s32 s16, $0xC000;
	v34 =	vld [tilespmem:s17+$0x6870];
	v15 =	vadd.f32 v15, v27;
	v17 =	vadd.f32 v17, v28  }
0x4f: {  	v35 =	vld [tilespmem:s17+$0x68E0];
	v14 =	vadd.f32 v14, v29;
	v16 =	vadd.f32 v16, v30  }
0x50: {  	v36 =	vld [tilespmem:s17+$0x68F0];
	v27 =	vadd.f32 v7, v15;
	v28 =	vadd.f32 v8, v17  }
0x51: {  	v7 =	vld [tilespmem:s17+$0x6960];
	v29 =	vadd.f32 v9, v14;
	v30 =	vadd.f32 v10, v16  }
0x52: {  	v8 =	vadd.f32 v31, v13;
	v9 =	vadd.f32 v32, v20;
	v10 =	vld [tilespmem:s17+$0x6970]  }
0x53: {  	v13 =	vadd.f32 v33, v19;
	v14 =	vadd.f32 v34, v18;
	v15 =	vld [tilespmem:s17+$0x69E0]  }
0x54: {  	v8 =	vadd.f32 v25, v8;
	v9 =	vadd.f32 v26, v9;
	v16 =	vld [tilespmem:s17+$0x69F0]  }
0x55: {  	v13 =	vadd.f32 v35, v13;
	v14 =	vadd.f32 v36, v14;
	v17 =	vld [tilespmem:s17+$0x6A60]  }
0x56: {  	v8 =	vadd.f32 v23, v8;
	v9 =	vadd.f32 v24, v9;
	v18 =	vld [tilespmem:s17+$0x6A70]  }
0x57: {  	v7 =	vadd.f32 v7, v13;
	v10 =	vadd.f32 v10, v14;
	v13 =	vld [tilespmem:s17+$0x6AE0]  }
0x58: {  	v8 =	vadd.f32 v21, v8;
	v9 =	vadd.f32 v22, v9;
	v14 =	vld [tilespmem:s17+$0x6AF0]  }
0x59: {  	v7 =	vadd.f32 v15, v7;
	v10 =	vadd.f32 v16, v10;
	v15 =	vld [tilespmem:s17+$0x6B60]  }
0x5a: {  	v8 =	vadd.f32 v11, v8;
	v9 =	vadd.f32 v12, v9;
	v11 =	vld [tilespmem:s17+$0x6B70]  }
0x5b: {  	v12 =	vadd.f32 v17, v7;
	v10 =	vadd.f32 v18, v10;
	v16 =	vld [tilespmem:s17+$0x6BE0]  }
0x5c: {  	v6 =	vadd.f32 v6, v8;
	v5 =	vadd.f32 v5, v9;
	v17 =	vld [tilespmem:s17+$0x6BF0];
	s17 =	sshra.s32 s16, $0x2  }
0x5d: {  	v12 =	vadd.f32 v13, v12;
	v7 =	vld [tilespmem:s17+$0x6B80];
	v10 =	vadd.f32 v14, v10  }
0x5e: {  	v3 =	vadd.f32 v3, v6;
	v4 =	vadd.f32 v4, v5;
	v8 =	vld [tilespmem:s17+$0x6B90]  }
0x5f: {  	v5 =	vadd.f32 v15, v12;
	v9 =	vld [tilespmem:s17+$0x6BA0];
	v6 =	vadd.f32 v11, v10  }
0x60: {  	v13 =	vadd.f32 v1, v3;
	v20 =	vadd.f32 v2, v4;
	v10 =	vld [tilespmem:s17+$0x6BB0]  }
0x61: {  	v19 =	vadd.f32 v16, v5;
	v1 =	vld [tilespmem:s17+$0x6BC0];
	v18 =	vadd.f32 v17, v6  }
0x62: {  	v2 =	vld [tilespmem:s17+$0x6BD0]  }
0x63: {  	v15 =	vld [tilespmem:s17+$0x6B00]  }
0x64: {  	v17 =	vld [tilespmem:s17+$0x6B10]  }
0x65: {  	v14 =	vld [tilespmem:s17+$0x6B20]  }
0x66: {  	v16 =	vld [tilespmem:s17+$0x6B30]  }
0x67: {  	v3 =	vld [tilespmem:s17+$0x6B40]  }
0x68: {  	v4 =	vld [tilespmem:s17+$0x6B50]  }
0x69: {  	v33 =	vld [tilespmem:s17+$0x6A80]  }
0x6a: {  	v34 =	vld [tilespmem:s17+$0x6A90]  }
0x6b: {  	v35 =	vld [tilespmem:s17+$0x6AA0]  }
0x6c: {  	v36 =	vld [tilespmem:s17+$0x6AB0]  }
0x6d: {  	v6 =	vld [tilespmem:s17+$0x6AC0]  }
0x6e: {  	v5 =	vld [tilespmem:s17+$0x6AD0]  }
0x6f: {  	v31 =	vld [tilespmem:s17+$0x6A00]  }
0x70: {  	v32 =	vld [tilespmem:s17+$0x6A10]  }
0x71: {  	v37 =	vld [tilespmem:s17+$0x6A20]  }
0x72: {  	v38 =	vld [tilespmem:s17+$0x6A30]  }
0x73: {  	v11 =	vld [tilespmem:s17+$0x6A40]  }
0x74: {  	v12 =	vld [tilespmem:s17+$0x6A50]  }
0x75: {  	v25 =	vld [tilespmem:s17+$0x6980]  }
0x76: {  	v26 =	vld [tilespmem:s17+$0x6990]  }
0x77: {  	v22 =	vld [tilespmem:s17+$0x6900]  }
0x78: {  	v23 =	vld [tilespmem:s17+$0x6910]  }
0x79: {  	v21 =	vld [tilespmem:s17+$0x6880]  }
0x7a: {  	v24 =	vld [tilespmem:s17+$0x6890]  }
0x7b: {  	v39 =	vld [tilespmem:s17+$0x6800]  }
0x7c: {  	v40 =	vld [tilespmem:s17+$0x6810]  }
0x7d: {  	v41 =	vld [tilespmem:s17+$0x6820]  }
0x7e: {  	v42 =	vld [tilespmem:s17+$0x6830]  }
0x7f: {  	v43 =	vld [tilespmem:s17+$0x68A0]  }
0x80: {  	v44 =	vld [tilespmem:s17+$0x68B0]  }
0x81: {  	v45 =	vld [tilespmem:s17+$0x6920]  }
0x82: {  	v27 =	vadd.f32 v39, v27;
	v28 =	vadd.f32 v40, v28;
	v39 =	vld [tilespmem:s17+$0x6930]  }
0x83: {  	v29 =	vadd.f32 v41, v29;
	v30 =	vadd.f32 v42, v30;
	v40 =	vld [tilespmem:s17+$0x69A0]  }
0x84: {  	v27 =	vadd.f32 v21, v27;
	v24 =	vadd.f32 v24, v28;
	v28 =	vld [tilespmem:s17+$0x69B0]  }
0x85: {  	v29 =	vadd.f32 v43, v29;
	v30 =	vadd.f32 v44, v30;
	v21 =	vld [tilespmem:s17+$0x69C0]  }
0x86: {  	v27 =	vadd.f32 v22, v27;
	v41 =	vadd.f32 v23, v24;
	v22 =	vld [tilespmem:s17+$0x69D0]  }
0x87: {  	v29 =	vadd.f32 v45, v29;
	v30 =	vadd.f32 v39, v30;
	v23 =	vld [tilespmem:s17+$0x6940]  }
0x88: {  	v27 =	vadd.f32 v25, v27;
	v39 =	vadd.f32 v26, v41;
	v24 =	vld [tilespmem:s17+$0x6950]  }
.Ltmp2:
0x89: {  	v29 =	vadd.f32 v40, v29;
	v25 =	vld [tilespmem:s17+$0x68C0];
	v28 =	vadd.f32 v28, v30;
	(pc) =	sbr.rel @p0 .LBB2_3-.Ltmp2, $4  }
0x8a: {  	v27 =	vadd.f32 v31, v27;
	v30 =	vadd.f32 v32, v39;
	v26 =	vld [tilespmem:s17+$0x68D0]  }
0x8b: {  	v29 =	vadd.f32 v37, v29;
	v31 =	vld [tilespmem:s17+$0x6840];
	v37 =	vadd.f32 v38, v28  }
0x8c: {  	v27 =	vadd.f32 v33, v27;
	v28 =	vadd.f32 v34, v30;
	v32 =	vld [tilespmem:s17+$0x6850]  }
0x8d: {  	s16 =	sadd.s32 $0x1000, s16;
	v29 =	vadd.f32 v35, v29;
	v33 =	vld [tilespmem:s17+$0x6860];
	v30 =	vadd.f32 v36, v37  }
0x8e: {  	s16 =	smul.u32 $0xD00, s15;
	_ =	sdelay $0x1  }
0x8f: {  	s16 =	sshra.s32 s16, $0x2  }
0x90: {  	v34 =	vld [tilespmem:s16+$0x0]  }
0x91: {  	v35 =	vld [tilespmem:s16+$0x10]  }
0x92: {  	v36 =	vld [tilespmem:s16+$0x20]  }
0x93: {  	v37 =	vld [tilespmem:s16+$0x30]  }
0x94: {  	v38 =	vld [tilespmem:s16+$0x40]  }
0x95: {  	v39 =	vld [tilespmem:s16+$0x50]  }
0x96: {  	v55 =	vld [tilespmem:s16+$0x60];
	vm0 =	vne.s32 v34, $0x0;
	vm1 =	vne.s32 v35, $0x0  }
0x97: {  	v57 =	vld [tilespmem:s16+$0x70];
	vm5 =	vne.s32 v36, $0x0;
	v56 =	vsel vm0, $0x1, v0;
	v40 =	vsel vm1, $0x1, v0  }
0x98: {  	v59 =	vld [tilespmem:s16+$0x80];
	vm6 =	vne.s32 v37, $0x0;
	v58 =	vsel vm5, $0x1, v0;
	v35 =	vadd.s32 v56, v40  }
0x99: {  	v61 =	vld [tilespmem:s16+$0x90];
	vm7 =	vne.s32 v38, $0x0;
	v60 =	vsel vm6, $0x1, v0;
	v35 =	vadd.s32 v58, v35  }
0x9a: {  	v63 =	vld [tilespmem:s16+$0xA0];
	vm8 =	vne.s32 v39, $0x0;
	v62 =	vsel vm7, $0x1, v0;
	v35 =	vadd.s32 v60, v35  }
0x9b: {  	v45 =	vld [tilespmem:s16+$0xB0];
	vm9 =	vne.s32 v55, $0x0;
	v44 =	vsel vm8, $0x1, v0;
	v35 =	vadd.s32 v62, v35  }
0x9c: {  	v47 =	vld [tilespmem:s16+$0xC0];
	vm10 =	vne.s32 v57, $0x0;
	v46 =	vsel vm9, $0x1, v0;
	v35 =	vadd.s32 v44, v35  }
0x9d: {  	vm11 =	vne.s32 v59, $0x0;
	v48 =	vsel vm10, $0x1, v0;
	v35 =	vadd.s32 v46, v35  }
0x9e: {  	vm12 =	vne.s32 v61, $0x0;
	v37 =	vsel vm11, $0x1, v0;
	v35 =	vadd.s32 v48, v35  }
0x9f: {  	vm13 =	vne.s32 v63, $0x0;
	v49 =	vsel vm12, $0x1, v0;
	v35 =	vadd.s32 v37, v35  }
0xa0: {  	vm14 =	vne.s32 v45, $0x0;
	v50 =	vsel vm13, $0x1, v0;
	v35 =	vadd.s32 v49, v35  }
0xa1: {  	vm15 =	vne.s32 v47, $0x0;
	v52 =	vsel vm14, $0x1, v0;
	v51 =	vadd.s32 v50, v35  }
0xa2: {  	v53 =	vsel vm15, $0x1, v0;
	v34 =	vadd.s32 v52, v51  }
0xa3: {  	v34 =	vadd.s32 v53, v34  }
0xa4: {  	(xrf0) =	vadd.scan.msk.s32 $0xffff, v34;
	_ =	sdelay $0x5  }
0xa5: {  	v34, _, _ =	vpop (xrf0)  }
0xa6: {  	(v2sf) =	vpush v34, $0xF;
	_ =	sdelay $0x8  }
0xa7: {  	v15 =	vadd.f32 v15, v27  }
0xa8: {  	v17 =	vadd.f32 v17, v28;
	v27 =	vld [tilespmem:s17+$0x6870];
	v14 =	vadd.f32 v14, v29  }
0xa9: {  	v28 =	vld [tilespmem:s17+$0x68E0];
	v16 =	vadd.f32 v16, v30;
	v7 =	vadd.f32 v7, v15  }
0xaa: {  	v8 =	vadd.f32 v8, v17;
	v15 =	vld [tilespmem:s17+$0x68F0];
	v13 =	vadd.f32 v31, v13  }
0xab: {  	v9 =	vadd.f32 v9, v14;
	v14 =	vld [tilespmem:s17+$0x6960];
	v10 =	vadd.f32 v10, v16  }
0xac: {  	v17 =	vld [tilespmem:s17+$0x6970];
	v16 =	vadd.f32 v32, v20;
	v19 =	vadd.f32 v33, v19  }
0xad: {  	v20 =	vld [tilespmem:s17+$0x69E0];
	v13 =	vadd.f32 v25, v13;
	v18 =	vadd.f32 v27, v18;
	s18 =	spop (v2sf)  }
0xae: {  	v25 =	vld [tilespmem:s17+$0x69F0];
	v16 =	vadd.f32 v26, v16;
	v19 =	vadd.f32 v28, v19;
	p0 =	sgt.s32 s18, $0x1  }
0xaf: {  	v13 =	vadd.f32 v23, v13;
	v15 =	vadd.f32 v15, v18;
	v18 =	vld [tilespmem:s17+$0x6A60];
	s18 =	simm.s32 @!p0 $0x1  }
0xb0: {  	v23 =	vld [tilespmem:s17+$0x6A70];
	v16 =	vadd.f32 v24, v16;
	v14 =	vadd.f32 v14, v19;
	s18 =	scvt.s32.f32 s18  }
0xb1: {  	v13 =	vadd.f32 v21, v13;
	v15 =	vadd.f32 v17, v15;
	v17 =	vld [tilespmem:s17+$0x6AE0]  }
0xb2: {  	v21 =	vld [tilespmem:s17+$0x6AF0];
	v16 =	vadd.f32 v22, v16;
	v14 =	vadd.f32 v20, v14;
	v19 =	vmov s18  }
0xb3: {  	v11 =	vadd.f32 v11, v13;
	v13 =	vadd.f32 v25, v15;
	v15 =	vld [tilespmem:s17+$0x6B60];
	(erf) = vrcp.f32 v19  }
0xb4: {  	v12 =	vadd.f32 v12, v16;
	v14 =	vadd.f32 v18, v14  }
0xb5: {  	v16 =	vld [tilespmem:s17+$0x6B70];
	v6 =	vadd.f32 v6, v11;
	v11 =	vadd.f32 v23, v13  }
0xb6: {  	v13 =	vld [tilespmem:s17+$0x6BE0];
	v5 =	vadd.f32 v5, v12;
	v14 =	vadd.f32 v17, v14  }
0xb7: {  	v12 =	vld [tilespmem:s17+$0x6BF0];
	v3 =	vadd.f32 v3, v6;
	v6 =	vadd.f32 v21, v11  }
0xb8: {  	v4 =	vadd.f32 v4, v5;
	v5 =	vadd.f32 v15, v14  }
0xb9: {  	v1 =	vadd.f32 v1, v3  }
0xba: {  	v3 =	vadd.f32 v16, v6;
	v2 =	vadd.f32 v2, v4  }
0xbb: {  	v4 =	vadd.f32 v13, v5;
	v1 =	vadd.f32 v1, v7  }
0xbc: {  	v3 =	vadd.f32 v12, v3;
	v2 =	vadd.f32 v2, v8;
	v5 =	vpop (erf)  }
0xbd: {  	s31 =	sshll.u32 s15, $0x8;
	v4 =	vadd.f32 v4, v9;
	v1 =	vmul.f32 v5, v1  }
0xbe: {  	s17 =	sand.u32 $0x3FFFFF00, s31;
	v3 =	vadd.f32 v3, v10;
	v2 =	vmul.f32 v5, v2  }
0xbf: {  	[tilespmem:s17+$0x13800] =	vst v1;
	v1 =	vmul.f32 v5, v4  }
0xc0: {  	[tilespmem:s17+$0x13810] =	vst v2;
	v2 =	vmul.f32 v5, v3  }
0xc1: {  	[tilespmem:s17+$0x13820] =	vst v1  }
0xc2: {  	s18 =	simm.s32 $0x0;
	[tilespmem:s17+$0x13830] =	vst v2  }
0xc3: {  	v7 =	vld [tilespmem:s18+$0x9F80]  }
0xc4: {  	v8 =	vld [tilespmem:s18+$0x9F90]  }
0xc5: {  	v9 =	vld [tilespmem:s18+$0x9FA0]  }
0xc6: {  	v10 =	vld [tilespmem:s18+$0x9FB0]  }
0xc7: {  	v1 =	vld [tilespmem:s18+$0x9FC0]  }
0xc8: {  	v2 =	vld [tilespmem:s18+$0x9FD0]  }
0xc9: {  	v15 =	vld [tilespmem:s18+$0x9F00]  }
0xca: {  	v17 =	vld [tilespmem:s18+$0x9F10]  }
0xcb: {  	v14 =	vld [tilespmem:s18+$0x9F20]  }
0xcc: {  	v16 =	vld [tilespmem:s18+$0x9F30]  }
0xcd: {  	v3 =	vld [tilespmem:s18+$0x9F40]  }
0xce: {  	v4 =	vld [tilespmem:s18+$0x9F50]  }
0xcf: {  	v18 =	vld [tilespmem:s18+$0x9E80]  }
0xd0: {  	v19 =	vld [tilespmem:s18+$0x9E90]  }
0xd1: {  	v20 =	vld [tilespmem:s18+$0x9EA0]  }
0xd2: {  	v29 =	vld [tilespmem:s18+$0x9EB0]  }
0xd3: {  	v6 =	vld [tilespmem:s18+$0x9EC0]  }
0xd4: {  	v5 =	vld [tilespmem:s18+$0x9ED0]  }
0xd5: {  	v26 =	vld [tilespmem:s18+$0x9E00]  }
0xd6: {  	v27 =	vld [tilespmem:s18+$0x9E10]  }
0xd7: {  	v28 =	vld [tilespmem:s18+$0x9E20]  }
0xd8: {  	v31 =	vld [tilespmem:s18+$0x9E30]  }
0xd9: {  	v11 =	vld [tilespmem:s18+$0x9E40]  }
0xda: {  	v24 =	vld [tilespmem:s18+$0x9D80]  }
0xdb: {  	v25 =	vld [tilespmem:s18+$0x9D90]  }
0xdc: {  	v22 =	vld [tilespmem:s18+$0x9D00]  }
0xdd: {  	v23 =	vld [tilespmem:s18+$0x9D10]  }
0xde: {  	v12 =	vld [tilespmem:s18+$0x9C80]  }
0xdf: {  	v21 =	vld [tilespmem:s18+$0x9C90]  }
0xe0: {  	v30 =	vld [tilespmem:s18+$0x9C00]  }
0xe1: {  	v54 =	vld [tilespmem:s18+$0x9C10]  }
0xe2: {  	v55 =	vld [tilespmem:s18+$0x9C20]  }
0xe3: {  	v56 =	vld [tilespmem:s18+$0x9C30]  }
0xe4: {  	v57 =	vld [tilespmem:s18+$0x9CA0]  }
0xe5: {  	v58 =	vld [tilespmem:s18+$0x9CB0]  }
0xe6: {  	v13 =	vimm.f32 $0.0e+00;
	v59 =	vld [tilespmem:s18+$0x9D20]  }
0xe7: {  	v60 =	vld [tilespmem:s18+$0x9D30];
	v30 =	vadd.f32 v30, v13;
	v32 =	vadd.f32 v54, v13  }
0xe8: {  	v61 =	vld [tilespmem:s18+$0x9DA0];
	v33 =	vadd.f32 v55, v13;
	v34 =	vadd.f32 v56, v13  }
0xe9: {  	v62 =	vld [tilespmem:s18+$0x9DB0];
	v30 =	vadd.f32 v12, v30;
	v32 =	vadd.f32 v21, v32  }
0xea: {  	v12 =	vld [tilespmem:s18+$0x9E50];
	v33 =	vadd.f32 v57, v33;
	v34 =	vadd.f32 v58, v34  }
0xeb: {  	v21 =	vld [tilespmem:s18+$0x9DC0];
	v30 =	vadd.f32 v22, v30;
	v32 =	vadd.f32 v23, v32  }
0xec: {  	v22 =	vld [tilespmem:s18+$0x9DD0];
	v33 =	vadd.f32 v59, v33;
	v34 =	vadd.f32 v60, v34  }
0xed: {  	v23 =	vld [tilespmem:s18+$0x9D40];
	v30 =	vadd.f32 v24, v30;
	v32 =	vadd.f32 v25, v32  }
0xee: {  	v24 =	vld [tilespmem:s18+$0x9D50];
	v33 =	vadd.f32 v61, v33;
	v34 =	vadd.f32 v62, v34  }
0xef: {  	v25 =	vld [tilespmem:s18+$0x9CC0];
	v26 =	vadd.f32 v26, v30;
	v27 =	vadd.f32 v27, v32  }
0xf0: {  	v30 =	vld [tilespmem:s18+$0x9CD0];
	v28 =	vadd.f32 v28, v33;
	v63 =	vadd.f32 v31, v34  }
0xf1: {  	v31 =	vld [tilespmem:s18+$0x9C40];
	v26 =	vadd.f32 v18, v26;
	v27 =	vadd.f32 v19, v27  }
0xf2: {  	v32 =	vld [tilespmem:s18+$0x9C50];
	v28 =	vadd.f32 v20, v28;
	v29 =	vadd.f32 v29, v63  }
0xf3: {  	s19 =	simm.s32 $0x1000;
	v33 =	vld [tilespmem:s18+$0x9C60];
	v20 =	vimm.f32 $0.0e+00;
	v19 =	vimm.f32 $0.0e+00;
	v18 =	vimm.f32 $0.0e+00  }
.LBB2_5:
0xf4: {  	p0 =	sne.s32 s19, $0xC000;
	v34 =	vld [tilespmem:s18+$0x9C70];
	v15 =	vadd.f32 v15, v26;
	v17 =	vadd.f32 v17, v27  }
0xf5: {  	v35 =	vld [tilespmem:s18+$0x9CE0];
	v14 =	vadd.f32 v14, v28;
	v16 =	vadd.f32 v16, v29  }
0xf6: {  	v36 =	vld [tilespmem:s18+$0x9CF0];
	v26 =	vadd.f32 v7, v15;
	v27 =	vadd.f32 v8, v17  }
0xf7: {  	v7 =	vld [tilespmem:s18+$0x9D60];
	v28 =	vadd.f32 v9, v14;
	v29 =	vadd.f32 v10, v16  }
0xf8: {  	v8 =	vadd.f32 v31, v13;
	v9 =	vadd.f32 v32, v20;
	v10 =	vld [tilespmem:s18+$0x9D70]  }
0xf9: {  	v13 =	vadd.f32 v33, v19;
	v14 =	vadd.f32 v34, v18;
	v15 =	vld [tilespmem:s18+$0x9DE0]  }
0xfa: {  	v8 =	vadd.f32 v25, v8;
	v9 =	vadd.f32 v30, v9;
	v16 =	vld [tilespmem:s18+$0x9DF0]  }
0xfb: {  	v13 =	vadd.f32 v35, v13;
	v14 =	vadd.f32 v36, v14;
	v17 =	vld [tilespmem:s18+$0x9E60]  }
0xfc: {  	v8 =	vadd.f32 v23, v8;
	v9 =	vadd.f32 v24, v9;
	v18 =	vld [tilespmem:s18+$0x9E70]  }
0xfd: {  	v7 =	vadd.f32 v7, v13;
	v10 =	vadd.f32 v10, v14;
	v13 =	vld [tilespmem:s18+$0x9EE0]  }
0xfe: {  	v8 =	vadd.f32 v21, v8;
	v9 =	vadd.f32 v22, v9;
	v14 =	vld [tilespmem:s18+$0x9EF0]  }
0xff: {  	v7 =	vadd.f32 v15, v7;
	v10 =	vadd.f32 v16, v10;
	v15 =	vld [tilespmem:s18+$0x9F60]  }
0x100: {  	v8 =	vadd.f32 v11, v8;
	v9 =	vadd.f32 v12, v9;
	v11 =	vld [tilespmem:s18+$0x9F70]  }
0x101: {  	v12 =	vadd.f32 v17, v7;
	v10 =	vadd.f32 v18, v10;
	v16 =	vld [tilespmem:s18+$0x9FE0]  }
0x102: {  	v6 =	vadd.f32 v6, v8;
	v5 =	vadd.f32 v5, v9;
	v17 =	vld [tilespmem:s18+$0x9FF0];
	s18 =	sshra.s32 s19, $0x2  }
0x103: {  	v12 =	vadd.f32 v13, v12;
	v7 =	vld [tilespmem:s18+$0x9F80];
	v10 =	vadd.f32 v14, v10  }
0x104: {  	v3 =	vadd.f32 v3, v6;
	v4 =	vadd.f32 v4, v5;
	v8 =	vld [tilespmem:s18+$0x9F90]  }
0x105: {  	v5 =	vadd.f32 v15, v12;
	v9 =	vld [tilespmem:s18+$0x9FA0];
	v6 =	vadd.f32 v11, v10  }
0x106: {  	v13 =	vadd.f32 v1, v3;
	v20 =	vadd.f32 v2, v4;
	v10 =	vld [tilespmem:s18+$0x9FB0]  }
0x107: {  	v19 =	vadd.f32 v16, v5;
	v1 =	vld [tilespmem:s18+$0x9FC0];
	v18 =	vadd.f32 v17, v6  }
0x108: {  	v2 =	vld [tilespmem:s18+$0x9FD0]  }
0x109: {  	v15 =	vld [tilespmem:s18+$0x9F00]  }
0x10a: {  	v17 =	vld [tilespmem:s18+$0x9F10]  }
0x10b: {  	v14 =	vld [tilespmem:s18+$0x9F20]  }
0x10c: {  	v16 =	vld [tilespmem:s18+$0x9F30]  }
0x10d: {  	v3 =	vld [tilespmem:s18+$0x9F40]  }
0x10e: {  	v4 =	vld [tilespmem:s18+$0x9F50]  }
0x10f: {  	v33 =	vld [tilespmem:s18+$0x9E80]  }
0x110: {  	v34 =	vld [tilespmem:s18+$0x9E90]  }
0x111: {  	v35 =	vld [tilespmem:s18+$0x9EA0]  }
0x112: {  	v36 =	vld [tilespmem:s18+$0x9EB0]  }
0x113: {  	v6 =	vld [tilespmem:s18+$0x9EC0]  }
0x114: {  	v5 =	vld [tilespmem:s18+$0x9ED0]  }
0x115: {  	v31 =	vld [tilespmem:s18+$0x9E00]  }
0x116: {  	v32 =	vld [tilespmem:s18+$0x9E10]  }
0x117: {  	v37 =	vld [tilespmem:s18+$0x9E20]  }
0x118: {  	v38 =	vld [tilespmem:s18+$0x9E30]  }
0x119: {  	v11 =	vld [tilespmem:s18+$0x9E40]  }
0x11a: {  	v12 =	vld [tilespmem:s18+$0x9E50]  }
0x11b: {  	v25 =	vld [tilespmem:s18+$0x9D80]  }
0x11c: {  	v30 =	vld [tilespmem:s18+$0x9D90]  }
0x11d: {  	v22 =	vld [tilespmem:s18+$0x9D00]  }
0x11e: {  	v23 =	vld [tilespmem:s18+$0x9D10]  }
0x11f: {  	v21 =	vld [tilespmem:s18+$0x9C80]  }
0x120: {  	v24 =	vld [tilespmem:s18+$0x9C90]  }
0x121: {  	v39 =	vld [tilespmem:s18+$0x9C00]  }
0x122: {  	v40 =	vld [tilespmem:s18+$0x9C10]  }
0x123: {  	v41 =	vld [tilespmem:s18+$0x9C20]  }
0x124: {  	v42 =	vld [tilespmem:s18+$0x9C30]  }
0x125: {  	v43 =	vld [tilespmem:s18+$0x9CA0]  }
0x126: {  	v44 =	vld [tilespmem:s18+$0x9CB0]  }
0x127: {  	v45 =	vld [tilespmem:s18+$0x9D20]  }
0x128: {  	v26 =	vadd.f32 v39, v26;
	v27 =	vadd.f32 v40, v27;
	v39 =	vld [tilespmem:s18+$0x9D30]  }
0x129: {  	v28 =	vadd.f32 v41, v28;
	v29 =	vadd.f32 v42, v29;
	v40 =	vld [tilespmem:s18+$0x9DA0]  }
0x12a: {  	v26 =	vadd.f32 v21, v26;
	v24 =	vadd.f32 v24, v27;
	v27 =	vld [tilespmem:s18+$0x9DB0]  }
0x12b: {  	v28 =	vadd.f32 v43, v28;
	v29 =	vadd.f32 v44, v29;
	v21 =	vld [tilespmem:s18+$0x9DC0]  }
0x12c: {  	v26 =	vadd.f32 v22, v26;
	v41 =	vadd.f32 v23, v24;
	v22 =	vld [tilespmem:s18+$0x9DD0]  }
0x12d: {  	v28 =	vadd.f32 v45, v28;
	v29 =	vadd.f32 v39, v29;
	v23 =	vld [tilespmem:s18+$0x9D40]  }
0x12e: {  	v26 =	vadd.f32 v25, v26;
	v39 =	vadd.f32 v30, v41;
	v24 =	vld [tilespmem:s18+$0x9D50]  }
.Ltmp3:
0x12f: {  	v28 =	vadd.f32 v40, v28;
	v25 =	vld [tilespmem:s18+$0x9CC0];
	v27 =	vadd.f32 v27, v29;
	(pc) =	sbr.rel @p0 .LBB2_5-.Ltmp3, $4  }
0x130: {  	v26 =	vadd.f32 v31, v26;
	v29 =	vadd.f32 v32, v39;
	v30 =	vld [tilespmem:s18+$0x9CD0]  }
0x131: {  	v28 =	vadd.f32 v37, v28;
	v31 =	vld [tilespmem:s18+$0x9C40];
	v37 =	vadd.f32 v38, v27  }
0x132: {  	v26 =	vadd.f32 v33, v26;
	v27 =	vadd.f32 v34, v29;
	v32 =	vld [tilespmem:s18+$0x9C50]  }
0x133: {  	s19 =	sadd.s32 $0x1000, s19;
	v28 =	vadd.f32 v35, v28;
	v33 =	vld [tilespmem:s18+$0x9C60];
	v29 =	vadd.f32 v36, v37  }
0x134: {  	v34 =	vld [tilespmem:s16+$0xD0]  }
0x135: {  	v35 =	vld [tilespmem:s16+$0xE0]  }
0x136: {  	v36 =	vld [tilespmem:s16+$0xF0]  }
0x137: {  	v37 =	vld [tilespmem:s16+$0x100]  }
0x138: {  	v38 =	vld [tilespmem:s16+$0x110]  }
0x139: {  	v39 =	vld [tilespmem:s16+$0x120]  }
0x13a: {  	v55 =	vld [tilespmem:s16+$0x130];
	vm0 =	vne.s32 v34, $0x0;
	vm1 =	vne.s32 v35, $0x0  }
0x13b: {  	v57 =	vld [tilespmem:s16+$0x140];
	vm5 =	vne.s32 v36, $0x0;
	v56 =	vsel vm0, $0x1, v0;
	v40 =	vsel vm1, $0x1, v0  }
0x13c: {  	v59 =	vld [tilespmem:s16+$0x150];
	vm6 =	vne.s32 v37, $0x0;
	v58 =	vsel vm5, $0x1, v0;
	v35 =	vadd.s32 v56, v40  }
0x13d: {  	v61 =	vld [tilespmem:s16+$0x160];
	vm7 =	vne.s32 v38, $0x0;
	v60 =	vsel vm6, $0x1, v0;
	v35 =	vadd.s32 v58, v35  }
0x13e: {  	v63 =	vld [tilespmem:s16+$0x170];
	vm8 =	vne.s32 v39, $0x0;
	v62 =	vsel vm7, $0x1, v0;
	v35 =	vadd.s32 v60, v35  }
0x13f: {  	v45 =	vld [tilespmem:s16+$0x180];
	vm9 =	vne.s32 v55, $0x0;
	v44 =	vsel vm8, $0x1, v0;
	v35 =	vadd.s32 v62, v35  }
0x140: {  	v47 =	vld [tilespmem:s16+$0x190];
	vm10 =	vne.s32 v57, $0x0;
	v46 =	vsel vm9, $0x1, v0;
	v35 =	vadd.s32 v44, v35  }
0x141: {  	vm11 =	vne.s32 v59, $0x0;
	v48 =	vsel vm10, $0x1, v0;
	v35 =	vadd.s32 v46, v35  }
0x142: {  	vm12 =	vne.s32 v61, $0x0;
	v37 =	vsel vm11, $0x1, v0;
	v35 =	vadd.s32 v48, v35  }
0x143: {  	vm13 =	vne.s32 v63, $0x0;
	v49 =	vsel vm12, $0x1, v0;
	v35 =	vadd.s32 v37, v35  }
0x144: {  	vm14 =	vne.s32 v45, $0x0;
	v50 =	vsel vm13, $0x1, v0;
	v35 =	vadd.s32 v49, v35  }
0x145: {  	vm15 =	vne.s32 v47, $0x0;
	v52 =	vsel vm14, $0x1, v0;
	v51 =	vadd.s32 v50, v35  }
0x146: {  	v53 =	vsel vm15, $0x1, v0;
	v34 =	vadd.s32 v52, v51  }
0x147: {  	v34 =	vadd.s32 v53, v34  }
0x148: {  	(xrf0) =	vadd.scan.msk.s32 $0xffff, v34;
	_ =	sdelay $0x5  }
0x149: {  	v34, _, _ =	vpop (xrf0)  }
0x14a: {  	(v2sf) =	vpush v34, $0xF;
	_ =	sdelay $0x8  }
0x14b: {  	v15 =	vadd.f32 v15, v26  }
0x14c: {  	v17 =	vadd.f32 v17, v27;
	v26 =	vld [tilespmem:s18+$0x9C70];
	v14 =	vadd.f32 v14, v28  }
0x14d: {  	v27 =	vld [tilespmem:s18+$0x9CE0];
	v16 =	vadd.f32 v16, v29;
	v7 =	vadd.f32 v7, v15  }
0x14e: {  	v8 =	vadd.f32 v8, v17;
	v15 =	vld [tilespmem:s18+$0x9CF0];
	v13 =	vadd.f32 v31, v13  }
0x14f: {  	v9 =	vadd.f32 v9, v14;
	v14 =	vld [tilespmem:s18+$0x9D60];
	v10 =	vadd.f32 v10, v16  }
0x150: {  	v17 =	vld [tilespmem:s18+$0x9D70];
	v16 =	vadd.f32 v32, v20;
	v19 =	vadd.f32 v33, v19  }
0x151: {  	v20 =	vld [tilespmem:s18+$0x9DE0];
	v13 =	vadd.f32 v25, v13;
	v18 =	vadd.f32 v26, v18;
	s19 =	spop (v2sf)  }
0x152: {  	v25 =	vld [tilespmem:s18+$0x9DF0];
	v16 =	vadd.f32 v30, v16;
	v19 =	vadd.f32 v27, v19;
	p0 =	sgt.s32 s19, $0x1  }
0x153: {  	v13 =	vadd.f32 v23, v13;
	v15 =	vadd.f32 v15, v18;
	v18 =	vld [tilespmem:s18+$0x9E60];
	s19 =	simm.s32 @!p0 $0x1  }
0x154: {  	v23 =	vld [tilespmem:s18+$0x9E70];
	v16 =	vadd.f32 v24, v16;
	v14 =	vadd.f32 v14, v19;
	s19 =	scvt.s32.f32 s19  }
0x155: {  	v13 =	vadd.f32 v21, v13;
	v15 =	vadd.f32 v17, v15;
	v17 =	vld [tilespmem:s18+$0x9EE0]  }
0x156: {  	v21 =	vld [tilespmem:s18+$0x9EF0];
	v16 =	vadd.f32 v22, v16;
	v14 =	vadd.f32 v20, v14;
	v19 =	vmov s19  }
0x157: {  	v11 =	vadd.f32 v11, v13;
	v13 =	vadd.f32 v25, v15;
	v15 =	vld [tilespmem:s18+$0x9F60];
	(erf) = vrcp.f32 v19  }
0x158: {  	v12 =	vadd.f32 v12, v16;
	v14 =	vadd.f32 v18, v14  }
0x159: {  	v16 =	vld [tilespmem:s18+$0x9F70];
	v6 =	vadd.f32 v6, v11;
	v11 =	vadd.f32 v23, v13  }
0x15a: {  	v13 =	vld [tilespmem:s18+$0x9FE0];
	v5 =	vadd.f32 v5, v12;
	v14 =	vadd.f32 v17, v14  }
0x15b: {  	v12 =	vld [tilespmem:s18+$0x9FF0];
	v3 =	vadd.f32 v3, v6;
	v6 =	vadd.f32 v21, v11  }
0x15c: {  	v4 =	vadd.f32 v4, v5;
	v5 =	vadd.f32 v15, v14  }
0x15d: {  	v1 =	vadd.f32 v1, v3  }
0x15e: {  	v3 =	vadd.f32 v16, v6;
	v2 =	vadd.f32 v2, v4  }
0x15f: {  	v4 =	vadd.f32 v13, v5;
	v1 =	vadd.f32 v1, v7  }
0x160: {  	v3 =	vadd.f32 v12, v3;
	v2 =	vadd.f32 v2, v8;
	v5 =	vpop (erf)  }
0x161: {  	v4 =	vadd.f32 v4, v9;
	v1 =	vmul.f32 v5, v1  }
0x162: {  	v3 =	vadd.f32 v3, v10;
	v2 =	vmul.f32 v5, v2  }
0x163: {  	[tilespmem:s17+$0x13840] =	vst v1;
	v1 =	vmul.f32 v5, v4  }
0x164: {  	[tilespmem:s17+$0x13850] =	vst v2;
	v2 =	vmul.f32 v5, v3  }
0x165: {  	p0 =	seq.s32 s15, $0x1F;
	[tilespmem:s17+$0x13860] =	vst v1  }
0x166: {  	s18 =	simm.s32 @!p0 $0x1A0;
	s19 =	simm.s32 @!p0 $0x6800;
	[tilespmem:s17+$0x13870] =	vst v2;
	s17 =	sadd.s32 @!p0 $0x340, s16  }
0x167: {  	[tilespmem:s19], [sflag:$0x1] =	stream.indirect.gather @!p0 [hbm4b:s3+s18], $0x40, s17, s18, $0xb8;
	[tilespmem:$0x15800] =	vst v63  }
0x168: {  	_ =	swait.ge [sflag:s12], $0x6800  }
0x169: {  	[sflag:s12] =	ssyncset.done $0x0  }
0x16a: {  	s18 =	simm.s32 $0x0;
	[sflag:s12] =	ssyncadd.s32 $0xFFFF9800  }
0x16b: {  	v7 =	vld [tilespmem:s18+$0xD380]  }
0x16c: {  	v8 =	vld [tilespmem:s18+$0xD390]  }
0x16d: {  	v9 =	vld [tilespmem:s18+$0xD3A0]  }
0x16e: {  	v10 =	vld [tilespmem:s18+$0xD3B0]  }
0x16f: {  	v1 =	vld [tilespmem:s18+$0xD3C0]  }
0x170: {  	v2 =	vld [tilespmem:s18+$0xD3D0]  }
0x171: {  	v15 =	vld [tilespmem:s18+$0xD300]  }
0x172: {  	v17 =	vld [tilespmem:s18+$0xD310]  }
0x173: {  	v14 =	vld [tilespmem:s18+$0xD320]  }
0x174: {  	v16 =	vld [tilespmem:s18+$0xD330]  }
0x175: {  	v3 =	vld [tilespmem:s18+$0xD340]  }
0x176: {  	v4 =	vld [tilespmem:s18+$0xD350]  }
0x177: {  	v18 =	vld [tilespmem:s18+$0xD280]  }
0x178: {  	v19 =	vld [tilespmem:s18+$0xD290]  }
0x179: {  	v20 =	vld [tilespmem:s18+$0xD2A0]  }
0x17a: {  	v30 =	vld [tilespmem:s18+$0xD2B0]  }
0x17b: {  	v6 =	vld [tilespmem:s18+$0xD2C0]  }
0x17c: {  	v5 =	vld [tilespmem:s18+$0xD2D0]  }
0x17d: {  	v26 =	vld [tilespmem:s18+$0xD200]  }
0x17e: {  	v27 =	vld [tilespmem:s18+$0xD210]  }
0x17f: {  	v28 =	vld [tilespmem:s18+$0xD220]  }
0x180: {  	v29 =	vld [tilespmem:s18+$0xD230]  }
0x181: {  	v11 =	vld [tilespmem:s18+$0xD240]  }
0x182: {  	v24 =	vld [tilespmem:s18+$0xD180]  }
0x183: {  	v25 =	vld [tilespmem:s18+$0xD190]  }
0x184: {  	v22 =	vld [tilespmem:s18+$0xD100]  }
0x185: {  	v23 =	vld [tilespmem:s18+$0xD110]  }
0x186: {  	v12 =	vld [tilespmem:s18+$0xD080]  }
0x187: {  	v21 =	vld [tilespmem:s18+$0xD090]  }
0x188: {  	v31 =	vld [tilespmem:s18+$0xD000]  }
0x189: {  	v54 =	vld [tilespmem:s18+$0xD010]  }
0x18a: {  	v55 =	vld [tilespmem:s18+$0xD020]  }
0x18b: {  	v56 =	vld [tilespmem:s18+$0xD030]  }
0x18c: {  	v57 =	vld [tilespmem:s18+$0xD0A0]  }
0x18d: {  	v58 =	vld [tilespmem:s18+$0xD0B0]  }
0x18e: {  	v13 =	vimm.f32 $0.0e+00;
	v59 =	vld [tilespmem:s18+$0xD120]  }
0x18f: {  	v60 =	vld [tilespmem:s18+$0xD130];
	v31 =	vadd.f32 v31, v13;
	v32 =	vadd.f32 v54, v13  }
0x190: {  	v61 =	vld [tilespmem:s18+$0xD1A0];
	v33 =	vadd.f32 v55, v13;
	v34 =	vadd.f32 v56, v13  }
0x191: {  	v62 =	vld [tilespmem:s18+$0xD1B0];
	v31 =	vadd.f32 v12, v31;
	v32 =	vadd.f32 v21, v32  }
0x192: {  	v12 =	vld [tilespmem:s18+$0xD250];
	v33 =	vadd.f32 v57, v33;
	v34 =	vadd.f32 v58, v34  }
0x193: {  	v21 =	vld [tilespmem:s18+$0xD1C0];
	v31 =	vadd.f32 v22, v31;
	v32 =	vadd.f32 v23, v32  }
0x194: {  	v22 =	vld [tilespmem:s18+$0xD1D0];
	v33 =	vadd.f32 v59, v33;
	v34 =	vadd.f32 v60, v34  }
0x195: {  	v23 =	vld [tilespmem:s18+$0xD140];
	v31 =	vadd.f32 v24, v31;
	v32 =	vadd.f32 v25, v32  }
0x196: {  	v24 =	vld [tilespmem:s18+$0xD150];
	v33 =	vadd.f32 v61, v33;
	v34 =	vadd.f32 v62, v34  }
0x197: {  	v25 =	vld [tilespmem:s18+$0xD0C0];
	v63 =	vadd.f32 v26, v31;
	v32 =	vadd.f32 v27, v32  }
0x198: {  	v26 =	vld [tilespmem:s18+$0xD0D0];
	v33 =	vadd.f32 v28, v33;
	v34 =	vadd.f32 v29, v34  }
0x199: {  	v31 =	vld [tilespmem:s18+$0xD040];
	v27 =	vadd.f32 v18, v63;
	v28 =	vadd.f32 v19, v32  }
0x19a: {  	v32 =	vld [tilespmem:s18+$0xD050];
	v29 =	vadd.f32 v20, v33;
	v30 =	vadd.f32 v30, v34  }
0x19b: {  	s17 =	sshll.u32 s15, $0x1;
	s19 =	simm.s32 $0x1000;
	v33 =	vld [tilespmem:s18+$0xD060];
	v20 =	vimm.f32 $0.0e+00;
	v19 =	vimm.f32 $0.0e+00;
	v18 =	vimm.f32 $0.0e+00  }
.LBB2_7:
0x19c: {  	p1 =	sne.s32 s19, $0xC000;
	v34 =	vld [tilespmem:s18+$0xD070];
	v15 =	vadd.f32 v15, v27;
	v17 =	vadd.f32 v17, v28  }
0x19d: {  	v35 =	vld [tilespmem:s18+$0xD0E0];
	v14 =	vadd.f32 v14, v29;
	v16 =	vadd.f32 v16, v30  }
0x19e: {  	v36 =	vld [tilespmem:s18+$0xD0F0];
	v27 =	vadd.f32 v7, v15;
	v28 =	vadd.f32 v8, v17  }
0x19f: {  	v7 =	vld [tilespmem:s18+$0xD160];
	v29 =	vadd.f32 v9, v14;
	v30 =	vadd.f32 v10, v16  }
0x1a0: {  	v8 =	vadd.f32 v31, v13;
	v9 =	vadd.f32 v32, v20;
	v10 =	vld [tilespmem:s18+$0xD170]  }
0x1a1: {  	v13 =	vadd.f32 v33, v19;
	v14 =	vadd.f32 v34, v18;
	v15 =	vld [tilespmem:s18+$0xD1E0]  }
0x1a2: {  	v8 =	vadd.f32 v25, v8;
	v9 =	vadd.f32 v26, v9;
	v16 =	vld [tilespmem:s18+$0xD1F0]  }
0x1a3: {  	v13 =	vadd.f32 v35, v13;
	v14 =	vadd.f32 v36, v14;
	v17 =	vld [tilespmem:s18+$0xD260]  }
0x1a4: {  	v8 =	vadd.f32 v23, v8;
	v9 =	vadd.f32 v24, v9;
	v18 =	vld [tilespmem:s18+$0xD270]  }
0x1a5: {  	v7 =	vadd.f32 v7, v13;
	v10 =	vadd.f32 v10, v14;
	v13 =	vld [tilespmem:s18+$0xD2E0]  }
0x1a6: {  	v8 =	vadd.f32 v21, v8;
	v9 =	vadd.f32 v22, v9;
	v14 =	vld [tilespmem:s18+$0xD2F0]  }
0x1a7: {  	v7 =	vadd.f32 v15, v7;
	v10 =	vadd.f32 v16, v10;
	v15 =	vld [tilespmem:s18+$0xD360]  }
0x1a8: {  	v8 =	vadd.f32 v11, v8;
	v9 =	vadd.f32 v12, v9;
	v11 =	vld [tilespmem:s18+$0xD370]  }
0x1a9: {  	v12 =	vadd.f32 v17, v7;
	v10 =	vadd.f32 v18, v10;
	v16 =	vld [tilespmem:s18+$0xD3E0]  }
0x1aa: {  	v6 =	vadd.f32 v6, v8;
	v5 =	vadd.f32 v5, v9;
	v17 =	vld [tilespmem:s18+$0xD3F0];
	s18 =	sshra.s32 s19, $0x2  }
0x1ab: {  	v12 =	vadd.f32 v13, v12;
	v7 =	vld [tilespmem:s18+$0xD380];
	v10 =	vadd.f32 v14, v10  }
0x1ac: {  	v3 =	vadd.f32 v3, v6;
	v4 =	vadd.f32 v4, v5;
	v8 =	vld [tilespmem:s18+$0xD390]  }
0x1ad: {  	v5 =	vadd.f32 v15, v12;
	v9 =	vld [tilespmem:s18+$0xD3A0];
	v6 =	vadd.f32 v11, v10  }
0x1ae: {  	v13 =	vadd.f32 v1, v3;
	v20 =	vadd.f32 v2, v4;
	v10 =	vld [tilespmem:s18+$0xD3B0]  }
0x1af: {  	v19 =	vadd.f32 v16, v5;
	v1 =	vld [tilespmem:s18+$0xD3C0];
	v18 =	vadd.f32 v17, v6  }
0x1b0: {  	v2 =	vld [tilespmem:s18+$0xD3D0]  }
0x1b1: {  	v15 =	vld [tilespmem:s18+$0xD300]  }
0x1b2: {  	v17 =	vld [tilespmem:s18+$0xD310]  }
0x1b3: {  	v14 =	vld [tilespmem:s18+$0xD320]  }
0x1b4: {  	v16 =	vld [tilespmem:s18+$0xD330]  }
0x1b5: {  	v3 =	vld [tilespmem:s18+$0xD340]  }
0x1b6: {  	v4 =	vld [tilespmem:s18+$0xD350]  }
0x1b7: {  	v33 =	vld [tilespmem:s18+$0xD280]  }
0x1b8: {  	v34 =	vld [tilespmem:s18+$0xD290]  }
0x1b9: {  	v35 =	vld [tilespmem:s18+$0xD2A0]  }
0x1ba: {  	v36 =	vld [tilespmem:s18+$0xD2B0]  }
0x1bb: {  	v6 =	vld [tilespmem:s18+$0xD2C0]  }
0x1bc: {  	v5 =	vld [tilespmem:s18+$0xD2D0]  }
0x1bd: {  	v31 =	vld [tilespmem:s18+$0xD200]  }
0x1be: {  	v32 =	vld [tilespmem:s18+$0xD210]  }
0x1bf: {  	v37 =	vld [tilespmem:s18+$0xD220]  }
0x1c0: {  	v38 =	vld [tilespmem:s18+$0xD230]  }
0x1c1: {  	v11 =	vld [tilespmem:s18+$0xD240]  }
0x1c2: {  	v12 =	vld [tilespmem:s18+$0xD250]  }
0x1c3: {  	v25 =	vld [tilespmem:s18+$0xD180]  }
0x1c4: {  	v26 =	vld [tilespmem:s18+$0xD190]  }
0x1c5: {  	v22 =	vld [tilespmem:s18+$0xD100]  }
0x1c6: {  	v23 =	vld [tilespmem:s18+$0xD110]  }
0x1c7: {  	v21 =	vld [tilespmem:s18+$0xD080]  }
0x1c8: {  	v24 =	vld [tilespmem:s18+$0xD090]  }
0x1c9: {  	v39 =	vld [tilespmem:s18+$0xD000]  }
0x1ca: {  	v40 =	vld [tilespmem:s18+$0xD010]  }
0x1cb: {  	v41 =	vld [tilespmem:s18+$0xD020]  }
0x1cc: {  	v42 =	vld [tilespmem:s18+$0xD030]  }
0x1cd: {  	v43 =	vld [tilespmem:s18+$0xD0A0]  }
0x1ce: {  	v44 =	vld [tilespmem:s18+$0xD0B0]  }
0x1cf: {  	v45 =	vld [tilespmem:s18+$0xD120]  }
0x1d0: {  	v27 =	vadd.f32 v39, v27;
	v28 =	vadd.f32 v40, v28;
	v39 =	vld [tilespmem:s18+$0xD130]  }
0x1d1: {  	v29 =	vadd.f32 v41, v29;
	v30 =	vadd.f32 v42, v30;
	v40 =	vld [tilespmem:s18+$0xD1A0]  }
0x1d2: {  	v27 =	vadd.f32 v21, v27;
	v24 =	vadd.f32 v24, v28;
	v28 =	vld [tilespmem:s18+$0xD1B0]  }
0x1d3: {  	v29 =	vadd.f32 v43, v29;
	v30 =	vadd.f32 v44, v30;
	v21 =	vld [tilespmem:s18+$0xD1C0]  }
0x1d4: {  	v27 =	vadd.f32 v22, v27;
	v41 =	vadd.f32 v23, v24;
	v22 =	vld [tilespmem:s18+$0xD1D0]  }
0x1d5: {  	v29 =	vadd.f32 v45, v29;
	v30 =	vadd.f32 v39, v30;
	v23 =	vld [tilespmem:s18+$0xD140]  }
0x1d6: {  	v27 =	vadd.f32 v25, v27;
	v39 =	vadd.f32 v26, v41;
	v24 =	vld [tilespmem:s18+$0xD150]  }
.Ltmp4:
0x1d7: {  	v29 =	vadd.f32 v40, v29;
	v25 =	vld [tilespmem:s18+$0xD0C0];
	v28 =	vadd.f32 v28, v30;
	(pc) =	sbr.rel @p1 .LBB2_7-.Ltmp4, $4  }
0x1d8: {  	v27 =	vadd.f32 v31, v27;
	v30 =	vadd.f32 v32, v39;
	v26 =	vld [tilespmem:s18+$0xD0D0]  }
0x1d9: {  	v29 =	vadd.f32 v37, v29;
	v31 =	vld [tilespmem:s18+$0xD040];
	v37 =	vadd.f32 v38, v28  }
0x1da: {  	v27 =	vadd.f32 v33, v27;
	v28 =	vadd.f32 v34, v30;
	v32 =	vld [tilespmem:s18+$0xD050]  }
0x1db: {  	s19 =	sadd.s32 $0x1000, s19;
	v29 =	vadd.f32 v35, v29;
	v33 =	vld [tilespmem:s18+$0xD060];
	v30 =	vadd.f32 v36, v37  }
0x1dc: {  	s19 =	sor.u32 $0x1, s17  }
0x1dd: {  	s17 =	smul.u32 $0x680, s19;
	_ =	sdelay $0x1  }
0x1de: {  	s17 =	sshra.s32 s17, $0x2  }
0x1df: {  	v34 =	vld [tilespmem:s17+$0x0]  }
0x1e0: {  	v35 =	vld [tilespmem:s17+$0x10]  }
0x1e1: {  	v36 =	vld [tilespmem:s17+$0x20]  }
0x1e2: {  	v37 =	vld [tilespmem:s17+$0x30]  }
0x1e3: {  	v38 =	vld [tilespmem:s17+$0x40]  }
0x1e4: {  	v39 =	vld [tilespmem:s17+$0x50]  }
0x1e5: {  	v55 =	vld [tilespmem:s17+$0x60];
	vm0 =	vne.s32 v34, $0x0;
	vm1 =	vne.s32 v35, $0x0  }
0x1e6: {  	v57 =	vld [tilespmem:s17+$0x70];
	vm5 =	vne.s32 v36, $0x0;
	v56 =	vsel vm0, $0x1, v0;
	v40 =	vsel vm1, $0x1, v0  }
0x1e7: {  	v59 =	vld [tilespmem:s17+$0x80];
	vm6 =	vne.s32 v37, $0x0;
	v58 =	vsel vm5, $0x1, v0;
	v35 =	vadd.s32 v56, v40  }
0x1e8: {  	v61 =	vld [tilespmem:s17+$0x90];
	vm7 =	vne.s32 v38, $0x0;
	v60 =	vsel vm6, $0x1, v0;
	v35 =	vadd.s32 v58, v35  }
0x1e9: {  	v63 =	vld [tilespmem:s17+$0xA0];
	vm8 =	vne.s32 v39, $0x0;
	v62 =	vsel vm7, $0x1, v0;
	v35 =	vadd.s32 v60, v35  }
0x1ea: {  	v45 =	vld [tilespmem:s17+$0xB0];
	vm9 =	vne.s32 v55, $0x0;
	v44 =	vsel vm8, $0x1, v0;
	v35 =	vadd.s32 v62, v35  }
0x1eb: {  	v47 =	vld [tilespmem:s17+$0xC0];
	vm10 =	vne.s32 v57, $0x0;
	v46 =	vsel vm9, $0x1, v0;
	v35 =	vadd.s32 v44, v35  }
0x1ec: {  	vm11 =	vne.s32 v59, $0x0;
	v48 =	vsel vm10, $0x1, v0;
	v35 =	vadd.s32 v46, v35  }
0x1ed: {  	vm12 =	vne.s32 v61, $0x0;
	v37 =	vsel vm11, $0x1, v0;
	v35 =	vadd.s32 v48, v35  }
0x1ee: {  	vm13 =	vne.s32 v63, $0x0;
	v49 =	vsel vm12, $0x1, v0;
	v35 =	vadd.s32 v37, v35  }
0x1ef: {  	vm14 =	vne.s32 v45, $0x0;
	v50 =	vsel vm13, $0x1, v0;
	v35 =	vadd.s32 v49, v35  }
0x1f0: {  	vm15 =	vne.s32 v47, $0x0;
	v52 =	vsel vm14, $0x1, v0;
	v51 =	vadd.s32 v50, v35  }
0x1f1: {  	v53 =	vsel vm15, $0x1, v0;
	v34 =	vadd.s32 v52, v51  }
0x1f2: {  	v34 =	vadd.s32 v53, v34  }
0x1f3: {  	(xrf0) =	vadd.scan.msk.s32 $0xffff, v34;
	_ =	sdelay $0x5  }
0x1f4: {  	v34, _, _ =	vpop (xrf0)  }
0x1f5: {  	(v2sf) =	vpush v34, $0xF;
	_ =	sdelay $0x8  }
0x1f6: {  	v15 =	vadd.f32 v15, v27  }
0x1f7: {  	v17 =	vadd.f32 v17, v28;
	v27 =	vld [tilespmem:s18+$0xD070];
	v14 =	vadd.f32 v14, v29  }
0x1f8: {  	v28 =	vld [tilespmem:s18+$0xD0E0];
	v16 =	vadd.f32 v16, v30;
	v7 =	vadd.f32 v7, v15  }
0x1f9: {  	v8 =	vadd.f32 v8, v17;
	v15 =	vld [tilespmem:s18+$0xD0F0];
	v13 =	vadd.f32 v31, v13  }
0x1fa: {  	v9 =	vadd.f32 v9, v14;
	v14 =	vld [tilespmem:s18+$0xD160];
	v10 =	vadd.f32 v10, v16  }
0x1fb: {  	v17 =	vld [tilespmem:s18+$0xD170];
	v16 =	vadd.f32 v32, v20;
	v19 =	vadd.f32 v33, v19  }
0x1fc: {  	v20 =	vld [tilespmem:s18+$0xD1E0];
	v13 =	vadd.f32 v25, v13;
	v18 =	vadd.f32 v27, v18;
	s20 =	spop (v2sf)  }
0x1fd: {  	v25 =	vld [tilespmem:s18+$0xD1F0];
	v16 =	vadd.f32 v26, v16;
	v19 =	vadd.f32 v28, v19;
	p1 =	sgt.s32 s20, $0x1  }
0x1fe: {  	v13 =	vadd.f32 v23, v13;
	v15 =	vadd.f32 v15, v18;
	v18 =	vld [tilespmem:s18+$0xD260];
	s20 =	simm.s32 @!p1 $0x1  }
0x1ff: {  	v23 =	vld [tilespmem:s18+$0xD270];
	v16 =	vadd.f32 v24, v16;
	v14 =	vadd.f32 v14, v19;
	s20 =	scvt.s32.f32 s20  }
0x200: {  	v13 =	vadd.f32 v21, v13;
	v15 =	vadd.f32 v17, v15;
	v17 =	vld [tilespmem:s18+$0xD2E0]  }
0x201: {  	v21 =	vld [tilespmem:s18+$0xD2F0];
	v16 =	vadd.f32 v22, v16;
	v14 =	vadd.f32 v20, v14;
	v19 =	vmov s20  }
0x202: {  	v11 =	vadd.f32 v11, v13;
	v13 =	vadd.f32 v25, v15;
	v15 =	vld [tilespmem:s18+$0xD360];
	(erf) = vrcp.f32 v19  }
0x203: {  	v12 =	vadd.f32 v12, v16;
	v14 =	vadd.f32 v18, v14  }
0x204: {  	v16 =	vld [tilespmem:s18+$0xD370];
	v6 =	vadd.f32 v6, v11;
	v11 =	vadd.f32 v23, v13  }
0x205: {  	v13 =	vld [tilespmem:s18+$0xD3E0];
	v5 =	vadd.f32 v5, v12;
	v14 =	vadd.f32 v17, v14  }
0x206: {  	v12 =	vld [tilespmem:s18+$0xD3F0];
	v3 =	vadd.f32 v3, v6;
	v6 =	vadd.f32 v21, v11  }
0x207: {  	v4 =	vadd.f32 v4, v5;
	v5 =	vadd.f32 v15, v14  }
0x208: {  	v1 =	vadd.f32 v1, v3  }
0x209: {  	v3 =	vadd.f32 v16, v6;
	v2 =	vadd.f32 v2, v4  }
0x20a: {  	v4 =	vadd.f32 v13, v5;
	v1 =	vadd.f32 v1, v7  }
0x20b: {  	v3 =	vadd.f32 v12, v3;
	v2 =	vadd.f32 v2, v8;
	v5 =	vpop (erf)  }
0x20c: {  	s31 =	sshll.u32 s19, $0x7;
	v4 =	vadd.f32 v4, v9;
	v1 =	vmul.f32 v5, v1  }
0x20d: {  	s18 =	sand.u32 $0x3FFFFF80, s31;
	v3 =	vadd.f32 v3, v10;
	v2 =	vmul.f32 v5, v2  }
0x20e: {  	[tilespmem:s18+$0x13800] =	vst v1;
	v1 =	vmul.f32 v5, v4  }
0x20f: {  	[tilespmem:s18+$0x13810] =	vst v2;
	v2 =	vmul.f32 v5, v3  }
0x210: {  	[tilespmem:s18+$0x13820] =	vst v1  }
0x211: {  	s19 =	simm.s32 $0x0;
	[tilespmem:s18+$0x13830] =	vst v2  }
0x212: {  	v7 =	vld [tilespmem:s19+$0x10780]  }
0x213: {  	v8 =	vld [tilespmem:s19+$0x10790]  }
0x214: {  	v9 =	vld [tilespmem:s19+$0x107A0]  }
0x215: {  	v10 =	vld [tilespmem:s19+$0x107B0]  }
0x216: {  	v1 =	vld [tilespmem:s19+$0x107C0]  }
0x217: {  	v2 =	vld [tilespmem:s19+$0x107D0]  }
0x218: {  	v15 =	vld [tilespmem:s19+$0x10700]  }
0x219: {  	v17 =	vld [tilespmem:s19+$0x10710]  }
0x21a: {  	v14 =	vld [tilespmem:s19+$0x10720]  }
0x21b: {  	v16 =	vld [tilespmem:s19+$0x10730]  }
0x21c: {  	v3 =	vld [tilespmem:s19+$0x10740]  }
0x21d: {  	v4 =	vld [tilespmem:s19+$0x10750]  }
0x21e: {  	v18 =	vld [tilespmem:s19+$0x10680]  }
0x21f: {  	v19 =	vld [tilespmem:s19+$0x10690]  }
0x220: {  	v20 =	vld [tilespmem:s19+$0x106A0]  }
0x221: {  	v29 =	vld [tilespmem:s19+$0x106B0]  }
0x222: {  	v6 =	vld [tilespmem:s19+$0x106C0]  }
0x223: {  	v5 =	vld [tilespmem:s19+$0x106D0]  }
0x224: {  	v26 =	vld [tilespmem:s19+$0x10600]  }
0x225: {  	v27 =	vld [tilespmem:s19+$0x10610]  }
0x226: {  	v28 =	vld [tilespmem:s19+$0x10620]  }
0x227: {  	v31 =	vld [tilespmem:s19+$0x10630]  }
0x228: {  	v11 =	vld [tilespmem:s19+$0x10640]  }
0x229: {  	v24 =	vld [tilespmem:s19+$0x10580]  }
0x22a: {  	v25 =	vld [tilespmem:s19+$0x10590]  }
0x22b: {  	v22 =	vld [tilespmem:s19+$0x10500]  }
0x22c: {  	v23 =	vld [tilespmem:s19+$0x10510]  }
0x22d: {  	v12 =	vld [tilespmem:s19+$0x10480]  }
0x22e: {  	v21 =	vld [tilespmem:s19+$0x10490]  }
0x22f: {  	v30 =	vld [tilespmem:s19+$0x10400]  }
0x230: {  	v54 =	vld [tilespmem:s19+$0x10410]  }
0x231: {  	v55 =	vld [tilespmem:s19+$0x10420]  }
0x232: {  	v56 =	vld [tilespmem:s19+$0x10430]  }
0x233: {  	v57 =	vld [tilespmem:s19+$0x104A0]  }
0x234: {  	v58 =	vld [tilespmem:s19+$0x104B0]  }
0x235: {  	v13 =	vimm.f32 $0.0e+00;
	v59 =	vld [tilespmem:s19+$0x10520]  }
0x236: {  	v60 =	vld [tilespmem:s19+$0x10530];
	v30 =	vadd.f32 v30, v13;
	v32 =	vadd.f32 v54, v13  }
0x237: {  	v61 =	vld [tilespmem:s19+$0x105A0];
	v33 =	vadd.f32 v55, v13;
	v34 =	vadd.f32 v56, v13  }
0x238: {  	v62 =	vld [tilespmem:s19+$0x105B0];
	v30 =	vadd.f32 v12, v30;
	v32 =	vadd.f32 v21, v32  }
0x239: {  	v12 =	vld [tilespmem:s19+$0x10650];
	v33 =	vadd.f32 v57, v33;
	v34 =	vadd.f32 v58, v34  }
0x23a: {  	v21 =	vld [tilespmem:s19+$0x105C0];
	v30 =	vadd.f32 v22, v30;
	v32 =	vadd.f32 v23, v32  }
0x23b: {  	v22 =	vld [tilespmem:s19+$0x105D0];
	v33 =	vadd.f32 v59, v33;
	v34 =	vadd.f32 v60, v34  }
0x23c: {  	v23 =	vld [tilespmem:s19+$0x10540];
	v30 =	vadd.f32 v24, v30;
	v32 =	vadd.f32 v25, v32  }
0x23d: {  	v24 =	vld [tilespmem:s19+$0x10550];
	v33 =	vadd.f32 v61, v33;
	v34 =	vadd.f32 v62, v34  }
0x23e: {  	v25 =	vld [tilespmem:s19+$0x104C0];
	v26 =	vadd.f32 v26, v30;
	v27 =	vadd.f32 v27, v32  }
0x23f: {  	v30 =	vld [tilespmem:s19+$0x104D0];
	v28 =	vadd.f32 v28, v33;
	v63 =	vadd.f32 v31, v34  }
0x240: {  	v31 =	vld [tilespmem:s19+$0x10440];
	v26 =	vadd.f32 v18, v26;
	v27 =	vadd.f32 v19, v27  }
0x241: {  	v32 =	vld [tilespmem:s19+$0x10450];
	v28 =	vadd.f32 v20, v28;
	v29 =	vadd.f32 v29, v63  }
0x242: {  	s20 =	simm.s32 $0x1000;
	v33 =	vld [tilespmem:s19+$0x10460];
	v20 =	vimm.f32 $0.0e+00;
	v19 =	vimm.f32 $0.0e+00;
	v18 =	vimm.f32 $0.0e+00  }
.LBB2_9:
0x243: {  	p1 =	sne.s32 s20, $0xC000;
	v34 =	vld [tilespmem:s19+$0x10470];
	v15 =	vadd.f32 v15, v26;
	v17 =	vadd.f32 v17, v27  }
0x244: {  	v35 =	vld [tilespmem:s19+$0x104E0];
	v14 =	vadd.f32 v14, v28;
	v16 =	vadd.f32 v16, v29  }
0x245: {  	v36 =	vld [tilespmem:s19+$0x104F0];
	v26 =	vadd.f32 v7, v15;
	v27 =	vadd.f32 v8, v17  }
0x246: {  	v7 =	vld [tilespmem:s19+$0x10560];
	v28 =	vadd.f32 v9, v14;
	v29 =	vadd.f32 v10, v16  }
0x247: {  	v8 =	vadd.f32 v31, v13;
	v9 =	vadd.f32 v32, v20;
	v10 =	vld [tilespmem:s19+$0x10570]  }
0x248: {  	v13 =	vadd.f32 v33, v19;
	v14 =	vadd.f32 v34, v18;
	v15 =	vld [tilespmem:s19+$0x105E0]  }
0x249: {  	v8 =	vadd.f32 v25, v8;
	v9 =	vadd.f32 v30, v9;
	v16 =	vld [tilespmem:s19+$0x105F0]  }
0x24a: {  	v13 =	vadd.f32 v35, v13;
	v14 =	vadd.f32 v36, v14;
	v17 =	vld [tilespmem:s19+$0x10660]  }
0x24b: {  	v8 =	vadd.f32 v23, v8;
	v9 =	vadd.f32 v24, v9;
	v18 =	vld [tilespmem:s19+$0x10670]  }
0x24c: {  	v7 =	vadd.f32 v7, v13;
	v10 =	vadd.f32 v10, v14;
	v13 =	vld [tilespmem:s19+$0x106E0]  }
0x24d: {  	v8 =	vadd.f32 v21, v8;
	v9 =	vadd.f32 v22, v9;
	v14 =	vld [tilespmem:s19+$0x106F0]  }
0x24e: {  	v7 =	vadd.f32 v15, v7;
	v10 =	vadd.f32 v16, v10;
	v15 =	vld [tilespmem:s19+$0x10760]  }
0x24f: {  	v8 =	vadd.f32 v11, v8;
	v9 =	vadd.f32 v12, v9;
	v11 =	vld [tilespmem:s19+$0x10770]  }
0x250: {  	v12 =	vadd.f32 v17, v7;
	v10 =	vadd.f32 v18, v10;
	v16 =	vld [tilespmem:s19+$0x107E0]  }
0x251: {  	v6 =	vadd.f32 v6, v8;
	v5 =	vadd.f32 v5, v9;
	v17 =	vld [tilespmem:s19+$0x107F0];
	s19 =	sshra.s32 s20, $0x2  }
0x252: {  	v12 =	vadd.f32 v13, v12;
	v7 =	vld [tilespmem:s19+$0x10780];
	v10 =	vadd.f32 v14, v10  }
0x253: {  	v3 =	vadd.f32 v3, v6;
	v4 =	vadd.f32 v4, v5;
	v8 =	vld [tilespmem:s19+$0x10790]  }
0x254: {  	v5 =	vadd.f32 v15, v12;
	v9 =	vld [tilespmem:s19+$0x107A0];
	v6 =	vadd.f32 v11, v10  }
0x255: {  	v13 =	vadd.f32 v1, v3;
	v20 =	vadd.f32 v2, v4;
	v10 =	vld [tilespmem:s19+$0x107B0]  }
0x256: {  	v19 =	vadd.f32 v16, v5;
	v1 =	vld [tilespmem:s19+$0x107C0];
	v18 =	vadd.f32 v17, v6  }
0x257: {  	v2 =	vld [tilespmem:s19+$0x107D0]  }
0x258: {  	v15 =	vld [tilespmem:s19+$0x10700]  }
0x259: {  	v17 =	vld [tilespmem:s19+$0x10710]  }
0x25a: {  	v14 =	vld [tilespmem:s19+$0x10720]  }
0x25b: {  	v16 =	vld [tilespmem:s19+$0x10730]  }
0x25c: {  	v3 =	vld [tilespmem:s19+$0x10740]  }
0x25d: {  	v4 =	vld [tilespmem:s19+$0x10750]  }
0x25e: {  	v33 =	vld [tilespmem:s19+$0x10680]  }
0x25f: {  	v34 =	vld [tilespmem:s19+$0x10690]  }
0x260: {  	v35 =	vld [tilespmem:s19+$0x106A0]  }
0x261: {  	v36 =	vld [tilespmem:s19+$0x106B0]  }
0x262: {  	v6 =	vld [tilespmem:s19+$0x106C0]  }
0x263: {  	v5 =	vld [tilespmem:s19+$0x106D0]  }
0x264: {  	v31 =	vld [tilespmem:s19+$0x10600]  }
0x265: {  	v32 =	vld [tilespmem:s19+$0x10610]  }
0x266: {  	v37 =	vld [tilespmem:s19+$0x10620]  }
0x267: {  	v38 =	vld [tilespmem:s19+$0x10630]  }
0x268: {  	v11 =	vld [tilespmem:s19+$0x10640]  }
0x269: {  	v12 =	vld [tilespmem:s19+$0x10650]  }
0x26a: {  	v25 =	vld [tilespmem:s19+$0x10580]  }
0x26b: {  	v30 =	vld [tilespmem:s19+$0x10590]  }
0x26c: {  	v22 =	vld [tilespmem:s19+$0x10500]  }
0x26d: {  	v23 =	vld [tilespmem:s19+$0x10510]  }
0x26e: {  	v21 =	vld [tilespmem:s19+$0x10480]  }
0x26f: {  	v24 =	vld [tilespmem:s19+$0x10490]  }
0x270: {  	v39 =	vld [tilespmem:s19+$0x10400]  }
0x271: {  	v40 =	vld [tilespmem:s19+$0x10410]  }
0x272: {  	v41 =	vld [tilespmem:s19+$0x10420]  }
0x273: {  	v42 =	vld [tilespmem:s19+$0x10430]  }
0x274: {  	v43 =	vld [tilespmem:s19+$0x104A0]  }
0x275: {  	v44 =	vld [tilespmem:s19+$0x104B0]  }
0x276: {  	v45 =	vld [tilespmem:s19+$0x10520]  }
0x277: {  	v26 =	vadd.f32 v39, v26;
	v27 =	vadd.f32 v40, v27;
	v39 =	vld [tilespmem:s19+$0x10530]  }
0x278: {  	v28 =	vadd.f32 v41, v28;
	v29 =	vadd.f32 v42, v29;
	v40 =	vld [tilespmem:s19+$0x105A0]  }
0x279: {  	v26 =	vadd.f32 v21, v26;
	v24 =	vadd.f32 v24, v27;
	v27 =	vld [tilespmem:s19+$0x105B0]  }
0x27a: {  	v28 =	vadd.f32 v43, v28;
	v29 =	vadd.f32 v44, v29;
	v21 =	vld [tilespmem:s19+$0x105C0]  }
0x27b: {  	v26 =	vadd.f32 v22, v26;
	v41 =	vadd.f32 v23, v24;
	v22 =	vld [tilespmem:s19+$0x105D0]  }
0x27c: {  	v28 =	vadd.f32 v45, v28;
	v29 =	vadd.f32 v39, v29;
	v23 =	vld [tilespmem:s19+$0x10540]  }
0x27d: {  	v26 =	vadd.f32 v25, v26;
	v39 =	vadd.f32 v30, v41;
	v24 =	vld [tilespmem:s19+$0x10550]  }
.Ltmp5:
0x27e: {  	v28 =	vadd.f32 v40, v28;
	v25 =	vld [tilespmem:s19+$0x104C0];
	v27 =	vadd.f32 v27, v29;
	(pc) =	sbr.rel @p1 .LBB2_9-.Ltmp5, $4  }
0x27f: {  	v26 =	vadd.f32 v31, v26;
	v29 =	vadd.f32 v32, v39;
	v30 =	vld [tilespmem:s19+$0x104D0]  }
0x280: {  	v28 =	vadd.f32 v37, v28;
	v31 =	vld [tilespmem:s19+$0x10440];
	v37 =	vadd.f32 v38, v27  }
0x281: {  	v26 =	vadd.f32 v33, v26;
	v27 =	vadd.f32 v34, v29;
	v32 =	vld [tilespmem:s19+$0x10450]  }
0x282: {  	s20 =	sadd.s32 $0x1000, s20;
	v28 =	vadd.f32 v35, v28;
	v33 =	vld [tilespmem:s19+$0x10460];
	v29 =	vadd.f32 v36, v37  }
0x283: {  	v34 =	vld [tilespmem:s17+$0xD0]  }
0x284: {  	v35 =	vld [tilespmem:s17+$0xE0]  }
0x285: {  	v36 =	vld [tilespmem:s17+$0xF0]  }
0x286: {  	v37 =	vld [tilespmem:s17+$0x100]  }
0x287: {  	v38 =	vld [tilespmem:s17+$0x110]  }
0x288: {  	v39 =	vld [tilespmem:s17+$0x120]  }
0x289: {  	v48 =	vld [tilespmem:s17+$0x130];
	vm0 =	vne.s32 v34, $0x0;
	vm1 =	vne.s32 v35, $0x0  }
0x28a: {  	v50 =	vld [tilespmem:s17+$0x140];
	vm5 =	vne.s32 v36, $0x0;
	v49 =	vsel vm0, $0x1, v0;
	v40 =	vsel vm1, $0x1, v0  }
0x28b: {  	v52 =	vld [tilespmem:s17+$0x150];
	vm6 =	vne.s32 v37, $0x0;
	v51 =	vsel vm5, $0x1, v0;
	v35 =	vadd.s32 v49, v40  }
0x28c: {  	v54 =	vld [tilespmem:s17+$0x160];
	vm7 =	vne.s32 v38, $0x0;
	v53 =	vsel vm6, $0x1, v0;
	v35 =	vadd.s32 v51, v35  }
0x28d: {  	v56 =	vld [tilespmem:s17+$0x170];
	vm8 =	vne.s32 v39, $0x0;
	v55 =	vsel vm7, $0x1, v0;
	v35 =	vadd.s32 v53, v35  }
0x28e: {  	v58 =	vld [tilespmem:s17+$0x180];
	vm9 =	vne.s32 v48, $0x0;
	v57 =	vsel vm8, $0x1, v0;
	v35 =	vadd.s32 v55, v35  }
0x28f: {  	v60 =	vld [tilespmem:s17+$0x190];
	vm10 =	vne.s32 v50, $0x0;
	v59 =	vsel vm9, $0x1, v0;
	v35 =	vadd.s32 v57, v35  }
0x290: {  	vm11 =	vne.s32 v52, $0x0;
	v61 =	vsel vm10, $0x1, v0;
	v35 =	vadd.s32 v59, v35  }
0x291: {  	vm12 =	vne.s32 v54, $0x0;
	v37 =	vsel vm11, $0x1, v0;
	v35 =	vadd.s32 v61, v35  }
0x292: {  	vm13 =	vne.s32 v56, $0x0;
	v62 =	vsel vm12, $0x1, v0;
	v35 =	vadd.s32 v37, v35  }
0x293: {  	vm14 =	vne.s32 v58, $0x0;
	v63 =	vsel vm13, $0x1, v0;
	v35 =	vadd.s32 v62, v35  }
0x294: {  	vm15 =	vne.s32 v60, $0x0;
	v39 =	vsel vm14, $0x1, v0;
	v38 =	vadd.s32 v63, v35  }
0x295: {  	v40 =	vsel vm15, $0x1, v0;
	v34 =	vadd.s32 v39, v38  }
0x296: {  	v34 =	vadd.s32 v40, v34  }
0x297: {  	(xrf0) =	vadd.scan.msk.s32 $0xffff, v34;
	_ =	sdelay $0x5  }
0x298: {  	v34, _, _ =	vpop (xrf0)  }
0x299: {  	(v2sf) =	vpush v34, $0xF;
	_ =	sdelay $0x9  }
0x29a: {  	v15 =	vadd.f32 v15, v26;
	v17 =	vadd.f32 v17, v27  }
0x29b: {  	v41 =	vld [tilespmem:s19+$0x10470];
	v14 =	vadd.f32 v14, v28;
	v16 =	vadd.f32 v16, v29  }
0x29c: {  	v42 =	vld [tilespmem:s19+$0x104E0];
	v7 =	vadd.f32 v7, v15;
	v8 =	vadd.f32 v8, v17  }
0x29d: {  	v43 =	vld [tilespmem:s19+$0x104F0];
	v13 =	vadd.f32 v31, v13;
	v9 =	vadd.f32 v9, v14  }
0x29e: {  	v44 =	vld [tilespmem:s19+$0x10560];
	v10 =	vadd.f32 v10, v16;
	v45 =	vadd.f32 v32, v20  }
0x29f: {  	v46 =	vld [tilespmem:s19+$0x10570];
	v19 =	vadd.f32 v33, v19;
	v13 =	vadd.f32 v25, v13;
	s17 =	spop (v2sf)  }
0x2a0: {  	v47 =	vld [tilespmem:s19+$0x105E0];
	v18 =	vadd.f32 v41, v18;
	v16 =	vadd.f32 v30, v45;
	p1 =	sgt.s32 s17, $0x1  }
0x2a1: {  	v48 =	vld [tilespmem:s19+$0x105F0];
	v19 =	vadd.f32 v42, v19;
	v13 =	vadd.f32 v23, v13;
	s17 =	simm.s32 @!p1 $0x1  }
0x2a2: {  	v15 =	vadd.f32 v43, v18;
	v49 =	vld [tilespmem:s19+$0x10660];
	v16 =	vadd.f32 v24, v16;
	s17 =	scvt.s32.f32 s17  }
0x2a3: {  	v50 =	vld [tilespmem:s19+$0x10670];
	v14 =	vadd.f32 v44, v19;
	v13 =	vadd.f32 v21, v13  }
0x2a4: {  	v51 =	vld [tilespmem:s19+$0x106E0];
	v15 =	vadd.f32 v46, v15;
	v16 =	vadd.f32 v22, v16;
	v52 =	vmov s17  }
0x2a5: {  	v53 =	vld [tilespmem:s19+$0x106F0];
	v14 =	vadd.f32 v47, v14;
	v11 =	vadd.f32 v11, v13;
	(erf) = vrcp.f32 v52  }
0x2a6: {  	v55 =	vld [tilespmem:s19+$0x10760];
	v54 =	vadd.f32 v48, v15;
	v12 =	vadd.f32 v12, v16  }
0x2a7: {  	v56 =	vld [tilespmem:s19+$0x10770];
	v14 =	vadd.f32 v49, v14;
	v6 =	vadd.f32 v6, v11  }
0x2a8: {  	v58 =	vld [tilespmem:s19+$0x107E0];
	v57 =	vadd.f32 v50, v54;
	v5 =	vadd.f32 v5, v12  }
0x2a9: {  	v59 =	vld [tilespmem:s19+$0x107F0];
	v14 =	vadd.f32 v51, v14;
	v3 =	vadd.f32 v3, v6  }
0x2aa: {  	v60 =	vadd.f32 v53, v57;
	v4 =	vadd.f32 v4, v5  }
0x2ab: {  	v61 =	vadd.f32 v55, v14;
	v1 =	vadd.f32 v1, v3  }
0x2ac: {  	v3 =	vadd.f32 v56, v60;
	v2 =	vadd.f32 v2, v4  }
0x2ad: {  	v62 =	vadd.f32 v58, v61;
	v1 =	vadd.f32 v1, v7  }
0x2ae: {  	v3 =	vadd.f32 v59, v3;
	v2 =	vadd.f32 v2, v8;
	v63 =	vpop (erf)  }
0x2af: {  	v4 =	vadd.f32 v62, v9;
	v1 =	vmul.f32 v63, v1  }
.Ltmp6:
0x2b0: {  	v3 =	vadd.f32 v3, v10;
	v2 =	vmul.f32 v63, v2;
	(pc) =	sbr.rel @p0 .LBB2_12-.Ltmp6, $4  }
0x2b1: {  	[tilespmem:s18+$0x13840] =	vst v1;
	v1 =	vmul.f32 v63, v4  }
0x2b2: {  	[tilespmem:s18+$0x13850] =	vst v2;
	v2 =	vmul.f32 v63, v3  }
0x2b3: {  	[tilespmem:s18+$0x13860] =	vst v1  }
0x2b4: {  	[tilespmem:s18+$0x13870] =	vst v2  }
.Ltmp7:
0x2b5: {  	(pc) =	sbr.rel .LBB2_2-.Ltmp7, $3  }
0x2b6: {  	_ =	sdelay $0x1  }
0x2b7: {  	s16 =	sadd.s32 $0x4E0, s16;
	s15 =	sadd.s32 $0x1, s15  }
0x2b8: {  	[tilespmem:s10], [sflag:$0x2] =	stream.indirect.gather [hbm4b:s3+s8], $0x40, s16, s8, $0xb8;
	[tilespmem:$0x15800] =	vst v63  }
.LBB2_13:
0x2b9: {  	_ =	sfence.sel $0x180000  }
0x2ba: {  	[bflag:$0x0] =	sbarrier.arrive $0xFFFF  }
0x2bb: {  	p0 =	sne.s32 s0, $0x0;
	_ =	strace $0x90000047  }
0x2bc: {  	s0 =	sadd.s32 @!p0 $0x100000, s1;
	[bflag:$0x2] =	sbarrier.arrive $0xFFFF  }
0x2bd: {  	[sflag:s0] =	ssyncadd.tile.s32 @!p0 $0x1;
	_ =	shalt  }
.Lfunc_end2:
_tile_overlayer_lowered:
.L_overlay_start_2:
0x2be: {  	(tag) =	ssettag $0x2  }
0x2bf: {  	s0 =	rddreg [dreg:$0x0];
	s2 =	stileid.u32  }
0x2c0: {  	s1 =	rddreg [dreg:$0x1];
	p0 =	sne.s32 s2, $0x0  }
0x2c1: {  	s3 =	rddreg [dreg:$0x2];
	[bflag:$0x3] =	sbarrier.arrive $0xFFFF;
	s2 =	simm.s32 @!p0 $0x1C03  }
0x2c2: {  	[timem:s3], [sflag:s2] =	dma.local @!p0 [hbm:s0], s1  }
0x2c3: {  	s0 =	simm.s32 @!p0 $0x3  }
0x2c4: {  	_ =	swait.ge @!p0 [sflag:s0], s1  }
0x2c5: {  	s1 =	ssub.s32 @!p0 $0x0, s1;
	[sflag:s0] =	ssyncset.done @!p0 $0x0  }
0x2c6: {  	[sflag:s0] =	ssyncadd.s32 @!p0 s1  }
0x2c7: {  	[bflag:$0x3] =	sbarrier.arrive $0xFFFF  }
0x2c8: {  	_ =	shalt  }

</sc_bundles>
